<compile_context>
chip_gen: v7x
topology: tpu7x:2x2x1
jax: 0.10.2.dev20260603
libtpu: 0.0.44.dev20260713+nightly
codegen_flags: <defaults>
</compile_context>

<pallas_src>
import functools

import jax
import jax.numpy as jnp
from jax import lax
from jax.experimental import pallas as pl
from jax.experimental.pallas import tpu as pltpu
from jax.experimental.pallas import tpu_sc as plsc

_LANE = 128
_D = 64
_RING = 4


def _encoder_gather(src_idx, p_idx, tab, n_pitch):
    nw, g_per_w = src_idx.shape[0], src_idx.shape[1]
    n_groups = nw * g_per_w
    n_word = tab.shape[0] - n_pitch
    info = plsc.get_sparse_core_info()
    mesh = plsc.VectorSubcoreMesh(core_axis_name="c", subcore_axis_name="s")

    @functools.partial(
        pl.kernel,
        mesh=mesh,
        out_type=jax.ShapeDtypeStruct((n_groups * _LANE, 2 * _D), jnp.float32),
        scratch_types=[
            pltpu.VMEM((g_per_w, _LANE), jnp.int32),
            pltpu.VMEM((g_per_w, _LANE), jnp.int32),
            pltpu.VMEM((_RING, _LANE, 2 * _D), jnp.float32),
            pltpu.VMEM((2, _LANE, 2 * _D), jnp.float32),
            pltpu.VMEM_SHARED((n_pitch, 2 * _D), jnp.float32),
            pltpu.SemaphoreType.DMA((_RING,)),
            pltpu.SemaphoreType.DMA((2,)),
            pltpu.SemaphoreType.DMA((_RING,)),
        ],
    )
    def k(widx_hbm, pidx_hbm, tab_hbm, out_hbm,
          widx_v, pidx_v, wbuf_v, gp_v, ptab_s, sem_w, sem_p, sem_o):
        wid = lax.axis_index("s") * info.num_cores + lax.axis_index("c")
        g0 = wid * g_per_w

        @pl.when(lax.axis_index("s") == 0)
        def _stage():
            pltpu.sync_copy(tab_hbm.at[pl.ds(n_word, n_pitch)], ptab_s)

        pltpu.sync_copy(widx_hbm.at[wid], widx_v)
        pltpu.sync_copy(pidx_hbm.at[wid], pidx_v)
        plsc.subcore_barrier()

        def fire_p(j, b2):
            pltpu.async_copy(ptab_s.at[pidx_v.at[j]], gp_v.at[b2],
                             sem_p.at[b2])

        def fire_w(j, b):
            pltpu.async_copy(tab_hbm.at[widx_v.at[j]], wbuf_v.at[b],
                             sem_w.at[b])

        def out_slice(j):
            return out_hbm.at[pl.ds((g0 + j) * _LANE, _LANE)]

        def wait(sem, b, j):
            pltpu.make_async_copy(wbuf_v.at[b], out_slice(j), sem.at[b]).wait()

        fire_w(0, 0)
        fire_w(1, 1)
        fire_p(0, 0)

        def step(j, b, b2):
            bp = (b + 2) % _RING

            @pl.when(j + 2 < g_per_w)
            def _fire_word():
                @pl.when(j >= _RING - 2)
                def _drain_old_write():
                    wait(sem_o, bp, j)
                fire_w(j + 2, bp)

            @pl.when(j + 1 < g_per_w)
            def _fire_pitch():
                fire_p(j + 1, 1 - b2)

            wait(sem_w, b, j)
            wait(sem_p, b2, j)

            def patch(r4, c2):
                for rr in range(4):
                    r = r4 * 4 + rr
                    for kk in range(_D // 16):
                        wbuf_v[b, r, pl.ds(_D + 16 * kk, 16)] = (
                            gp_v[b2, r, pl.ds(16 * kk, 16)])
                return c2

            lax.fori_loop(0, _LANE // 4, patch, 0)
            pltpu.async_copy(wbuf_v.at[b], out_slice(j), sem_o.at[b])

        n_main = (g_per_w // _RING) * _RING

        def body(i, carry):
            for bb in range(_RING):
                step(_RING * i + bb, bb, bb % 2)
            return carry

        lax.fori_loop(0, n_main // _RING, body, 0)
        for j in range(n_main, g_per_w):
            step(j, j % _RING, j % 2)
        for j in range(g_per_w - _RING, g_per_w):
            wait(sem_o, j % _RING, j)

    return k(src_idx, p_idx, tab)


def kernel(src_seq, mask, d_seq, p_seq, src_word_emb, pitch_emb):
    B, L = src_seq.shape
    src_idx = src_seq.reshape(32, -1, _LANE).astype(jnp.int32)
    p_idx = p_seq.reshape(32, -1, _LANE).astype(jnp.int32)
    tab = jnp.pad(jnp.concatenate([src_word_emb, pitch_emb], axis=0),
                  ((0, 0), (0, _D)))
    out = _encoder_gather(src_idx, p_idx, tab, pitch_emb.shape[0])
    return out.reshape(B, L, 2 * _D)

# --- scband reference (transcript-rebuilt; emitter-appended) ---
"""Pipeline reference for scband-encoder-50345606644152 (READ-ONLY COPY).

The authoritative reference and input builder live on the scoring server;
editing this copy changes nothing except your own understanding.
"""

import jax, jax.numpy as jnp
import numpy as np


def setup_inputs(seed: int = 0) -> dict:
    key = jax.random.key(seed)
    ks = jax.random.split(key, 6)
    B, L = 1024, 200
    V, P, D = 100000, 1600, 64
    src_seq = jax.random.randint(ks[0], (B, L), 0, V)
    mask = jnp.zeros((B, L), dtype=bool)
    d_seq = jax.random.randint(ks[1], (B, L), 0, 200)
    p_seq = jax.random.randint(ks[2], (B, L), 0, P)
    src_word_emb = jax.random.normal(ks[3], (V, D), dtype=jnp.float32)
    src_word_emb = src_word_emb.at[0].set(0.0)  # padding_idx=0
    pitch_emb = jax.random.normal(ks[4], (P, D), dtype=jnp.float32)
    pitch_emb = pitch_emb.at[0].set(0.0)  # padding_idx=0
    return {
        "src_seq": src_seq,
        "mask": mask,
        "d_seq": d_seq,
        "p_seq": p_seq,
        "src_word_emb": src_word_emb,
        "pitch_emb": pitch_emb,
    }


def reference(src_seq, mask, d_seq, p_seq, src_word_emb, pitch_emb):
    # nn.Embedding(V, D, padding_idx=0): row 0 is zero; mask enforces it explicitly
    w = jnp.take(src_word_emb, src_seq, axis=0) * (src_seq != 0)[..., None].astype(jnp.float32)
    p = jnp.take(pitch_emb, p_seq, axis=0) * (p_seq != 0)[..., None].astype(jnp.float32)
    output = jnp.concatenate((w, p), axis=2)
    return output

if __name__ == "__main__":
    import jax
    _d = setup_inputs()
    print(jax.jit(kernel)(*tuple(_d.values())))

</pallas_src>

<mosaic_0001>
#map = affine_map<(d0, d1) -> (0, 0, 0)>
#map1 = affine_map<(d0, d1) -> (0, 0)>
module attributes {stable_mosaic.version = 14 : i64} {
  func.func @k(%arg0: i32, %arg1: i32, %arg2: memref<32x50x128xi32, #tpu.memory_space<hbm>>, %arg3: memref<32x50x128xi32, #tpu.memory_space<hbm>>, %arg4: memref<101600x128xf32, #tpu.memory_space<hbm>>, %arg5: memref<204800x128xf32, #tpu.memory_space<hbm>>, %arg6: memref<50x128xi32, #tpu.memory_space<vmem>>, %arg7: memref<50x128xi32, #tpu.memory_space<vmem>>, %arg8: memref<4x128x128xf32, #tpu.memory_space<vmem>>, %arg9: memref<2x128x128xf32, #tpu.memory_space<vmem>>, %arg10: memref<1600x128xf32, #tpu.memory_space<vmem_shared>>, %arg11: memref<4x!tpu.dma_semaphore, #tpu.memory_space<semaphore_mem>>, %arg12: memref<2x!tpu.dma_semaphore, #tpu.memory_space<semaphore_mem>>, %arg13: memref<4x!tpu.dma_semaphore, #tpu.memory_space<semaphore_mem>>) attributes {dimension_semantics = [#tpu.dimension_semantics<core_parallel>, #tpu.dimension_semantics<subcore_parallel>], iteration_bounds = array<i64: 2, 16>, scalar_prefetch = 0 : i64, scratch_operands = 8 : i64, tpu.core_type = #tpu.core_type<sc_vector_subcore>, window_params = [{transform_indices = #map}, {transform_indices = #map}, {transform_indices = #map1}, {transform_indices = #map1}]} {
    %mul3A = arith.constant 2 : i32
    %mul3A_0 = arith.muli %arg1, %mul3A : i32
    %add3A = arith.addi %mul3A_0, %arg0 : i32
    %mul3A_1 = arith.constant 50 : i32
    %mul3A_2 = arith.muli %add3A, %mul3A_1 : i32
    %eq3A = arith.constant 0 : i32
    %eq3A_3 = arith.cmpi eq, %arg1, %eq3A : i32
    %convert_element_type3A = arith.extui %eq3A_3 : i1 to i32
    %cond3A = arith.constant 0 : i32
    %cond3A_4 = arith.cmpi ne, %convert_element_type3A, %cond3A : i32
    scf.if %cond3A_4 {
      "tpu.region"() ({
        %run_scoped3A = tpu.sem_alloc : memref<!tpu.dma_semaphore, #tpu.memory_space<semaphore_mem>>
        %dma_start3A_280 = arith.constant 100000 : i32
        %dma_start3A_281 = arith.constant 0 : i32
        %dma_start3A_282 = tpu.memref_slice %arg4[%dma_start3A_280, %dma_start3A_281] : memref<101600x128xf32, #tpu.memory_space<hbm>> -> memref<1600x128xf32, #tpu.memory_space<hbm>>
        tpu.enqueue_dma source(%dma_start3A_282 : memref<1600x128xf32, #tpu.memory_space<hbm>>) target(%arg10 : memref<1600x128xf32, #tpu.memory_space<vmem_shared>>) target_semaphore(%run_scoped3A : memref<!tpu.dma_semaphore, #tpu.memory_space<semaphore_mem>>)
        %dma_wait3A_283 = arith.constant 100000 : i32
        %dma_wait3A_284 = arith.constant 0 : i32
        %dma_wait3A_285 = tpu.memref_slice %arg4[%dma_wait3A_283, %dma_wait3A_284] : memref<101600x128xf32, #tpu.memory_space<hbm>> -> memref<1600x128xf32, #tpu.memory_space<hbm>>
        tpu.wait_dma2 semaphore(%run_scoped3A : memref<!tpu.dma_semaphore, #tpu.memory_space<semaphore_mem>>) src(%dma_wait3A_285 : memref<1600x128xf32, #tpu.memory_space<hbm>>) dst(%arg10 : memref<1600x128xf32, #tpu.memory_space<vmem_shared>>)
        tpu.yield
      }) : () -> ()
    } else {
    }
    "tpu.region"() ({
      %run_scoped3A = tpu.sem_alloc : memref<!tpu.dma_semaphore, #tpu.memory_space<semaphore_mem>>
      %dma_start3A_280 = arith.constant 0 : i32
      %dma_start3A_281 = arith.constant 0 : i32
      %dma_start3A_282 = tpu.memref_slice %arg2[%add3A, %dma_start3A_280, %dma_start3A_281] : memref<32x50x128xi32, #tpu.memory_space<hbm>> -> memref<1x50x128xi32, #tpu.memory_space<hbm>>
      %dma_start3A_283 = tpu.memref_squeeze %dma_start3A_282 : memref<1x50x128xi32, #tpu.memory_space<hbm>> -> memref<50x128xi32, #tpu.memory_space<hbm>>
      %dma_start3A_284 = arith.constant 0 : i32
      %dma_start3A_285 = arith.constant 0 : i32
      %dma_start3A_286 = tpu.memref_slice %arg2[%add3A, %dma_start3A_284, %dma_start3A_285] : memref<32x50x128xi32, #tpu.memory_space<hbm>> -> memref<1x50x128xi32, #tpu.memory_space<hbm>>
      %dma_start3A_287 = tpu.memref_squeeze %dma_start3A_286 : memref<1x50x128xi32, #tpu.memory_space<hbm>> -> memref<50x128xi32, #tpu.memory_space<hbm>>
      tpu.enqueue_dma source(%dma_start3A_287 : memref<50x128xi32, #tpu.memory_space<hbm>>) target(%arg6 : memref<50x128xi32, #tpu.memory_space<vmem>>) target_semaphore(%run_scoped3A : memref<!tpu.dma_semaphore, #tpu.memory_space<semaphore_mem>>)
      %dma_wait3A_288 = arith.constant 0 : i32
      %dma_wait3A_289 = arith.constant 0 : i32
      %dma_wait3A_290 = tpu.memref_slice %arg2[%add3A, %dma_wait3A_288, %dma_wait3A_289] : memref<32x50x128xi32, #tpu.memory_space<hbm>> -> memref<1x50x128xi32, #tpu.memory_space<hbm>>
      %dma_wait3A_291 = tpu.memref_squeeze %dma_wait3A_290 : memref<1x50x128xi32, #tpu.memory_space<hbm>> -> memref<50x128xi32, #tpu.memory_space<hbm>>
      %dma_wait3A_292 = arith.constant 0 : i32
      %dma_wait3A_293 = arith.constant 0 : i32
      %dma_wait3A_294 = tpu.memref_slice %arg2[%add3A, %dma_wait3A_292, %dma_wait3A_293] : memref<32x50x128xi32, #tpu.memory_space<hbm>> -> memref<1x50x128xi32, #tpu.memory_space<hbm>>
      %dma_wait3A_295 = tpu.memref_squeeze %dma_wait3A_294 : memref<1x50x128xi32, #tpu.memory_space<hbm>> -> memref<50x128xi32, #tpu.memory_space<hbm>>
      tpu.wait_dma2 semaphore(%run_scoped3A : memref<!tpu.dma_semaphore, #tpu.memory_space<semaphore_mem>>) src(%dma_wait3A_295 : memref<50x128xi32, #tpu.memory_space<hbm>>) dst(%arg6 : memref<50x128xi32, #tpu.memory_space<vmem>>)
      tpu.yield
    }) : () -> ()
    "tpu.region"() ({
      %run_scoped3A = tpu.sem_alloc : memref<!tpu.dma_semaphore, #tpu.memory_space<semaphore_mem>>
      %dma_start3A_280 = arith.constant 0 : i32
      %dma_start3A_281 = arith.constant 0 : i32
      %dma_start3A_282 = tpu.memref_slice %arg3[%add3A, %dma_start3A_280, %dma_start3A_281] : memref<32x50x128xi32, #tpu.memory_space<hbm>> -> memref<1x50x128xi32, #tpu.memory_space<hbm>>
      %dma_start3A_283 = tpu.memref_squeeze %dma_start3A_282 : memref<1x50x128xi32, #tpu.memory_space<hbm>> -> memref<50x128xi32, #tpu.memory_space<hbm>>
      %dma_start3A_284 = arith.constant 0 : i32
      %dma_start3A_285 = arith.constant 0 : i32
      %dma_start3A_286 = tpu.memref_slice %arg3[%add3A, %dma_start3A_284, %dma_start3A_285] : memref<32x50x128xi32, #tpu.memory_space<hbm>> -> memref<1x50x128xi32, #tpu.memory_space<hbm>>
      %dma_start3A_287 = tpu.memref_squeeze %dma_start3A_286 : memref<1x50x128xi32, #tpu.memory_space<hbm>> -> memref<50x128xi32, #tpu.memory_space<hbm>>
      tpu.enqueue_dma source(%dma_start3A_287 : memref<50x128xi32, #tpu.memory_space<hbm>>) target(%arg7 : memref<50x128xi32, #tpu.memory_space<vmem>>) target_semaphore(%run_scoped3A : memref<!tpu.dma_semaphore, #tpu.memory_space<semaphore_mem>>)
      %dma_wait3A_288 = arith.constant 0 : i32
      %dma_wait3A_289 = arith.constant 0 : i32
      %dma_wait3A_290 = tpu.memref_slice %arg3[%add3A, %dma_wait3A_288, %dma_wait3A_289] : memref<32x50x128xi32, #tpu.memory_space<hbm>> -> memref<1x50x128xi32, #tpu.memory_space<hbm>>
      %dma_wait3A_291 = tpu.memref_squeeze %dma_wait3A_290 : memref<1x50x128xi32, #tpu.memory_space<hbm>> -> memref<50x128xi32, #tpu.memory_space<hbm>>
      %dma_wait3A_292 = arith.constant 0 : i32
      %dma_wait3A_293 = arith.constant 0 : i32
      %dma_wait3A_294 = tpu.memref_slice %arg3[%add3A, %dma_wait3A_292, %dma_wait3A_293] : memref<32x50x128xi32, #tpu.memory_space<hbm>> -> memref<1x50x128xi32, #tpu.memory_space<hbm>>
      %dma_wait3A_295 = tpu.memref_squeeze %dma_wait3A_294 : memref<1x50x128xi32, #tpu.memory_space<hbm>> -> memref<50x128xi32, #tpu.memory_space<hbm>>
      tpu.wait_dma2 semaphore(%run_scoped3A : memref<!tpu.dma_semaphore, #tpu.memory_space<semaphore_mem>>) src(%dma_wait3A_295 : memref<50x128xi32, #tpu.memory_space<hbm>>) dst(%arg7 : memref<50x128xi32, #tpu.memory_space<vmem>>)
      tpu.yield
    }) : () -> ()
    %barrier3A = arith.constant 0 : index
    tpu.barrier barrier_id(%barrier3A)
    %dma_start3A = arith.constant 0 : i32
    %dma_start3A_5 = arith.constant 0 : i32
    %dma_start3A_6 = arith.constant 0 : i32
    %dma_start3A_7 = arith.constant 0 : i32
    %dma_start3A_8 = arith.constant 0 : i32
    %dma_start3A_9 = tpu.memref_slice %arg8[%dma_start3A_5, %dma_start3A_7, %dma_start3A_8] : memref<4x128x128xf32, #tpu.memory_space<vmem>> -> memref<1x128x128xf32, #tpu.memory_space<vmem>>
    %dma_start3A_10 = tpu.memref_squeeze %dma_start3A_9 : memref<1x128x128xf32, #tpu.memory_space<vmem>> -> memref<128x128xf32, #tpu.memory_space<vmem>>
    %dma_start3A_11 = arith.constant 0 : i32
    %dma_start3A_12 = tpu.memref_slice %arg6[%dma_start3A, %dma_start3A_11] : memref<50x128xi32, #tpu.memory_space<vmem>> -> memref<1x128xi32, #tpu.memory_space<vmem>>
    %dma_start3A_13 = tpu.memref_squeeze %dma_start3A_12 : memref<1x128xi32, #tpu.memory_space<vmem>> -> memref<128xi32, #tpu.memory_space<vmem>>
    %dma_start3A_14 = arith.constant 0 : i32
    %dma_start3A_15 = arith.constant 0 : i32
    %dma_start3A_16 = tpu.memref_slice %arg4[%dma_start3A_14, %dma_start3A_15] : memref<101600x128xf32, #tpu.memory_space<hbm>> -> memref<101600x128xf32, #tpu.memory_space<hbm>>
    %dma_start3A_17 = tpu.memref_slice %arg11[%dma_start3A_6] : memref<4x!tpu.dma_semaphore, #tpu.memory_space<semaphore_mem>> -> memref<1x!tpu.dma_semaphore, #tpu.memory_space<semaphore_mem>>
    %dma_start3A_18 = tpu.memref_squeeze %dma_start3A_17 : memref<1x!tpu.dma_semaphore, #tpu.memory_space<semaphore_mem>> -> memref<!tpu.dma_semaphore, #tpu.memory_space<semaphore_mem>>
    tpu.enqueue_indirect_dma source(%dma_start3A_16 : memref<101600x128xf32, #tpu.memory_space<hbm>>) target(%dma_start3A_10 : memref<128x128xf32, #tpu.memory_space<vmem>>) offsets(%dma_start3A_13 : memref<128xi32, #tpu.memory_space<vmem>>) semaphore(%dma_start3A_18 : memref<!tpu.dma_semaphore, #tpu.memory_space<semaphore_mem>>)
    %dma_start3A_19 = arith.constant 1 : i32
    %dma_start3A_20 = arith.constant 1 : i32
    %dma_start3A_21 = arith.constant 1 : i32
    %dma_start3A_22 = arith.constant 0 : i32
    %dma_start3A_23 = arith.constant 0 : i32
    %dma_start3A_24 = tpu.memref_slice %arg8[%dma_start3A_20, %dma_start3A_22, %dma_start3A_23] : memref<4x128x128xf32, #tpu.memory_space<vmem>> -> memref<1x128x128xf32, #tpu.memory_space<vmem>>
    %dma_start3A_25 = tpu.memref_squeeze %dma_start3A_24 : memref<1x128x128xf32, #tpu.memory_space<vmem>> -> memref<128x128xf32, #tpu.memory_space<vmem>>
    %dma_start3A_26 = arith.constant 0 : i32
    %dma_start3A_27 = tpu.memref_slice %arg6[%dma_start3A_19, %dma_start3A_26] : memref<50x128xi32, #tpu.memory_space<vmem>> -> memref<1x128xi32, #tpu.memory_space<vmem>>
    %dma_start3A_28 = tpu.memref_squeeze %dma_start3A_27 : memref<1x128xi32, #tpu.memory_space<vmem>> -> memref<128xi32, #tpu.memory_space<vmem>>
    %dma_start3A_29 = arith.constant 0 : i32
    %dma_start3A_30 = arith.constant 0 : i32
    %dma_start3A_31 = tpu.memref_slice %arg4[%dma_start3A_29, %dma_start3A_30] : memref<101600x128xf32, #tpu.memory_space<hbm>> -> memref<101600x128xf32, #tpu.memory_space<hbm>>
    %dma_start3A_32 = tpu.memref_slice %arg11[%dma_start3A_21] : memref<4x!tpu.dma_semaphore, #tpu.memory_space<semaphore_mem>> -> memref<1x!tpu.dma_semaphore, #tpu.memory_space<semaphore_mem>>
    %dma_start3A_33 = tpu.memref_squeeze %dma_start3A_32 : memref<1x!tpu.dma_semaphore, #tpu.memory_space<semaphore_mem>> -> memref<!tpu.dma_semaphore, #tpu.memory_space<semaphore_mem>>
    tpu.enqueue_indirect_dma source(%dma_start3A_31 : memref<101600x128xf32, #tpu.memory_space<hbm>>) target(%dma_start3A_25 : memref<128x128xf32, #tpu.memory_space<vmem>>) offsets(%dma_start3A_28 : memref<128xi32, #tpu.memory_space<vmem>>) semaphore(%dma_start3A_33 : memref<!tpu.dma_semaphore, #tpu.memory_space<semaphore_mem>>)
    %dma_start3A_34 = arith.constant 0 : i32
    %dma_start3A_35 = arith.constant 0 : i32
    %dma_start3A_36 = arith.constant 0 : i32
    %dma_start3A_37 = arith.constant 0 : i32
    %dma_start3A_38 = arith.constant 0 : i32
    %dma_start3A_39 = tpu.memref_slice %arg9[%dma_start3A_35, %dma_start3A_37, %dma_start3A_38] : memref<2x128x128xf32, #tpu.memory_space<vmem>> -> memref<1x128x128xf32, #tpu.memory_space<vmem>>
    %dma_start3A_40 = tpu.memref_squeeze %dma_start3A_39 : memref<1x128x128xf32, #tpu.memory_space<vmem>> -> memref<128x128xf32, #tpu.memory_space<vmem>>
    %dma_start3A_41 = arith.constant 0 : i32
    %dma_start3A_42 = tpu.memref_slice %arg7[%dma_start3A_34, %dma_start3A_41] : memref<50x128xi32, #tpu.memory_space<vmem>> -> memref<1x128xi32, #tpu.memory_space<vmem>>
    %dma_start3A_43 = tpu.memref_squeeze %dma_start3A_42 : memref<1x128xi32, #tpu.memory_space<vmem>> -> memref<128xi32, #tpu.memory_space<vmem>>
    %dma_start3A_44 = arith.constant 0 : i32
    %dma_start3A_45 = arith.constant 0 : i32
    %dma_start3A_46 = tpu.memref_slice %arg10[%dma_start3A_44, %dma_start3A_45] : memref<1600x128xf32, #tpu.memory_space<vmem_shared>> -> memref<1600x128xf32, #tpu.memory_space<vmem_shared>>
    %dma_start3A_47 = tpu.memref_slice %arg12[%dma_start3A_36] : memref<2x!tpu.dma_semaphore, #tpu.memory_space<semaphore_mem>> -> memref<1x!tpu.dma_semaphore, #tpu.memory_space<semaphore_mem>>
    %dma_start3A_48 = tpu.memref_squeeze %dma_start3A_47 : memref<1x!tpu.dma_semaphore, #tpu.memory_space<semaphore_mem>> -> memref<!tpu.dma_semaphore, #tpu.memory_space<semaphore_mem>>
    tpu.enqueue_indirect_dma source(%dma_start3A_46 : memref<1600x128xf32, #tpu.memory_space<vmem_shared>>) target(%dma_start3A_40 : memref<128x128xf32, #tpu.memory_space<vmem>>) offsets(%dma_start3A_43 : memref<128xi32, #tpu.memory_space<vmem>>) semaphore(%dma_start3A_48 : memref<!tpu.dma_semaphore, #tpu.memory_space<semaphore_mem>>)
    %scan3A = arith.constant 0 : i32
    %scan3A_49 = arith.constant 0 : i32
    %scan3A_50 = arith.constant 12 : i32
    %scan3A_51 = arith.addi %scan3A_49, %scan3A_50 : i32
    %scan3A_52 = arith.constant 1 : i32
    scf.for %scan3A_280 = %scan3A_49 to %scan3A_51 step %scan3A_52  : i32 {
      %mul3A_281 = arith.constant 4 : i32
      %mul3A_282 = arith.muli %mul3A_281, %scan3A_280 : i32
      %add3A_283 = arith.constant 0 : i32
      %add3A_284 = arith.addi %mul3A_282, %add3A_283 : i32
      %add3A_285 = arith.constant 2 : i32
      %add3A_286 = arith.addi %add3A_284, %add3A_285 : i32
      %lt3A = arith.constant 50 : i32
      %lt3A_287 = arith.cmpi slt, %add3A_286, %lt3A : i32
      %convert_element_type3A_288 = arith.extui %lt3A_287 : i1 to i32
      %cond3A_289 = arith.constant 0 : i32
      %cond3A_290 = arith.cmpi ne, %convert_element_type3A_288, %cond3A_289 : i32
      scf.if %cond3A_290 {
        %ge3A = arith.constant 2 : i32
        %ge3A_604 = arith.cmpi sge, %add3A_284, %ge3A : i32
        %convert_element_type3A_605 = arith.extui %ge3A_604 : i1 to i32
        %cond3A_606 = arith.constant 0 : i32
        %cond3A_607 = arith.cmpi ne, %convert_element_type3A_605, %cond3A_606 : i32
        scf.if %cond3A_607 {
          %add3A_624 = arith.addi %mul3A_2, %add3A_284 : i32
          %mul3A_625 = arith.constant 128 : i32
          %mul3A_626 = arith.muli %add3A_624, %mul3A_625 : i32
          %dma_wait3A_627 = arith.constant 2 : i32
          %dma_wait3A_628 = arith.constant 2 : i32
          %dma_wait3A_629 = arith.constant 0 : i32
          %dma_wait3A_630 = arith.constant 0 : i32
          %dma_wait3A_631 = tpu.memref_slice %arg8[%dma_wait3A_627, %dma_wait3A_629, %dma_wait3A_630] : memref<4x128x128xf32, #tpu.memory_space<vmem>> -> memref<1x128x128xf32, #tpu.memory_space<vmem>>
          %dma_wait3A_632 = tpu.memref_squeeze %dma_wait3A_631 : memref<1x128x128xf32, #tpu.memory_space<vmem>> -> memref<128x128xf32, #tpu.memory_space<vmem>>
          %dma_wait3A_633 = arith.constant 0 : i32
          %dma_wait3A_634 = tpu.memref_slice %arg5[%mul3A_626, %dma_wait3A_633] : memref<204800x128xf32, #tpu.memory_space<hbm>> -> memref<128x128xf32, #tpu.memory_space<hbm>>
          %dma_wait3A_635 = tpu.memref_slice %arg13[%dma_wait3A_628] : memref<4x!tpu.dma_semaphore, #tpu.memory_space<semaphore_mem>> -> memref<1x!tpu.dma_semaphore, #tpu.memory_space<semaphore_mem>>
          %dma_wait3A_636 = tpu.memref_squeeze %dma_wait3A_635 : memref<1x!tpu.dma_semaphore, #tpu.memory_space<semaphore_mem>> -> memref<!tpu.dma_semaphore, #tpu.memory_space<semaphore_mem>>
          %dma_wait3A_637 = arith.constant 0 : i32
          %dma_wait3A_638 = tpu.memref_slice %arg5[%mul3A_626, %dma_wait3A_637] : memref<204800x128xf32, #tpu.memory_space<hbm>> -> memref<128x128xf32, #tpu.memory_space<hbm>>
          %dma_wait3A_639 = arith.constant 0 : i32
          %dma_wait3A_640 = arith.constant 0 : i32
          %dma_wait3A_641 = tpu.memref_slice %arg8[%dma_wait3A_627, %dma_wait3A_639, %dma_wait3A_640] : memref<4x128x128xf32, #tpu.memory_space<vmem>> -> memref<1x128x128xf32, #tpu.memory_space<vmem>>
          %dma_wait3A_642 = tpu.memref_squeeze %dma_wait3A_641 : memref<1x128x128xf32, #tpu.memory_space<vmem>> -> memref<128x128xf32, #tpu.memory_space<vmem>>
          tpu.wait_dma2 semaphore(%dma_wait3A_636 : memref<!tpu.dma_semaphore, #tpu.memory_space<semaphore_mem>>) src(%dma_wait3A_642 : memref<128x128xf32, #tpu.memory_space<vmem>>) dst(%dma_wait3A_638 : memref<128x128xf32, #tpu.memory_space<hbm>>)
        } else {
        }
        %add3A_608 = arith.constant 2 : i32
        %add3A_609 = arith.addi %add3A_284, %add3A_608 : i32
        %dma_start3A_610 = arith.constant 2 : i32
        %dma_start3A_611 = arith.constant 2 : i32
        %dma_start3A_612 = arith.constant 0 : i32
        %dma_start3A_613 = arith.constant 0 : i32
        %dma_start3A_614 = tpu.memref_slice %arg8[%dma_start3A_610, %dma_start3A_612, %dma_start3A_613] : memref<4x128x128xf32, #tpu.memory_space<vmem>> -> memref<1x128x128xf32, #tpu.memory_space<vmem>>
        %dma_start3A_615 = tpu.memref_squeeze %dma_start3A_614 : memref<1x128x128xf32, #tpu.memory_space<vmem>> -> memref<128x128xf32, #tpu.memory_space<vmem>>
        %dma_start3A_616 = arith.constant 0 : i32
        %dma_start3A_617 = tpu.memref_slice %arg6[%add3A_609, %dma_start3A_616] : memref<50x128xi32, #tpu.memory_space<vmem>> -> memref<1x128xi32, #tpu.memory_space<vmem>>
        %dma_start3A_618 = tpu.memref_squeeze %dma_start3A_617 : memref<1x128xi32, #tpu.memory_space<vmem>> -> memref<128xi32, #tpu.memory_space<vmem>>
        %dma_start3A_619 = arith.constant 0 : i32
        %dma_start3A_620 = arith.constant 0 : i32
        %dma_start3A_621 = tpu.memref_slice %arg4[%dma_start3A_619, %dma_start3A_620] : memref<101600x128xf32, #tpu.memory_space<hbm>> -> memref<101600x128xf32, #tpu.memory_space<hbm>>
        %dma_start3A_622 = tpu.memref_slice %arg11[%dma_start3A_611] : memref<4x!tpu.dma_semaphore, #tpu.memory_space<semaphore_mem>> -> memref<1x!tpu.dma_semaphore, #tpu.memory_space<semaphore_mem>>
        %dma_start3A_623 = tpu.memref_squeeze %dma_start3A_622 : memref<1x!tpu.dma_semaphore, #tpu.memory_space<semaphore_mem>> -> memref<!tpu.dma_semaphore, #tpu.memory_space<semaphore_mem>>
        tpu.enqueue_indirect_dma source(%dma_start3A_621 : memref<101600x128xf32, #tpu.memory_space<hbm>>) target(%dma_start3A_615 : memref<128x128xf32, #tpu.memory_space<vmem>>) offsets(%dma_start3A_618 : memref<128xi32, #tpu.memory_space<vmem>>) semaphore(%dma_start3A_623 : memref<!tpu.dma_semaphore, #tpu.memory_space<semaphore_mem>>)
      } else {
      }
      %add3A_291 = arith.constant 1 : i32
      %add3A_292 = arith.addi %add3A_284, %add3A_291 : i32
      %lt3A_293 = arith.constant 50 : i32
      %lt3A_294 = arith.cmpi slt, %add3A_292, %lt3A_293 : i32
      %convert_element_type3A_295 = arith.extui %lt3A_294 : i1 to i32
      %cond3A_296 = arith.constant 0 : i32
      %cond3A_297 = arith.cmpi ne, %convert_element_type3A_295, %cond3A_296 : i32
      scf.if %cond3A_297 {
        %add3A_604 = arith.constant 1 : i32
        %add3A_605 = arith.addi %add3A_284, %add3A_604 : i32
        %dma_start3A_606 = arith.constant 1 : i32
        %dma_start3A_607 = arith.constant 1 : i32
        %dma_start3A_608 = arith.constant 0 : i32
        %dma_start3A_609 = arith.constant 0 : i32
        %dma_start3A_610 = tpu.memref_slice %arg9[%dma_start3A_606, %dma_start3A_608, %dma_start3A_609] : memref<2x128x128xf32, #tpu.memory_space<vmem>> -> memref<1x128x128xf32, #tpu.memory_space<vmem>>
        %dma_start3A_611 = tpu.memref_squeeze %dma_start3A_610 : memref<1x128x128xf32, #tpu.memory_space<vmem>> -> memref<128x128xf32, #tpu.memory_space<vmem>>
        %dma_start3A_612 = arith.constant 0 : i32
        %dma_start3A_613 = tpu.memref_slice %arg7[%add3A_605, %dma_start3A_612] : memref<50x128xi32, #tpu.memory_space<vmem>> -> memref<1x128xi32, #tpu.memory_space<vmem>>
        %dma_start3A_614 = tpu.memref_squeeze %dma_start3A_613 : memref<1x128xi32, #tpu.memory_space<vmem>> -> memref<128xi32, #tpu.memory_space<vmem>>
        %dma_start3A_615 = arith.constant 0 : i32
        %dma_start3A_616 = arith.constant 0 : i32
        %dma_start3A_617 = tpu.memref_slice %arg10[%dma_start3A_615, %dma_start3A_616] : memref<1600x128xf32, #tpu.memory_space<vmem_shared>> -> memref<1600x128xf32, #tpu.memory_space<vmem_shared>>
        %dma_start3A_618 = tpu.memref_slice %arg12[%dma_start3A_607] : memref<2x!tpu.dma_semaphore, #tpu.memory_space<semaphore_mem>> -> memref<1x!tpu.dma_semaphore, #tpu.memory_space<semaphore_mem>>
        %dma_start3A_619 = tpu.memref_squeeze %dma_start3A_618 : memref<1x!tpu.dma_semaphore, #tpu.memory_space<semaphore_mem>> -> memref<!tpu.dma_semaphore, #tpu.memory_space<semaphore_mem>>
        tpu.enqueue_indirect_dma source(%dma_start3A_617 : memref<1600x128xf32, #tpu.memory_space<vmem_shared>>) target(%dma_start3A_611 : memref<128x128xf32, #tpu.memory_space<vmem>>) offsets(%dma_start3A_614 : memref<128xi32, #tpu.memory_space<vmem>>) semaphore(%dma_start3A_619 : memref<!tpu.dma_semaphore, #tpu.memory_space<semaphore_mem>>)
      } else {
      }
      %add3A_298 = arith.addi %mul3A_2, %add3A_284 : i32
      %mul3A_299 = arith.constant 128 : i32
      %mul3A_300 = arith.muli %add3A_298, %mul3A_299 : i32
      %dma_wait3A_301 = arith.constant 0 : i32
      %dma_wait3A_302 = arith.constant 0 : i32
      %dma_wait3A_303 = arith.constant 0 : i32
      %dma_wait3A_304 = arith.constant 0 : i32
      %dma_wait3A_305 = tpu.memref_slice %arg8[%dma_wait3A_301, %dma_wait3A_303, %dma_wait3A_304] : memref<4x128x128xf32, #tpu.memory_space<vmem>> -> memref<1x128x128xf32, #tpu.memory_space<vmem>>
      %dma_wait3A_306 = tpu.memref_squeeze %dma_wait3A_305 : memref<1x128x128xf32, #tpu.memory_space<vmem>> -> memref<128x128xf32, #tpu.memory_space<vmem>>
      %dma_wait3A_307 = arith.constant 0 : i32
      %dma_wait3A_308 = tpu.memref_slice %arg5[%mul3A_300, %dma_wait3A_307] : memref<204800x128xf32, #tpu.memory_space<hbm>> -> memref<128x128xf32, #tpu.memory_space<hbm>>
      %dma_wait3A_309 = tpu.memref_slice %arg11[%dma_wait3A_302] : memref<4x!tpu.dma_semaphore, #tpu.memory_space<semaphore_mem>> -> memref<1x!tpu.dma_semaphore, #tpu.memory_space<semaphore_mem>>
      %dma_wait3A_310 = tpu.memref_squeeze %dma_wait3A_309 : memref<1x!tpu.dma_semaphore, #tpu.memory_space<semaphore_mem>> -> memref<!tpu.dma_semaphore, #tpu.memory_space<semaphore_mem>>
      %dma_wait3A_311 = arith.constant 0 : i32
      %dma_wait3A_312 = tpu.memref_slice %arg5[%mul3A_300, %dma_wait3A_311] : memref<204800x128xf32, #tpu.memory_space<hbm>> -> memref<128x128xf32, #tpu.memory_space<hbm>>
      %dma_wait3A_313 = arith.constant 0 : i32
      %dma_wait3A_314 = arith.constant 0 : i32
      %dma_wait3A_315 = tpu.memref_slice %arg8[%dma_wait3A_301, %dma_wait3A_313, %dma_wait3A_314] : memref<4x128x128xf32, #tpu.memory_space<vmem>> -> memref<1x128x128xf32, #tpu.memory_space<vmem>>
      %dma_wait3A_316 = tpu.memref_squeeze %dma_wait3A_315 : memref<1x128x128xf32, #tpu.memory_space<vmem>> -> memref<128x128xf32, #tpu.memory_space<vmem>>
      tpu.wait_dma2 semaphore(%dma_wait3A_310 : memref<!tpu.dma_semaphore, #tpu.memory_space<semaphore_mem>>) src(%dma_wait3A_316 : memref<128x128xf32, #tpu.memory_space<vmem>>) dst(%dma_wait3A_312 : memref<128x128xf32, #tpu.memory_space<hbm>>)
      %add3A_317 = arith.addi %mul3A_2, %add3A_284 : i32
      %mul3A_318 = arith.constant 128 : i32
      %mul3A_319 = arith.muli %add3A_317, %mul3A_318 : i32
      %dma_wait3A_320 = arith.constant 0 : i32
      %dma_wait3A_321 = arith.constant 0 : i32
      %dma_wait3A_322 = arith.constant 0 : i32
      %dma_wait3A_323 = arith.constant 0 : i32
      %dma_wait3A_324 = tpu.memref_slice %arg8[%dma_wait3A_320, %dma_wait3A_322, %dma_wait3A_323] : memref<4x128x128xf32, #tpu.memory_space<vmem>> -> memref<1x128x128xf32, #tpu.memory_space<vmem>>
      %dma_wait3A_325 = tpu.memref_squeeze %dma_wait3A_324 : memref<1x128x128xf32, #tpu.memory_space<vmem>> -> memref<128x128xf32, #tpu.memory_space<vmem>>
      %dma_wait3A_326 = arith.constant 0 : i32
      %dma_wait3A_327 = tpu.memref_slice %arg5[%mul3A_319, %dma_wait3A_326] : memref<204800x128xf32, #tpu.memory_space<hbm>> -> memref<128x128xf32, #tpu.memory_space<hbm>>
      %dma_wait3A_328 = tpu.memref_slice %arg12[%dma_wait3A_321] : memref<2x!tpu.dma_semaphore, #tpu.memory_space<semaphore_mem>> -> memref<1x!tpu.dma_semaphore, #tpu.memory_space<semaphore_mem>>
      %dma_wait3A_329 = tpu.memref_squeeze %dma_wait3A_328 : memref<1x!tpu.dma_semaphore, #tpu.memory_space<semaphore_mem>> -> memref<!tpu.dma_semaphore, #tpu.memory_space<semaphore_mem>>
      %dma_wait3A_330 = arith.constant 0 : i32
      %dma_wait3A_331 = tpu.memref_slice %arg5[%mul3A_319, %dma_wait3A_330] : memref<204800x128xf32, #tpu.memory_space<hbm>> -> memref<128x128xf32, #tpu.memory_space<hbm>>
      %dma_wait3A_332 = arith.constant 0 : i32
      %dma_wait3A_333 = arith.constant 0 : i32
      %dma_wait3A_334 = tpu.memref_slice %arg8[%dma_wait3A_320, %dma_wait3A_332, %dma_wait3A_333] : memref<4x128x128xf32, #tpu.memory_space<vmem>> -> memref<1x128x128xf32, #tpu.memory_space<vmem>>
      %dma_wait3A_335 = tpu.memref_squeeze %dma_wait3A_334 : memref<1x128x128xf32, #tpu.memory_space<vmem>> -> memref<128x128xf32, #tpu.memory_space<vmem>>
      tpu.wait_dma2 semaphore(%dma_wait3A_329 : memref<!tpu.dma_semaphore, #tpu.memory_space<semaphore_mem>>) src(%dma_wait3A_335 : memref<128x128xf32, #tpu.memory_space<vmem>>) dst(%dma_wait3A_331 : memref<128x128xf32, #tpu.memory_space<hbm>>)
      %scan3A_336 = arith.constant 0 : i32
      %scan3A_337 = arith.constant 0 : i32
      %scan3A_338 = arith.constant 32 : i32
      %scan3A_339 = arith.addi %scan3A_337, %scan3A_338 : i32
      %scan3A_340 = arith.constant 1 : i32
      scf.for %scan3A_604 = %scan3A_337 to %scan3A_339 step %scan3A_340  : i32 {
        %mul3A_605 = arith.constant 4 : i32
        %mul3A_606 = arith.muli %scan3A_604, %mul3A_605 : i32
        %add3A_607 = arith.constant 0 : i32
        %add3A_608 = arith.addi %mul3A_606, %add3A_607 : i32
        %get3A = arith.constant 0 : i32
        %get3A_609 = arith.index_cast %get3A : i32 to index
        %get3A_610 = arith.index_cast %add3A_608 : i32 to index
        %get3A_611 = arith.constant 0 : index
        %get3A_612 = tpu.vector_load %arg9[%get3A_609, %get3A_610, %get3A_611] {strides = array<i32>} : memref<2x128x128xf32, #tpu.memory_space<vmem>>, vector<1x1x16xf32>,
        %get3A_613 = vector.shape_cast %get3A_612 : vector<1x1x16xf32> to vector<16xf32>
        %swap3A = arith.constant 0 : i32
        %swap3A_614 = arith.index_cast %swap3A : i32 to index
        %swap3A_615 = arith.index_cast %add3A_608 : i32 to index
        %swap3A_616 = arith.constant 64 : index
        %swap3A_617 = tpu.vector_load %arg8[%swap3A_614, %swap3A_615, %swap3A_616] {strides = array<i32>} : memref<4x128x128xf32, #tpu.memory_space<vmem>>, vector<1x1x16xf32>,
        %swap3A_618 = vector.shape_cast %swap3A_617 : vector<1x1x16xf32> to vector<16xf32>
        %swap3A_619 = vector.shape_cast %get3A_613 : vector<16xf32> to vector<1x1x16xf32>
        tpu.vector_store %arg8[%swap3A_614, %swap3A_615, %swap3A_616], %swap3A_619 {strides = array<i32>} : memref<4x128x128xf32, #tpu.memory_space<vmem>>, vector<1x1x16xf32>,
        %get3A_620 = arith.constant 0 : i32
        %get3A_621 = arith.index_cast %get3A_620 : i32 to index
        %get3A_622 = arith.index_cast %add3A_608 : i32 to index
        %get3A_623 = arith.constant 16 : index
        %get3A_624 = tpu.vector_load %arg9[%get3A_621, %get3A_622, %get3A_623] {strides = array<i32>} : memref<2x128x128xf32, #tpu.memory_space<vmem>>, vector<1x1x16xf32>,
        %get3A_625 = vector.shape_cast %get3A_624 : vector<1x1x16xf32> to vector<16xf32>
        %swap3A_626 = arith.constant 0 : i32
        %swap3A_627 = arith.index_cast %swap3A_626 : i32 to index
        %swap3A_628 = arith.index_cast %add3A_608 : i32 to index
        %swap3A_629 = arith.constant 80 : index
        %swap3A_630 = tpu.vector_load %arg8[%swap3A_627, %swap3A_628, %swap3A_629] {strides = array<i32>} : memref<4x128x128xf32, #tpu.memory_space<vmem>>, vector<1x1x16xf32>,
        %swap3A_631 = vector.shape_cast %swap3A_630 : vector<1x1x16xf32> to vector<16xf32>
        %swap3A_632 = vector.shape_cast %get3A_625 : vector<16xf32> to vector<1x1x16xf32>
        tpu.vector_store %arg8[%swap3A_627, %swap3A_628, %swap3A_629], %swap3A_632 {strides = array<i32>} : memref<4x128x128xf32, #tpu.memory_space<vmem>>, vector<1x1x16xf32>,
        %get3A_633 = arith.constant 0 : i32
        %get3A_634 = arith.index_cast %get3A_633 : i32 to index
        %get3A_635 = arith.index_cast %add3A_608 : i32 to index
        %get3A_636 = arith.constant 32 : index
        %get3A_637 = tpu.vector_load %arg9[%get3A_634, %get3A_635, %get3A_636] {strides = array<i32>} : memref<2x128x128xf32, #tpu.memory_space<vmem>>, vector<1x1x16xf32>,
        %get3A_638 = vector.shape_cast %get3A_637 : vector<1x1x16xf32> to vector<16xf32>
        %swap3A_639 = arith.constant 0 : i32
        %swap3A_640 = arith.index_cast %swap3A_639 : i32 to index
        %swap3A_641 = arith.index_cast %add3A_608 : i32 to index
        %swap3A_642 = arith.constant 96 : index
        %swap3A_643 = tpu.vector_load %arg8[%swap3A_640, %swap3A_641, %swap3A_642] {strides = array<i32>} : memref<4x128x128xf32, #tpu.memory_space<vmem>>, vector<1x1x16xf32>,
        %swap3A_644 = vector.shape_cast %swap3A_643 : vector<1x1x16xf32> to vector<16xf32>
        %swap3A_645 = vector.shape_cast %get3A_638 : vector<16xf32> to vector<1x1x16xf32>
        tpu.vector_store %arg8[%swap3A_640, %swap3A_641, %swap3A_642], %swap3A_645 {strides = array<i32>} : memref<4x128x128xf32, #tpu.memory_space<vmem>>, vector<1x1x16xf32>,
        %get3A_646 = arith.constant 0 : i32
        %get3A_647 = arith.index_cast %get3A_646 : i32 to index
        %get3A_648 = arith.index_cast %add3A_608 : i32 to index
        %get3A_649 = arith.constant 48 : index
        %get3A_650 = tpu.vector_load %arg9[%get3A_647, %get3A_648, %get3A_649] {strides = array<i32>} : memref<2x128x128xf32, #tpu.memory_space<vmem>>, vector<1x1x16xf32>,
        %get3A_651 = vector.shape_cast %get3A_650 : vector<1x1x16xf32> to vector<16xf32>
        %swap3A_652 = arith.constant 0 : i32
        %swap3A_653 = arith.index_cast %swap3A_652 : i32 to index
        %swap3A_654 = arith.index_cast %add3A_608 : i32 to index
        %swap3A_655 = arith.constant 112 : index
        %swap3A_656 = tpu.vector_load %arg8[%swap3A_653, %swap3A_654, %swap3A_655] {strides = array<i32>} : memref<4x128x128xf32, #tpu.memory_space<vmem>>, vector<1x1x16xf32>,
        %swap3A_657 = vector.shape_cast %swap3A_656 : vector<1x1x16xf32> to vector<16xf32>
        %swap3A_658 = vector.shape_cast %get3A_651 : vector<16xf32> to vector<1x1x16xf32>
        tpu.vector_store %arg8[%swap3A_653, %swap3A_654, %swap3A_655], %swap3A_658 {strides = array<i32>} : memref<4x128x128xf32, #tpu.memory_space<vmem>>, vector<1x1x16xf32>,
        %mul3A_659 = arith.constant 4 : i32
        %mul3A_660 = arith.muli %scan3A_604, %mul3A_659 : i32
        %add3A_661 = arith.constant 1 : i32
        %add3A_662 = arith.addi %mul3A_660, %add3A_661 : i32
        %get3A_663 = arith.constant 0 : i32
        %get3A_664 = arith.index_cast %get3A_663 : i32 to index
        %get3A_665 = arith.index_cast %add3A_662 : i32 to index
        %get3A_666 = arith.constant 0 : index
        %get3A_667 = tpu.vector_load %arg9[%get3A_664, %get3A_665, %get3A_666] {strides = array<i32>} : memref<2x128x128xf32, #tpu.memory_space<vmem>>, vector<1x1x16xf32>,
        %get3A_668 = vector.shape_cast %get3A_667 : vector<1x1x16xf32> to vector<16xf32>
        %swap3A_669 = arith.constant 0 : i32
        %swap3A_670 = arith.index_cast %swap3A_669 : i32 to index
        %swap3A_671 = arith.index_cast %add3A_662 : i32 to index
        %swap3A_672 = arith.constant 64 : index
        %swap3A_673 = tpu.vector_load %arg8[%swap3A_670, %swap3A_671, %swap3A_672] {strides = array<i32>} : memref<4x128x128xf32, #tpu.memory_space<vmem>>, vector<1x1x16xf32>,
        %swap3A_674 = vector.shape_cast %swap3A_673 : vector<1x1x16xf32> to vector<16xf32>
        %swap3A_675 = vector.shape_cast %get3A_668 : vector<16xf32> to vector<1x1x16xf32>
        tpu.vector_store %arg8[%swap3A_670, %swap3A_671, %swap3A_672], %swap3A_675 {strides = array<i32>} : memref<4x128x128xf32, #tpu.memory_space<vmem>>, vector<1x1x16xf32>,
        %get3A_676 = arith.constant 0 : i32
        %get3A_677 = arith.index_cast %get3A_676 : i32 to index
        %get3A_678 = arith.index_cast %add3A_662 : i32 to index
        %get3A_679 = arith.constant 16 : index
        %get3A_680 = tpu.vector_load %arg9[%get3A_677, %get3A_678, %get3A_679] {strides = array<i32>} : memref<2x128x128xf32, #tpu.memory_space<vmem>>, vector<1x1x16xf32>,
        %get3A_681 = vector.shape_cast %get3A_680 : vector<1x1x16xf32> to vector<16xf32>
        %swap3A_682 = arith.constant 0 : i32
        %swap3A_683 = arith.index_cast %swap3A_682 : i32 to index
        %swap3A_684 = arith.index_cast %add3A_662 : i32 to index
        %swap3A_685 = arith.constant 80 : index
        %swap3A_686 = tpu.vector_load %arg8[%swap3A_683, %swap3A_684, %swap3A_685] {strides = array<i32>} : memref<4x128x128xf32, #tpu.memory_space<vmem>>, vector<1x1x16xf32>,
        %swap3A_687 = vector.shape_cast %swap3A_686 : vector<1x1x16xf32> to vector<16xf32>
        %swap3A_688 = vector.shape_cast %get3A_681 : vector<16xf32> to vector<1x1x16xf32>
        tpu.vector_store %arg8[%swap3A_683, %swap3A_684, %swap3A_685], %swap3A_688 {strides = array<i32>} : memref<4x128x128xf32, #tpu.memory_space<vmem>>, vector<1x1x16xf32>,
        %get3A_689 = arith.constant 0 : i32
        %get3A_690 = arith.index_cast %get3A_689 : i32 to index
        %get3A_691 = arith.index_cast %add3A_662 : i32 to index
        %get3A_692 = arith.constant 32 : index
        %get3A_693 = tpu.vector_load %arg9[%get3A_690, %get3A_691, %get3A_692] {strides = array<i32>} : memref<2x128x128xf32, #tpu.memory_space<vmem>>, vector<1x1x16xf32>,
        %get3A_694 = vector.shape_cast %get3A_693 : vector<1x1x16xf32> to vector<16xf32>
        %swap3A_695 = arith.constant 0 : i32
        %swap3A_696 = arith.index_cast %swap3A_695 : i32 to index
        %swap3A_697 = arith.index_cast %add3A_662 : i32 to index
        %swap3A_698 = arith.constant 96 : index
        %swap3A_699 = tpu.vector_load %arg8[%swap3A_696, %swap3A_697, %swap3A_698] {strides = array<i32>} : memref<4x128x128xf32, #tpu.memory_space<vmem>>, vector<1x1x16xf32>,
        %swap3A_700 = vector.shape_cast %swap3A_699 : vector<1x1x16xf32> to vector<16xf32>
        %swap3A_701 = vector.shape_cast %get3A_694 : vector<16xf32> to vector<1x1x16xf32>
        tpu.vector_store %arg8[%swap3A_696, %swap3A_697, %swap3A_698], %swap3A_701 {strides = array<i32>} : memref<4x128x128xf32, #tpu.memory_space<vmem>>, vector<1x1x16xf32>,
        %get3A_702 = arith.constant 0 : i32
        %get3A_703 = arith.index_cast %get3A_702 : i32 to index
        %get3A_704 = arith.index_cast %add3A_662 : i32 to index
        %get3A_705 = arith.constant 48 : index
        %get3A_706 = tpu.vector_load %arg9[%get3A_703, %get3A_704, %get3A_705] {strides = array<i32>} : memref<2x128x128xf32, #tpu.memory_space<vmem>>, vector<1x1x16xf32>,
        %get3A_707 = vector.shape_cast %get3A_706 : vector<1x1x16xf32> to vector<16xf32>
        %swap3A_708 = arith.constant 0 : i32
        %swap3A_709 = arith.index_cast %swap3A_708 : i32 to index
        %swap3A_710 = arith.index_cast %add3A_662 : i32 to index
        %swap3A_711 = arith.constant 112 : index
        %swap3A_712 = tpu.vector_load %arg8[%swap3A_709, %swap3A_710, %swap3A_711] {strides = array<i32>} : memref<4x128x128xf32, #tpu.memory_space<vmem>>, vector<1x1x16xf32>,
        %swap3A_713 = vector.shape_cast %swap3A_712 : vector<1x1x16xf32> to vector<16xf32>
        %swap3A_714 = vector.shape_cast %get3A_707 : vector<16xf32> to vector<1x1x16xf32>
        tpu.vector_store %arg8[%swap3A_709, %swap3A_710, %swap3A_711], %swap3A_714 {strides = array<i32>} : memref<4x128x128xf32, #tpu.memory_space<vmem>>, vector<1x1x16xf32>,
        %mul3A_715 = arith.constant 4 : i32
        %mul3A_716 = arith.muli %scan3A_604, %mul3A_715 : i32
        %add3A_717 = arith.constant 2 : i32
        %add3A_718 = arith.addi %mul3A_716, %add3A_717 : i32
        %get3A_719 = arith.constant 0 : i32
        %get3A_720 = arith.index_cast %get3A_719 : i32 to index
        %get3A_721 = arith.index_cast %add3A_718 : i32 to index
        %get3A_722 = arith.constant 0 : index
        %get3A_723 = tpu.vector_load %arg9[%get3A_720, %get3A_721, %get3A_722] {strides = array<i32>} : memref<2x128x128xf32, #tpu.memory_space<vmem>>, vector<1x1x16xf32>,
        %get3A_724 = vector.shape_cast %get3A_723 : vector<1x1x16xf32> to vector<16xf32>
        %swap3A_725 = arith.constant 0 : i32
        %swap3A_726 = arith.index_cast %swap3A_725 : i32 to index
        %swap3A_727 = arith.index_cast %add3A_718 : i32 to index
        %swap3A_728 = arith.constant 64 : index
        %swap3A_729 = tpu.vector_load %arg8[%swap3A_726, %swap3A_727, %swap3A_728] {strides = array<i32>} : memref<4x128x128xf32, #tpu.memory_space<vmem>>, vector<1x1x16xf32>,
        %swap3A_730 = vector.shape_cast %swap3A_729 : vector<1x1x16xf32> to vector<16xf32>
        %swap3A_731 = vector.shape_cast %get3A_724 : vector<16xf32> to vector<1x1x16xf32>
        tpu.vector_store %arg8[%swap3A_726, %swap3A_727, %swap3A_728], %swap3A_731 {strides = array<i32>} : memref<4x128x128xf32, #tpu.memory_space<vmem>>, vector<1x1x16xf32>,
        %get3A_732 = arith.constant 0 : i32
        %get3A_733 = arith.index_cast %get3A_732 : i32 to index
        %get3A_734 = arith.index_cast %add3A_718 : i32 to index
        %get3A_735 = arith.constant 16 : index
        %get3A_736 = tpu.vector_load %arg9[%get3A_733, %get3A_734, %get3A_735] {strides = array<i32>} : memref<2x128x128xf32, #tpu.memory_space<vmem>>, vector<1x1x16xf32>,
        %get3A_737 = vector.shape_cast %get3A_736 : vector<1x1x16xf32> to vector<16xf32>
        %swap3A_738 = arith.constant 0 : i32
        %swap3A_739 = arith.index_cast %swap3A_738 : i32 to index
        %swap3A_740 = arith.index_cast %add3A_718 : i32 to index
        %swap3A_741 = arith.constant 80 : index
        %swap3A_742 = tpu.vector_load %arg8[%swap3A_739, %swap3A_740, %swap3A_741] {strides = array<i32>} : memref<4x128x128xf32, #tpu.memory_space<vmem>>, vector<1x1x16xf32>,
        %swap3A_743 = vector.shape_cast %swap3A_742 : vector<1x1x16xf32> to vector<16xf32>
        %swap3A_744 = vector.shape_cast %get3A_737 : vector<16xf32> to vector<1x1x16xf32>
        tpu.vector_store %arg8[%swap3A_739, %swap3A_740, %swap3A_741], %swap3A_744 {strides = array<i32>} : memref<4x128x128xf32, #tpu.memory_space<vmem>>, vector<1x1x16xf32>,
        %get3A_745 = arith.constant 0 : i32
        %get3A_746 = arith.index_cast %get3A_745 : i32 to index
        %get3A_747 = arith.index_cast %add3A_718 : i32 to index
        %get3A_748 = arith.constant 32 : index
        %get3A_749 = tpu.vector_load %arg9[%get3A_746, %get3A_747, %get3A_748] {strides = array<i32>} : memref<2x128x128xf32, #tpu.memory_space<vmem>>, vector<1x1x16xf32>,
        %get3A_750 = vector.shape_cast %get3A_749 : vector<1x1x16xf32> to vector<16xf32>
        %swap3A_751 = arith.constant 0 : i32
        %swap3A_752 = arith.index_cast %swap3A_751 : i32 to index
        %swap3A_753 = arith.index_cast %add3A_718 : i32 to index
        %swap3A_754 = arith.constant 96 : index
        %swap3A_755 = tpu.vector_load %arg8[%swap3A_752, %swap3A_753, %swap3A_754] {strides = array<i32>} : memref<4x128x128xf32, #tpu.memory_space<vmem>>, vector<1x1x16xf32>,
        %swap3A_756 = vector.shape_cast %swap3A_755 : vector<1x1x16xf32> to vector<16xf32>
        %swap3A_757 = vector.shape_cast %get3A_750 : vector<16xf32> to vector<1x1x16xf32>
        tpu.vector_store %arg8[%swap3A_752, %swap3A_753, %swap3A_754], %swap3A_757 {strides = array<i32>} : memref<4x128x128xf32, #tpu.memory_space<vmem>>, vector<1x1x16xf32>,
        %get3A_758 = arith.constant 0 : i32
        %get3A_759 = arith.index_cast %get3A_758 : i32 to index
        %get3A_760 = arith.index_cast %add3A_718 : i32 to index
        %get3A_761 = arith.constant 48 : index
        %get3A_762 = tpu.vector_load %arg9[%get3A_759, %get3A_760, %get3A_761] {strides = array<i32>} : memref<2x128x128xf32, #tpu.memory_space<vmem>>, vector<1x1x16xf32>,
        %get3A_763 = vector.shape_cast %get3A_762 : vector<1x1x16xf32> to vector<16xf32>
        %swap3A_764 = arith.constant 0 : i32
        %swap3A_765 = arith.index_cast %swap3A_764 : i32 to index
        %swap3A_766 = arith.index_cast %add3A_718 : i32 to index
        %swap3A_767 = arith.constant 112 : index
        %swap3A_768 = tpu.vector_load %arg8[%swap3A_765, %swap3A_766, %swap3A_767] {strides = array<i32>} : memref<4x128x128xf32, #tpu.memory_space<vmem>>, vector<1x1x16xf32>,
        %swap3A_769 = vector.shape_cast %swap3A_768 : vector<1x1x16xf32> to vector<16xf32>
        %swap3A_770 = vector.shape_cast %get3A_763 : vector<16xf32> to vector<1x1x16xf32>
        tpu.vector_store %arg8[%swap3A_765, %swap3A_766, %swap3A_767], %swap3A_770 {strides = array<i32>} : memref<4x128x128xf32, #tpu.memory_space<vmem>>, vector<1x1x16xf32>,
        %mul3A_771 = arith.constant 4 : i32
        %mul3A_772 = arith.muli %scan3A_604, %mul3A_771 : i32
        %add3A_773 = arith.constant 3 : i32
        %add3A_774 = arith.addi %mul3A_772, %add3A_773 : i32
        %get3A_775 = arith.constant 0 : i32
        %get3A_776 = arith.index_cast %get3A_775 : i32 to index
        %get3A_777 = arith.index_cast %add3A_774 : i32 to index
        %get3A_778 = arith.constant 0 : index
        %get3A_779 = tpu.vector_load %arg9[%get3A_776, %get3A_777, %get3A_778] {strides = array<i32>} : memref<2x128x128xf32, #tpu.memory_space<vmem>>, vector<1x1x16xf32>,
        %get3A_780 = vector.shape_cast %get3A_779 : vector<1x1x16xf32> to vector<16xf32>
        %swap3A_781 = arith.constant 0 : i32
        %swap3A_782 = arith.index_cast %swap3A_781 : i32 to index
        %swap3A_783 = arith.index_cast %add3A_774 : i32 to index
        %swap3A_784 = arith.constant 64 : index
        %swap3A_785 = tpu.vector_load %arg8[%swap3A_782, %swap3A_783, %swap3A_784] {strides = array<i32>} : memref<4x128x128xf32, #tpu.memory_space<vmem>>, vector<1x1x16xf32>,
        %swap3A_786 = vector.shape_cast %swap3A_785 : vector<1x1x16xf32> to vector<16xf32>
        %swap3A_787 = vector.shape_cast %get3A_780 : vector<16xf32> to vector<1x1x16xf32>
        tpu.vector_store %arg8[%swap3A_782, %swap3A_783, %swap3A_784], %swap3A_787 {strides = array<i32>} : memref<4x128x128xf32, #tpu.memory_space<vmem>>, vector<1x1x16xf32>,
        %get3A_788 = arith.constant 0 : i32
        %get3A_789 = arith.index_cast %get3A_788 : i32 to index
        %get3A_790 = arith.index_cast %add3A_774 : i32 to index
        %get3A_791 = arith.constant 16 : index
        %get3A_792 = tpu.vector_load %arg9[%get3A_789, %get3A_790, %get3A_791] {strides = array<i32>} : memref<2x128x128xf32, #tpu.memory_space<vmem>>, vector<1x1x16xf32>,
        %get3A_793 = vector.shape_cast %get3A_792 : vector<1x1x16xf32> to vector<16xf32>
        %swap3A_794 = arith.constant 0 : i32
        %swap3A_795 = arith.index_cast %swap3A_794 : i32 to index
        %swap3A_796 = arith.index_cast %add3A_774 : i32 to index
        %swap3A_797 = arith.constant 80 : index
        %swap3A_798 = tpu.vector_load %arg8[%swap3A_795, %swap3A_796, %swap3A_797] {strides = array<i32>} : memref<4x128x128xf32, #tpu.memory_space<vmem>>, vector<1x1x16xf32>,
        %swap3A_799 = vector.shape_cast %swap3A_798 : vector<1x1x16xf32> to vector<16xf32>
        %swap3A_800 = vector.shape_cast %get3A_793 : vector<16xf32> to vector<1x1x16xf32>
        tpu.vector_store %arg8[%swap3A_795, %swap3A_796, %swap3A_797], %swap3A_800 {strides = array<i32>} : memref<4x128x128xf32, #tpu.memory_space<vmem>>, vector<1x1x16xf32>,
        %get3A_801 = arith.constant 0 : i32
        %get3A_802 = arith.index_cast %get3A_801 : i32 to index
        %get3A_803 = arith.index_cast %add3A_774 : i32 to index
        %get3A_804 = arith.constant 32 : index
        %get3A_805 = tpu.vector_load %arg9[%get3A_802, %get3A_803, %get3A_804] {strides = array<i32>} : memref<2x128x128xf32, #tpu.memory_space<vmem>>, vector<1x1x16xf32>,
        %get3A_806 = vector.shape_cast %get3A_805 : vector<1x1x16xf32> to vector<16xf32>
        %swap3A_807 = arith.constant 0 : i32
        %swap3A_808 = arith.index_cast %swap3A_807 : i32 to index
        %swap3A_809 = arith.index_cast %add3A_774 : i32 to index
        %swap3A_810 = arith.constant 96 : index
        %swap3A_811 = tpu.vector_load %arg8[%swap3A_808, %swap3A_809, %swap3A_810] {strides = array<i32>} : memref<4x128x128xf32, #tpu.memory_space<vmem>>, vector<1x1x16xf32>,
        %swap3A_812 = vector.shape_cast %swap3A_811 : vector<1x1x16xf32> to vector<16xf32>
        %swap3A_813 = vector.shape_cast %get3A_806 : vector<16xf32> to vector<1x1x16xf32>
        tpu.vector_store %arg8[%swap3A_808, %swap3A_809, %swap3A_810], %swap3A_813 {strides = array<i32>} : memref<4x128x128xf32, #tpu.memory_space<vmem>>, vector<1x1x16xf32>,
        %get3A_814 = arith.constant 0 : i32
        %get3A_815 = arith.index_cast %get3A_814 : i32 to index
        %get3A_816 = arith.index_cast %add3A_774 : i32 to index
        %get3A_817 = arith.constant 48 : index
        %get3A_818 = tpu.vector_load %arg9[%get3A_815, %get3A_816, %get3A_817] {strides = array<i32>} : memref<2x128x128xf32, #tpu.memory_space<vmem>>, vector<1x1x16xf32>,
        %get3A_819 = vector.shape_cast %get3A_818 : vector<1x1x16xf32> to vector<16xf32>
        %swap3A_820 = arith.constant 0 : i32
        %swap3A_821 = arith.index_cast %swap3A_820 : i32 to index
        %swap3A_822 = arith.index_cast %add3A_774 : i32 to index
        %swap3A_823 = arith.constant 112 : index
        %swap3A_824 = tpu.vector_load %arg8[%swap3A_821, %swap3A_822, %swap3A_823] {strides = array<i32>} : memref<4x128x128xf32, #tpu.memory_space<vmem>>, vector<1x1x16xf32>,
        %swap3A_825 = vector.shape_cast %swap3A_824 : vector<1x1x16xf32> to vector<16xf32>
        %swap3A_826 = vector.shape_cast %get3A_819 : vector<16xf32> to vector<1x1x16xf32>
        tpu.vector_store %arg8[%swap3A_821, %swap3A_822, %swap3A_823], %swap3A_826 {strides = array<i32>} : memref<4x128x128xf32, #tpu.memory_space<vmem>>, vector<1x1x16xf32>,
      }
      %scan3A_341 = arith.constant 32 : i32
      %add3A_342 = arith.addi %mul3A_2, %add3A_284 : i32
      %mul3A_343 = arith.constant 128 : i32
      %mul3A_344 = arith.muli %add3A_342, %mul3A_343 : i32
      %dma_start3A_345 = arith.constant 0 : i32
      %dma_start3A_346 = arith.constant 0 : i32
      %dma_start3A_347 = arith.constant 0 : i32
      %dma_start3A_348 = arith.constant 0 : i32
      %dma_start3A_349 = tpu.memref_slice %arg8[%dma_start3A_345, %dma_start3A_347, %dma_start3A_348] : memref<4x128x128xf32, #tpu.memory_space<vmem>> -> memref<1x128x128xf32, #tpu.memory_space<vmem>>
      %dma_start3A_350 = tpu.memref_squeeze %dma_start3A_349 : memref<1x128x128xf32, #tpu.memory_space<vmem>> -> memref<128x128xf32, #tpu.memory_space<vmem>>
      %dma_start3A_351 = arith.constant 0 : i32
      %dma_start3A_352 = tpu.memref_slice %arg5[%mul3A_344, %dma_start3A_351] : memref<204800x128xf32, #tpu.memory_space<hbm>> -> memref<128x128xf32, #tpu.memory_space<hbm>>
      %dma_start3A_353 = tpu.memref_slice %arg13[%dma_start3A_346] : memref<4x!tpu.dma_semaphore, #tpu.memory_space<semaphore_mem>> -> memref<1x!tpu.dma_semaphore, #tpu.memory_space<semaphore_mem>>
      %dma_start3A_354 = tpu.memref_squeeze %dma_start3A_353 : memref<1x!tpu.dma_semaphore, #tpu.memory_space<semaphore_mem>> -> memref<!tpu.dma_semaphore, #tpu.memory_space<semaphore_mem>>
      %dma_start3A_355 = arith.constant 0 : i32
      %dma_start3A_356 = tpu.memref_slice %arg5[%mul3A_344, %dma_start3A_355] : memref<204800x128xf32, #tpu.memory_space<hbm>> -> memref<128x128xf32, #tpu.memory_space<hbm>>
      %dma_start3A_357 = arith.constant 0 : i32
      %dma_start3A_358 = arith.constant 0 : i32
      %dma_start3A_359 = tpu.memref_slice %arg8[%dma_start3A_345, %dma_start3A_357, %dma_start3A_358] : memref<4x128x128xf32, #tpu.memory_space<vmem>> -> memref<1x128x128xf32, #tpu.memory_space<vmem>>
      %dma_start3A_360 = tpu.memref_squeeze %dma_start3A_359 : memref<1x128x128xf32, #tpu.memory_space<vmem>> -> memref<128x128xf32, #tpu.memory_space<vmem>>
      tpu.enqueue_dma source(%dma_start3A_360 : memref<128x128xf32, #tpu.memory_space<vmem>>) target(%dma_start3A_356 : memref<128x128xf32, #tpu.memory_space<hbm>>) target_semaphore(%dma_start3A_354 : memref<!tpu.dma_semaphore, #tpu.memory_space<semaphore_mem>>)
      %mul3A_361 = arith.constant 4 : i32
      %mul3A_362 = arith.muli %mul3A_361, %scan3A_280 : i32
      %add3A_363 = arith.constant 1 : i32
      %add3A_364 = arith.addi %mul3A_362, %add3A_363 : i32
      %add3A_365 = arith.constant 2 : i32
      %add3A_366 = arith.addi %add3A_364, %add3A_365 : i32
      %lt3A_367 = arith.constant 50 : i32
      %lt3A_368 = arith.cmpi slt, %add3A_366, %lt3A_367 : i32
      %convert_element_type3A_369 = arith.extui %lt3A_368 : i1 to i32
      %cond3A_370 = arith.constant 0 : i32
      %cond3A_371 = arith.cmpi ne, %convert_element_type3A_369, %cond3A_370 : i32
      scf.if %cond3A_371 {
        %ge3A = arith.constant 2 : i32
        %ge3A_604 = arith.cmpi sge, %add3A_364, %ge3A : i32
        %convert_element_type3A_605 = arith.extui %ge3A_604 : i1 to i32
        %cond3A_606 = arith.constant 0 : i32
        %cond3A_607 = arith.cmpi ne, %convert_element_type3A_605, %cond3A_606 : i32
        scf.if %cond3A_607 {
          %add3A_624 = arith.addi %mul3A_2, %add3A_364 : i32
          %mul3A_625 = arith.constant 128 : i32
          %mul3A_626 = arith.muli %add3A_624, %mul3A_625 : i32
          %dma_wait3A_627 = arith.constant 3 : i32
          %dma_wait3A_628 = arith.constant 3 : i32
          %dma_wait3A_629 = arith.constant 0 : i32
          %dma_wait3A_630 = arith.constant 0 : i32
          %dma_wait3A_631 = tpu.memref_slice %arg8[%dma_wait3A_627, %dma_wait3A_629, %dma_wait3A_630] : memref<4x128x128xf32, #tpu.memory_space<vmem>> -> memref<1x128x128xf32, #tpu.memory_space<vmem>>
          %dma_wait3A_632 = tpu.memref_squeeze %dma_wait3A_631 : memref<1x128x128xf32, #tpu.memory_space<vmem>> -> memref<128x128xf32, #tpu.memory_space<vmem>>
          %dma_wait3A_633 = arith.constant 0 : i32
          %dma_wait3A_634 = tpu.memref_slice %arg5[%mul3A_626, %dma_wait3A_633] : memref<204800x128xf32, #tpu.memory_space<hbm>> -> memref<128x128xf32, #tpu.memory_space<hbm>>
          %dma_wait3A_635 = tpu.memref_slice %arg13[%dma_wait3A_628] : memref<4x!tpu.dma_semaphore, #tpu.memory_space<semaphore_mem>> -> memref<1x!tpu.dma_semaphore, #tpu.memory_space<semaphore_mem>>
          %dma_wait3A_636 = tpu.memref_squeeze %dma_wait3A_635 : memref<1x!tpu.dma_semaphore, #tpu.memory_space<semaphore_mem>> -> memref<!tpu.dma_semaphore, #tpu.memory_space<semaphore_mem>>
          %dma_wait3A_637 = arith.constant 0 : i32
          %dma_wait3A_638 = tpu.memref_slice %arg5[%mul3A_626, %dma_wait3A_637] : memref<204800x128xf32, #tpu.memory_space<hbm>> -> memref<128x128xf32, #tpu.memory_space<hbm>>
          %dma_wait3A_639 = arith.constant 0 : i32
          %dma_wait3A_640 = arith.constant 0 : i32
          %dma_wait3A_641 = tpu.memref_slice %arg8[%dma_wait3A_627, %dma_wait3A_639, %dma_wait3A_640] : memref<4x128x128xf32, #tpu.memory_space<vmem>> -> memref<1x128x128xf32, #tpu.memory_space<vmem>>
          %dma_wait3A_642 = tpu.memref_squeeze %dma_wait3A_641 : memref<1x128x128xf32, #tpu.memory_space<vmem>> -> memref<128x128xf32, #tpu.memory_space<vmem>>
          tpu.wait_dma2 semaphore(%dma_wait3A_636 : memref<!tpu.dma_semaphore, #tpu.memory_space<semaphore_mem>>) src(%dma_wait3A_642 : memref<128x128xf32, #tpu.memory_space<vmem>>) dst(%dma_wait3A_638 : memref<128x128xf32, #tpu.memory_space<hbm>>)
        } else {
        }
        %add3A_608 = arith.constant 2 : i32
        %add3A_609 = arith.addi %add3A_364, %add3A_608 : i32
        %dma_start3A_610 = arith.constant 3 : i32
        %dma_start3A_611 = arith.constant 3 : i32
        %dma_start3A_612 = arith.constant 0 : i32
        %dma_start3A_613 = arith.constant 0 : i32
        %dma_start3A_614 = tpu.memref_slice %arg8[%dma_start3A_610, %dma_start3A_612, %dma_start3A_613] : memref<4x128x128xf32, #tpu.memory_space<vmem>> -> memref<1x128x128xf32, #tpu.memory_space<vmem>>
        %dma_start3A_615 = tpu.memref_squeeze %dma_start3A_614 : memref<1x128x128xf32, #tpu.memory_space<vmem>> -> memref<128x128xf32, #tpu.memory_space<vmem>>
        %dma_start3A_616 = arith.constant 0 : i32
        %dma_start3A_617 = tpu.memref_slice %arg6[%add3A_609, %dma_start3A_616] : memref<50x128xi32, #tpu.memory_space<vmem>> -> memref<1x128xi32, #tpu.memory_space<vmem>>
        %dma_start3A_618 = tpu.memref_squeeze %dma_start3A_617 : memref<1x128xi32, #tpu.memory_space<vmem>> -> memref<128xi32, #tpu.memory_space<vmem>>
        %dma_start3A_619 = arith.constant 0 : i32
        %dma_start3A_620 = arith.constant 0 : i32
        %dma_start3A_621 = tpu.memref_slice %arg4[%dma_start3A_619, %dma_start3A_620] : memref<101600x128xf32, #tpu.memory_space<hbm>> -> memref<101600x128xf32, #tpu.memory_space<hbm>>
        %dma_start3A_622 = tpu.memref_slice %arg11[%dma_start3A_611] : memref<4x!tpu.dma_semaphore, #tpu.memory_space<semaphore_mem>> -> memref<1x!tpu.dma_semaphore, #tpu.memory_space<semaphore_mem>>
        %dma_start3A_623 = tpu.memref_squeeze %dma_start3A_622 : memref<1x!tpu.dma_semaphore, #tpu.memory_space<semaphore_mem>> -> memref<!tpu.dma_semaphore, #tpu.memory_space<semaphore_mem>>
        tpu.enqueue_indirect_dma source(%dma_start3A_621 : memref<101600x128xf32, #tpu.memory_space<hbm>>) target(%dma_start3A_615 : memref<128x128xf32, #tpu.memory_space<vmem>>) offsets(%dma_start3A_618 : memref<128xi32, #tpu.memory_space<vmem>>) semaphore(%dma_start3A_623 : memref<!tpu.dma_semaphore, #tpu.memory_space<semaphore_mem>>)
      } else {
      }
      %add3A_372 = arith.constant 1 : i32
      %add3A_373 = arith.addi %add3A_364, %add3A_372 : i32
      %lt3A_374 = arith.constant 50 : i32
      %lt3A_375 = arith.cmpi slt, %add3A_373, %lt3A_374 : i32
      %convert_element_type3A_376 = arith.extui %lt3A_375 : i1 to i32
      %cond3A_377 = arith.constant 0 : i32
      %cond3A_378 = arith.cmpi ne, %convert_element_type3A_376, %cond3A_377 : i32
      scf.if %cond3A_378 {
        %add3A_604 = arith.constant 1 : i32
        %add3A_605 = arith.addi %add3A_364, %add3A_604 : i32
        %dma_start3A_606 = arith.constant 0 : i32
        %dma_start3A_607 = arith.constant 0 : i32
        %dma_start3A_608 = arith.constant 0 : i32
        %dma_start3A_609 = arith.constant 0 : i32
        %dma_start3A_610 = tpu.memref_slice %arg9[%dma_start3A_606, %dma_start3A_608, %dma_start3A_609] : memref<2x128x128xf32, #tpu.memory_space<vmem>> -> memref<1x128x128xf32, #tpu.memory_space<vmem>>
        %dma_start3A_611 = tpu.memref_squeeze %dma_start3A_610 : memref<1x128x128xf32, #tpu.memory_space<vmem>> -> memref<128x128xf32, #tpu.memory_space<vmem>>
        %dma_start3A_612 = arith.constant 0 : i32
        %dma_start3A_613 = tpu.memref_slice %arg7[%add3A_605, %dma_start3A_612] : memref<50x128xi32, #tpu.memory_space<vmem>> -> memref<1x128xi32, #tpu.memory_space<vmem>>
        %dma_start3A_614 = tpu.memref_squeeze %dma_start3A_613 : memref<1x128xi32, #tpu.memory_space<vmem>> -> memref<128xi32, #tpu.memory_space<vmem>>
        %dma_start3A_615 = arith.constant 0 : i32
        %dma_start3A_616 = arith.constant 0 : i32
        %dma_start3A_617 = tpu.memref_slice %arg10[%dma_start3A_615, %dma_start3A_616] : memref<1600x128xf32, #tpu.memory_space<vmem_shared>> -> memref<1600x128xf32, #tpu.memory_space<vmem_shared>>
        %dma_start3A_618 = tpu.memref_slice %arg12[%dma_start3A_607] : memref<2x!tpu.dma_semaphore, #tpu.memory_space<semaphore_mem>> -> memref<1x!tpu.dma_semaphore, #tpu.memory_space<semaphore_mem>>
        %dma_start3A_619 = tpu.memref_squeeze %dma_start3A_618 : memref<1x!tpu.dma_semaphore, #tpu.memory_space<semaphore_mem>> -> memref<!tpu.dma_semaphore, #tpu.memory_space<semaphore_mem>>
        tpu.enqueue_indirect_dma source(%dma_start3A_617 : memref<1600x128xf32, #tpu.memory_space<vmem_shared>>) target(%dma_start3A_611 : memref<128x128xf32, #tpu.memory_space<vmem>>) offsets(%dma_start3A_614 : memref<128xi32, #tpu.memory_space<vmem>>) semaphore(%dma_start3A_619 : memref<!tpu.dma_semaphore, #tpu.memory_space<semaphore_mem>>)
      } else {
      }
      %add3A_379 = arith.addi %mul3A_2, %add3A_364 : i32
      %mul3A_380 = arith.constant 128 : i32
      %mul3A_381 = arith.muli %add3A_379, %mul3A_380 : i32
      %dma_wait3A_382 = arith.constant 1 : i32
      %dma_wait3A_383 = arith.constant 1 : i32
      %dma_wait3A_384 = arith.constant 0 : i32
      %dma_wait3A_385 = arith.constant 0 : i32
      %dma_wait3A_386 = tpu.memref_slice %arg8[%dma_wait3A_382, %dma_wait3A_384, %dma_wait3A_385] : memref<4x128x128xf32, #tpu.memory_space<vmem>> -> memref<1x128x128xf32, #tpu.memory_space<vmem>>
      %dma_wait3A_387 = tpu.memref_squeeze %dma_wait3A_386 : memref<1x128x128xf32, #tpu.memory_space<vmem>> -> memref<128x128xf32, #tpu.memory_space<vmem>>
      %dma_wait3A_388 = arith.constant 0 : i32
      %dma_wait3A_389 = tpu.memref_slice %arg5[%mul3A_381, %dma_wait3A_388] : memref<204800x128xf32, #tpu.memory_space<hbm>> -> memref<128x128xf32, #tpu.memory_space<hbm>>
      %dma_wait3A_390 = tpu.memref_slice %arg11[%dma_wait3A_383] : memref<4x!tpu.dma_semaphore, #tpu.memory_space<semaphore_mem>> -> memref<1x!tpu.dma_semaphore, #tpu.memory_space<semaphore_mem>>
      %dma_wait3A_391 = tpu.memref_squeeze %dma_wait3A_390 : memref<1x!tpu.dma_semaphore, #tpu.memory_space<semaphore_mem>> -> memref<!tpu.dma_semaphore, #tpu.memory_space<semaphore_mem>>
      %dma_wait3A_392 = arith.constant 0 : i32
      %dma_wait3A_393 = tpu.memref_slice %arg5[%mul3A_381, %dma_wait3A_392] : memref<204800x128xf32, #tpu.memory_space<hbm>> -> memref<128x128xf32, #tpu.memory_space<hbm>>
      %dma_wait3A_394 = arith.constant 0 : i32
      %dma_wait3A_395 = arith.constant 0 : i32
      %dma_wait3A_396 = tpu.memref_slice %arg8[%dma_wait3A_382, %dma_wait3A_394, %dma_wait3A_395] : memref<4x128x128xf32, #tpu.memory_space<vmem>> -> memref<1x128x128xf32, #tpu.memory_space<vmem>>
      %dma_wait3A_397 = tpu.memref_squeeze %dma_wait3A_396 : memref<1x128x128xf32, #tpu.memory_space<vmem>> -> memref<128x128xf32, #tpu.memory_space<vmem>>
      tpu.wait_dma2 semaphore(%dma_wait3A_391 : memref<!tpu.dma_semaphore, #tpu.memory_space<semaphore_mem>>) src(%dma_wait3A_397 : memref<128x128xf32, #tpu.memory_space<vmem>>) dst(%dma_wait3A_393 : memref<128x128xf32, #tpu.memory_space<hbm>>)
      %add3A_398 = arith.addi %mul3A_2, %add3A_364 : i32
      %mul3A_399 = arith.constant 128 : i32
      %mul3A_400 = arith.muli %add3A_398, %mul3A_399 : i32
      %dma_wait3A_401 = arith.constant 1 : i32
      %dma_wait3A_402 = arith.constant 1 : i32
      %dma_wait3A_403 = arith.constant 0 : i32
      %dma_wait3A_404 = arith.constant 0 : i32
      %dma_wait3A_405 = tpu.memref_slice %arg8[%dma_wait3A_401, %dma_wait3A_403, %dma_wait3A_404] : memref<4x128x128xf32, #tpu.memory_space<vmem>> -> memref<1x128x128xf32, #tpu.memory_space<vmem>>
      %dma_wait3A_406 = tpu.memref_squeeze %dma_wait3A_405 : memref<1x128x128xf32, #tpu.memory_space<vmem>> -> memref<128x128xf32, #tpu.memory_space<vmem>>
      %dma_wait3A_407 = arith.constant 0 : i32
      %dma_wait3A_408 = tpu.memref_slice %arg5[%mul3A_400, %dma_wait3A_407] : memref<204800x128xf32, #tpu.memory_space<hbm>> -> memref<128x128xf32, #tpu.memory_space<hbm>>
      %dma_wait3A_409 = tpu.memref_slice %arg12[%dma_wait3A_402] : memref<2x!tpu.dma_semaphore, #tpu.memory_space<semaphore_mem>> -> memref<1x!tpu.dma_semaphore, #tpu.memory_space<semaphore_mem>>
      %dma_wait3A_410 = tpu.memref_squeeze %dma_wait3A_409 : memref<1x!tpu.dma_semaphore, #tpu.memory_space<semaphore_mem>> -> memref<!tpu.dma_semaphore, #tpu.memory_space<semaphore_mem>>
      %dma_wait3A_411 = arith.constant 0 : i32
      %dma_wait3A_412 = tpu.memref_slice %arg5[%mul3A_400, %dma_wait3A_411] : memref<204800x128xf32, #tpu.memory_space<hbm>> -> memref<128x128xf32, #tpu.memory_space<hbm>>
      %dma_wait3A_413 = arith.constant 0 : i32
      %dma_wait3A_414 = arith.constant 0 : i32
      %dma_wait3A_415 = tpu.memref_slice %arg8[%dma_wait3A_401, %dma_wait3A_413, %dma_wait3A_414] : memref<4x128x128xf32, #tpu.memory_space<vmem>> -> memref<1x128x128xf32, #tpu.memory_space<vmem>>
      %dma_wait3A_416 = tpu.memref_squeeze %dma_wait3A_415 : memref<1x128x128xf32, #tpu.memory_space<vmem>> -> memref<128x128xf32, #tpu.memory_space<vmem>>
      tpu.wait_dma2 semaphore(%dma_wait3A_410 : memref<!tpu.dma_semaphore, #tpu.memory_space<semaphore_mem>>) src(%dma_wait3A_416 : memref<128x128xf32, #tpu.memory_space<vmem>>) dst(%dma_wait3A_412 : memref<128x128xf32, #tpu.memory_space<hbm>>)
      %scan3A_417 = arith.constant 0 : i32
      %scan3A_418 = arith.constant 0 : i32
      %scan3A_419 = arith.constant 32 : i32
      %scan3A_420 = arith.addi %scan3A_418, %scan3A_419 : i32
      %scan3A_421 = arith.constant 1 : i32
      scf.for %scan3A_604 = %scan3A_418 to %scan3A_420 step %scan3A_421  : i32 {
        %mul3A_605 = arith.constant 4 : i32
        %mul3A_606 = arith.muli %scan3A_604, %mul3A_605 : i32
        %add3A_607 = arith.constant 0 : i32
        %add3A_608 = arith.addi %mul3A_606, %add3A_607 : i32
        %get3A = arith.constant 1 : i32
        %get3A_609 = arith.index_cast %get3A : i32 to index
        %get3A_610 = arith.index_cast %add3A_608 : i32 to index
        %get3A_611 = arith.constant 0 : index
        %get3A_612 = tpu.vector_load %arg9[%get3A_609, %get3A_610, %get3A_611] {strides = array<i32>} : memref<2x128x128xf32, #tpu.memory_space<vmem>>, vector<1x1x16xf32>,
        %get3A_613 = vector.shape_cast %get3A_612 : vector<1x1x16xf32> to vector<16xf32>
        %swap3A = arith.constant 1 : i32
        %swap3A_614 = arith.index_cast %swap3A : i32 to index
        %swap3A_615 = arith.index_cast %add3A_608 : i32 to index
        %swap3A_616 = arith.constant 64 : index
        %swap3A_617 = tpu.vector_load %arg8[%swap3A_614, %swap3A_615, %swap3A_616] {strides = array<i32>} : memref<4x128x128xf32, #tpu.memory_space<vmem>>, vector<1x1x16xf32>,
        %swap3A_618 = vector.shape_cast %swap3A_617 : vector<1x1x16xf32> to vector<16xf32>
        %swap3A_619 = vector.shape_cast %get3A_613 : vector<16xf32> to vector<1x1x16xf32>
        tpu.vector_store %arg8[%swap3A_614, %swap3A_615, %swap3A_616], %swap3A_619 {strides = array<i32>} : memref<4x128x128xf32, #tpu.memory_space<vmem>>, vector<1x1x16xf32>,
        %get3A_620 = arith.constant 1 : i32
        %get3A_621 = arith.index_cast %get3A_620 : i32 to index
        %get3A_622 = arith.index_cast %add3A_608 : i32 to index
        %get3A_623 = arith.constant 16 : index
        %get3A_624 = tpu.vector_load %arg9[%get3A_621, %get3A_622, %get3A_623] {strides = array<i32>} : memref<2x128x128xf32, #tpu.memory_space<vmem>>, vector<1x1x16xf32>,
        %get3A_625 = vector.shape_cast %get3A_624 : vector<1x1x16xf32> to vector<16xf32>
        %swap3A_626 = arith.constant 1 : i32
        %swap3A_627 = arith.index_cast %swap3A_626 : i32 to index
        %swap3A_628 = arith.index_cast %add3A_608 : i32 to index
        %swap3A_629 = arith.constant 80 : index
        %swap3A_630 = tpu.vector_load %arg8[%swap3A_627, %swap3A_628, %swap3A_629] {strides = array<i32>} : memref<4x128x128xf32, #tpu.memory_space<vmem>>, vector<1x1x16xf32>,
        %swap3A_631 = vector.shape_cast %swap3A_630 : vector<1x1x16xf32> to vector<16xf32>
        %swap3A_632 = vector.shape_cast %get3A_625 : vector<16xf32> to vector<1x1x16xf32>
        tpu.vector_store %arg8[%swap3A_627, %swap3A_628, %swap3A_629], %swap3A_632 {strides = array<i32>} : memref<4x128x128xf32, #tpu.memory_space<vmem>>, vector<1x1x16xf32>,
        %get3A_633 = arith.constant 1 : i32
        %get3A_634 = arith.index_cast %get3A_633 : i32 to index
        %get3A_635 = arith.index_cast %add3A_608 : i32 to index
        %get3A_636 = arith.constant 32 : index
        %get3A_637 = tpu.vector_load %arg9[%get3A_634, %get3A_635, %get3A_636] {strides = array<i32>} : memref<2x128x128xf32, #tpu.memory_space<vmem>>, vector<1x1x16xf32>,
        %get3A_638 = vector.shape_cast %get3A_637 : vector<1x1x16xf32> to vector<16xf32>
        %swap3A_639 = arith.constant 1 : i32
        %swap3A_640 = arith.index_cast %swap3A_639 : i32 to index
        %swap3A_641 = arith.index_cast %add3A_608 : i32 to index
        %swap3A_642 = arith.constant 96 : index
        %swap3A_643 = tpu.vector_load %arg8[%swap3A_640, %swap3A_641, %swap3A_642] {strides = array<i32>} : memref<4x128x128xf32, #tpu.memory_space<vmem>>, vector<1x1x16xf32>,
        %swap3A_644 = vector.shape_cast %swap3A_643 : vector<1x1x16xf32> to vector<16xf32>
        %swap3A_645 = vector.shape_cast %get3A_638 : vector<16xf32> to vector<1x1x16xf32>
        tpu.vector_store %arg8[%swap3A_640, %swap3A_641, %swap3A_642], %swap3A_645 {strides = array<i32>} : memref<4x128x128xf32, #tpu.memory_space<vmem>>, vector<1x1x16xf32>,
        %get3A_646 = arith.constant 1 : i32
        %get3A_647 = arith.index_cast %get3A_646 : i32 to index
        %get3A_648 = arith.index_cast %add3A_608 : i32 to index
        %get3A_649 = arith.constant 48 : index
        %get3A_650 = tpu.vector_load %arg9[%get3A_647, %get3A_648, %get3A_649] {strides = array<i32>} : memref<2x128x128xf32, #tpu.memory_space<vmem>>, vector<1x1x16xf32>,
        %get3A_651 = vector.shape_cast %get3A_650 : vector<1x1x16xf32> to vector<16xf32>
        %swap3A_652 = arith.constant 1 : i32
        %swap3A_653 = arith.index_cast %swap3A_652 : i32 to index
        %swap3A_654 = arith.index_cast %add3A_608 : i32 to index
        %swap3A_655 = arith.constant 112 : index
        %swap3A_656 = tpu.vector_load %arg8[%swap3A_653, %swap3A_654, %swap3A_655] {strides = array<i32>} : memref<4x128x128xf32, #tpu.memory_space<vmem>>, vector<1x1x16xf32>,
        %swap3A_657 = vector.shape_cast %swap3A_656 : vector<1x1x16xf32> to vector<16xf32>
        %swap3A_658 = vector.shape_cast %get3A_651 : vector<16xf32> to vector<1x1x16xf32>
        tpu.vector_store %arg8[%swap3A_653, %swap3A_654, %swap3A_655], %swap3A_658 {strides = array<i32>} : memref<4x128x128xf32, #tpu.memory_space<vmem>>, vector<1x1x16xf32>,
        %mul3A_659 = arith.constant 4 : i32
        %mul3A_660 = arith.muli %scan3A_604, %mul3A_659 : i32
        %add3A_661 = arith.constant 1 : i32
        %add3A_662 = arith.addi %mul3A_660, %add3A_661 : i32
        %get3A_663 = arith.constant 1 : i32
        %get3A_664 = arith.index_cast %get3A_663 : i32 to index
        %get3A_665 = arith.index_cast %add3A_662 : i32 to index
        %get3A_666 = arith.constant 0 : index
        %get3A_667 = tpu.vector_load %arg9[%get3A_664, %get3A_665, %get3A_666] {strides = array<i32>} : memref<2x128x128xf32, #tpu.memory_space<vmem>>, vector<1x1x16xf32>,
        %get3A_668 = vector.shape_cast %get3A_667 : vector<1x1x16xf32> to vector<16xf32>
        %swap3A_669 = arith.constant 1 : i32
        %swap3A_670 = arith.index_cast %swap3A_669 : i32 to index
        %swap3A_671 = arith.index_cast %add3A_662 : i32 to index
        %swap3A_672 = arith.constant 64 : index
        %swap3A_673 = tpu.vector_load %arg8[%swap3A_670, %swap3A_671, %swap3A_672] {strides = array<i32>} : memref<4x128x128xf32, #tpu.memory_space<vmem>>, vector<1x1x16xf32>,
        %swap3A_674 = vector.shape_cast %swap3A_673 : vector<1x1x16xf32> to vector<16xf32>
        %swap3A_675 = vector.shape_cast %get3A_668 : vector<16xf32> to vector<1x1x16xf32>
        tpu.vector_store %arg8[%swap3A_670, %swap3A_671, %swap3A_672], %swap3A_675 {strides = array<i32>} : memref<4x128x128xf32, #tpu.memory_space<vmem>>, vector<1x1x16xf32>,
        %get3A_676 = arith.constant 1 : i32
        %get3A_677 = arith.index_cast %get3A_676 : i32 to index
        %get3A_678 = arith.index_cast %add3A_662 : i32 to index
        %get3A_679 = arith.constant 16 : index
        %get3A_680 = tpu.vector_load %arg9[%get3A_677, %get3A_678, %get3A_679] {strides = array<i32>} : memref<2x128x128xf32, #tpu.memory_space<vmem>>, vector<1x1x16xf32>,
        %get3A_681 = vector.shape_cast %get3A_680 : vector<1x1x16xf32> to vector<16xf32>
        %swap3A_682 = arith.constant 1 : i32
        %swap3A_683 = arith.index_cast %swap3A_682 : i32 to index
        %swap3A_684 = arith.index_cast %add3A_662 : i32 to index
        %swap3A_685 = arith.constant 80 : index
        %swap3A_686 = tpu.vector_load %arg8[%swap3A_683, %swap3A_684, %swap3A_685] {strides = array<i32>} : memref<4x128x128xf32, #tpu.memory_space<vmem>>, vector<1x1x16xf32>,
        %swap3A_687 = vector.shape_cast %swap3A_686 : vector<1x1x16xf32> to vector<16xf32>
        %swap3A_688 = vector.shape_cast %get3A_681 : vector<16xf32> to vector<1x1x16xf32>
        tpu.vector_store %arg8[%swap3A_683, %swap3A_684, %swap3A_685], %swap3A_688 {strides = array<i32>} : memref<4x128x128xf32, #tpu.memory_space<vmem>>, vector<1x1x16xf32>,
        %get3A_689 = arith.constant 1 : i32
        %get3A_690 = arith.index_cast %get3A_689 : i32 to index
        %get3A_691 = arith.index_cast %add3A_662 : i32 to index
        %get3A_692 = arith.constant 32 : index
        %get3A_693 = tpu.vector_load %arg9[%get3A_690, %get3A_691, %get3A_692] {strides = array<i32>} : memref<2x128x128xf32, #tpu.memory_space<vmem>>, vector<1x1x16xf32>,
        %get3A_694 = vector.shape_cast %get3A_693 : vector<1x1x16xf32> to vector<16xf32>
        %swap3A_695 = arith.constant 1 : i32
        %swap3A_696 = arith.index_cast %swap3A_695 : i32 to index
        %swap3A_697 = arith.index_cast %add3A_662 : i32 to index
        %swap3A_698 = arith.constant 96 : index
        %swap3A_699 = tpu.vector_load %arg8[%swap3A_696, %swap3A_697, %swap3A_698] {strides = array<i32>} : memref<4x128x128xf32, #tpu.memory_space<vmem>>, vector<1x1x16xf32>,
        %swap3A_700 = vector.shape_cast %swap3A_699 : vector<1x1x16xf32> to vector<16xf32>
        %swap3A_701 = vector.shape_cast %get3A_694 : vector<16xf32> to vector<1x1x16xf32>
        tpu.vector_store %arg8[%swap3A_696, %swap3A_697, %swap3A_698], %swap3A_701 {strides = array<i32>} : memref<4x128x128xf32, #tpu.memory_space<vmem>>, vector<1x1x16xf32>,
        %get3A_702 = arith.constant 1 : i32
        %get3A_703 = arith.index_cast %get3A_702 : i32 to index
        %get3A_704 = arith.index_cast %add3A_662 : i32 to index
        %get3A_705 = arith.constant 48 : index
        %get3A_706 = tpu.vector_load %arg9[%get3A_703, %get3A_704, %get3A_705] {strides = array<i32>} : memref<2x128x128xf32, #tpu.memory_space<vmem>>, vector<1x1x16xf32>,
        %get3A_707 = vector.shape_cast %get3A_706 : vector<1x1x16xf32> to vector<16xf32>
        %swap3A_708 = arith.constant 1 : i32
        %swap3A_709 = arith.index_cast %swap3A_708 : i32 to index
        %swap3A_710 = arith.index_cast %add3A_662 : i32 to index
        %swap3A_711 = arith.constant 112 : index
        %swap3A_712 = tpu.vector_load %arg8[%swap3A_709, %swap3A_710, %swap3A_711] {strides = array<i32>} : memref<4x128x128xf32, #tpu.memory_space<vmem>>, vector<1x1x16xf32>,
        %swap3A_713 = vector.shape_cast %swap3A_712 : vector<1x1x16xf32> to vector<16xf32>
        %swap3A_714 = vector.shape_cast %get3A_707 : vector<16xf32> to vector<1x1x16xf32>
        tpu.vector_store %arg8[%swap3A_709, %swap3A_710, %swap3A_711], %swap3A_714 {strides = array<i32>} : memref<4x128x128xf32, #tpu.memory_space<vmem>>, vector<1x1x16xf32>,
        %mul3A_715 = arith.constant 4 : i32
        %mul3A_716 = arith.muli %scan3A_604, %mul3A_715 : i32
        %add3A_717 = arith.constant 2 : i32
        %add3A_718 = arith.addi %mul3A_716, %add3A_717 : i32
        %get3A_719 = arith.constant 1 : i32
        %get3A_720 = arith.index_cast %get3A_719 : i32 to index
        %get3A_721 = arith.index_cast %add3A_718 : i32 to index
        %get3A_722 = arith.constant 0 : index
        %get3A_723 = tpu.vector_load %arg9[%get3A_720, %get3A_721, %get3A_722] {strides = array<i32>} : memref<2x128x128xf32, #tpu.memory_space<vmem>>, vector<1x1x16xf32>,
        %get3A_724 = vector.shape_cast %get3A_723 : vector<1x1x16xf32> to vector<16xf32>
        %swap3A_725 = arith.constant 1 : i32
        %swap3A_726 = arith.index_cast %swap3A_725 : i32 to index
        %swap3A_727 = arith.index_cast %add3A_718 : i32 to index
        %swap3A_728 = arith.constant 64 : index
        %swap3A_729 = tpu.vector_load %arg8[%swap3A_726, %swap3A_727, %swap3A_728] {strides = array<i32>} : memref<4x128x128xf32, #tpu.memory_space<vmem>>, vector<1x1x16xf32>,
        %swap3A_730 = vector.shape_cast %swap3A_729 : vector<1x1x16xf32> to vector<16xf32>
        %swap3A_731 = vector.shape_cast %get3A_724 : vector<16xf32> to vector<1x1x16xf32>
        tpu.vector_store %arg8[%swap3A_726, %swap3A_727, %swap3A_728], %swap3A_731 {strides = array<i32>} : memref<4x128x128xf32, #tpu.memory_space<vmem>>, vector<1x1x16xf32>,
        %get3A_732 = arith.constant 1 : i32
        %get3A_733 = arith.index_cast %get3A_732 : i32 to index
        %get3A_734 = arith.index_cast %add3A_718 : i32 to index
        %get3A_735 = arith.constant 16 : index
        %get3A_736 = tpu.vector_load %arg9[%get3A_733, %get3A_734, %get3A_735] {strides = array<i32>} : memref<2x128x128xf32, #tpu.memory_space<vmem>>, vector<1x1x16xf32>,
        %get3A_737 = vector.shape_cast %get3A_736 : vector<1x1x16xf32> to vector<16xf32>
        %swap3A_738 = arith.constant 1 : i32
        %swap3A_739 = arith.index_cast %swap3A_738 : i32 to index
        %swap3A_740 = arith.index_cast %add3A_718 : i32 to index
        %swap3A_741 = arith.constant 80 : index
        %swap3A_742 = tpu.vector_load %arg8[%swap3A_739, %swap3A_740, %swap3A_741] {strides = array<i32>} : memref<4x128x128xf32, #tpu.memory_space<vmem>>, vector<1x1x16xf32>,
        %swap3A_743 = vector.shape_cast %swap3A_742 : vector<1x1x16xf32> to vector<16xf32>
        %swap3A_744 = vector.shape_cast %get3A_737 : vector<16xf32> to vector<1x1x16xf32>
        tpu.vector_store %arg8[%swap3A_739, %swap3A_740, %swap3A_741], %swap3A_744 {strides = array<i32>} : memref<4x128x128xf32, #tpu.memory_space<vmem>>, vector<1x1x16xf32>,
        %get3A_745 = arith.constant 1 : i32
        %get3A_746 = arith.index_cast %get3A_745 : i32 to index
        %get3A_747 = arith.index_cast %add3A_718 : i32 to index
        %get3A_748 = arith.constant 32 : index
        %get3A_749 = tpu.vector_load %arg9[%get3A_746, %get3A_747, %get3A_748] {strides = array<i32>} : memref<2x128x128xf32, #tpu.memory_space<vmem>>, vector<1x1x16xf32>,
        %get3A_750 = vector.shape_cast %get3A_749 : vector<1x1x16xf32> to vector<16xf32>
        %swap3A_751 = arith.constant 1 : i32
        %swap3A_752 = arith.index_cast %swap3A_751 : i32 to index
        %swap3A_753 = arith.index_cast %add3A_718 : i32 to index
        %swap3A_754 = arith.constant 96 : index
        %swap3A_755 = tpu.vector_load %arg8[%swap3A_752, %swap3A_753, %swap3A_754] {strides = array<i32>} : memref<4x128x128xf32, #tpu.memory_space<vmem>>, vector<1x1x16xf32>,
        %swap3A_756 = vector.shape_cast %swap3A_755 : vector<1x1x16xf32> to vector<16xf32>
        %swap3A_757 = vector.shape_cast %get3A_750 : vector<16xf32> to vector<1x1x16xf32>
        tpu.vector_store %arg8[%swap3A_752, %swap3A_753, %swap3A_754], %swap3A_757 {strides = array<i32>} : memref<4x128x128xf32, #tpu.memory_space<vmem>>, vector<1x1x16xf32>,
        %get3A_758 = arith.constant 1 : i32
        %get3A_759 = arith.index_cast %get3A_758 : i32 to index
        %get3A_760 = arith.index_cast %add3A_718 : i32 to index
        %get3A_761 = arith.constant 48 : index
        %get3A_762 = tpu.vector_load %arg9[%get3A_759, %get3A_760, %get3A_761] {strides = array<i32>} : memref<2x128x128xf32, #tpu.memory_space<vmem>>, vector<1x1x16xf32>,
        %get3A_763 = vector.shape_cast %get3A_762 : vector<1x1x16xf32> to vector<16xf32>
        %swap3A_764 = arith.constant 1 : i32
        %swap3A_765 = arith.index_cast %swap3A_764 : i32 to index
        %swap3A_766 = arith.index_cast %add3A_718 : i32 to index
        %swap3A_767 = arith.constant 112 : index
        %swap3A_768 = tpu.vector_load %arg8[%swap3A_765, %swap3A_766, %swap3A_767] {strides = array<i32>} : memref<4x128x128xf32, #tpu.memory_space<vmem>>, vector<1x1x16xf32>,
        %swap3A_769 = vector.shape_cast %swap3A_768 : vector<1x1x16xf32> to vector<16xf32>
        %swap3A_770 = vector.shape_cast %get3A_763 : vector<16xf32> to vector<1x1x16xf32>
        tpu.vector_store %arg8[%swap3A_765, %swap3A_766, %swap3A_767], %swap3A_770 {strides = array<i32>} : memref<4x128x128xf32, #tpu.memory_space<vmem>>, vector<1x1x16xf32>,
        %mul3A_771 = arith.constant 4 : i32
        %mul3A_772 = arith.muli %scan3A_604, %mul3A_771 : i32
        %add3A_773 = arith.constant 3 : i32
        %add3A_774 = arith.addi %mul3A_772, %add3A_773 : i32
        %get3A_775 = arith.constant 1 : i32
        %get3A_776 = arith.index_cast %get3A_775 : i32 to index
        %get3A_777 = arith.index_cast %add3A_774 : i32 to index
        %get3A_778 = arith.constant 0 : index
        %get3A_779 = tpu.vector_load %arg9[%get3A_776, %get3A_777, %get3A_778] {strides = array<i32>} : memref<2x128x128xf32, #tpu.memory_space<vmem>>, vector<1x1x16xf32>,
        %get3A_780 = vector.shape_cast %get3A_779 : vector<1x1x16xf32> to vector<16xf32>
        %swap3A_781 = arith.constant 1 : i32
        %swap3A_782 = arith.index_cast %swap3A_781 : i32 to index
        %swap3A_783 = arith.index_cast %add3A_774 : i32 to index
        %swap3A_784 = arith.constant 64 : index
        %swap3A_785 = tpu.vector_load %arg8[%swap3A_782, %swap3A_783, %swap3A_784] {strides = array<i32>} : memref<4x128x128xf32, #tpu.memory_space<vmem>>, vector<1x1x16xf32>,
        %swap3A_786 = vector.shape_cast %swap3A_785 : vector<1x1x16xf32> to vector<16xf32>
        %swap3A_787 = vector.shape_cast %get3A_780 : vector<16xf32> to vector<1x1x16xf32>
        tpu.vector_store %arg8[%swap3A_782, %swap3A_783, %swap3A_784], %swap3A_787 {strides = array<i32>} : memref<4x128x128xf32, #tpu.memory_space<vmem>>, vector<1x1x16xf32>,
        %get3A_788 = arith.constant 1 : i32
        %get3A_789 = arith.index_cast %get3A_788 : i32 to index
        %get3A_790 = arith.index_cast %add3A_774 : i32 to index
        %get3A_791 = arith.constant 16 : index
        %get3A_792 = tpu.vector_load %arg9[%get3A_789, %get3A_790, %get3A_791] {strides = array<i32>} : memref<2x128x128xf32, #tpu.memory_space<vmem>>, vector<1x1x16xf32>,
        %get3A_793 = vector.shape_cast %get3A_792 : vector<1x1x16xf32> to vector<16xf32>
        %swap3A_794 = arith.constant 1 : i32
        %swap3A_795 = arith.index_cast %swap3A_794 : i32 to index
        %swap3A_796 = arith.index_cast %add3A_774 : i32 to index
        %swap3A_797 = arith.constant 80 : index
        %swap3A_798 = tpu.vector_load %arg8[%swap3A_795, %swap3A_796, %swap3A_797] {strides = array<i32>} : memref<4x128x128xf32, #tpu.memory_space<vmem>>, vector<1x1x16xf32>,
        %swap3A_799 = vector.shape_cast %swap3A_798 : vector<1x1x16xf32> to vector<16xf32>
        %swap3A_800 = vector.shape_cast %get3A_793 : vector<16xf32> to vector<1x1x16xf32>
        tpu.vector_store %arg8[%swap3A_795, %swap3A_796, %swap3A_797], %swap3A_800 {strides = array<i32>} : memref<4x128x128xf32, #tpu.memory_space<vmem>>, vector<1x1x16xf32>,
        %get3A_801 = arith.constant 1 : i32
        %get3A_802 = arith.index_cast %get3A_801 : i32 to index
        %get3A_803 = arith.index_cast %add3A_774 : i32 to index
        %get3A_804 = arith.constant 32 : index
        %get3A_805 = tpu.vector_load %arg9[%get3A_802, %get3A_803, %get3A_804] {strides = array<i32>} : memref<2x128x128xf32, #tpu.memory_space<vmem>>, vector<1x1x16xf32>,
        %get3A_806 = vector.shape_cast %get3A_805 : vector<1x1x16xf32> to vector<16xf32>
        %swap3A_807 = arith.constant 1 : i32
        %swap3A_808 = arith.index_cast %swap3A_807 : i32 to index
        %swap3A_809 = arith.index_cast %add3A_774 : i32 to index
        %swap3A_810 = arith.constant 96 : index
        %swap3A_811 = tpu.vector_load %arg8[%swap3A_808, %swap3A_809, %swap3A_810] {strides = array<i32>} : memref<4x128x128xf32, #tpu.memory_space<vmem>>, vector<1x1x16xf32>,
        %swap3A_812 = vector.shape_cast %swap3A_811 : vector<1x1x16xf32> to vector<16xf32>
        %swap3A_813 = vector.shape_cast %get3A_806 : vector<16xf32> to vector<1x1x16xf32>
        tpu.vector_store %arg8[%swap3A_808, %swap3A_809, %swap3A_810], %swap3A_813 {strides = array<i32>} : memref<4x128x128xf32, #tpu.memory_space<vmem>>, vector<1x1x16xf32>,
        %get3A_814 = arith.constant 1 : i32
        %get3A_815 = arith.index_cast %get3A_814 : i32 to index
        %get3A_816 = arith.index_cast %add3A_774 : i32 to index
        %get3A_817 = arith.constant 48 : index
        %get3A_818 = tpu.vector_load %arg9[%get3A_815, %get3A_816, %get3A_817] {strides = array<i32>} : memref<2x128x128xf32, #tpu.memory_space<vmem>>, vector<1x1x16xf32>,
        %get3A_819 = vector.shape_cast %get3A_818 : vector<1x1x16xf32> to vector<16xf32>
        %swap3A_820 = arith.constant 1 : i32
        %swap3A_821 = arith.index_cast %swap3A_820 : i32 to index
        %swap3A_822 = arith.index_cast %add3A_774 : i32 to index
        %swap3A_823 = arith.constant 112 : index
        %swap3A_824 = tpu.vector_load %arg8[%swap3A_821, %swap3A_822, %swap3A_823] {strides = array<i32>} : memref<4x128x128xf32, #tpu.memory_space<vmem>>, vector<1x1x16xf32>,
        %swap3A_825 = vector.shape_cast %swap3A_824 : vector<1x1x16xf32> to vector<16xf32>
        %swap3A_826 = vector.shape_cast %get3A_819 : vector<16xf32> to vector<1x1x16xf32>
        tpu.vector_store %arg8[%swap3A_821, %swap3A_822, %swap3A_823], %swap3A_826 {strides = array<i32>} : memref<4x128x128xf32, #tpu.memory_space<vmem>>, vector<1x1x16xf32>,
      }
      %scan3A_422 = arith.constant 32 : i32
      %add3A_423 = arith.addi %mul3A_2, %add3A_364 : i32
      %mul3A_424 = arith.constant 128 : i32
      %mul3A_425 = arith.muli %add3A_423, %mul3A_424 : i32
      %dma_start3A_426 = arith.constant 1 : i32
      %dma_start3A_427 = arith.constant 1 : i32
      %dma_start3A_428 = arith.constant 0 : i32
      %dma_start3A_429 = arith.constant 0 : i32
      %dma_start3A_430 = tpu.memref_slice %arg8[%dma_start3A_426, %dma_start3A_428, %dma_start3A_429] : memref<4x128x128xf32, #tpu.memory_space<vmem>> -> memref<1x128x128xf32, #tpu.memory_space<vmem>>
      %dma_start3A_431 = tpu.memref_squeeze %dma_start3A_430 : memref<1x128x128xf32, #tpu.memory_space<vmem>> -> memref<128x128xf32, #tpu.memory_space<vmem>>
      %dma_start3A_432 = arith.constant 0 : i32
      %dma_start3A_433 = tpu.memref_slice %arg5[%mul3A_425, %dma_start3A_432] : memref<204800x128xf32, #tpu.memory_space<hbm>> -> memref<128x128xf32, #tpu.memory_space<hbm>>
      %dma_start3A_434 = tpu.memref_slice %arg13[%dma_start3A_427] : memref<4x!tpu.dma_semaphore, #tpu.memory_space<semaphore_mem>> -> memref<1x!tpu.dma_semaphore, #tpu.memory_space<semaphore_mem>>
      %dma_start3A_435 = tpu.memref_squeeze %dma_start3A_434 : memref<1x!tpu.dma_semaphore, #tpu.memory_space<semaphore_mem>> -> memref<!tpu.dma_semaphore, #tpu.memory_space<semaphore_mem>>
      %dma_start3A_436 = arith.constant 0 : i32
      %dma_start3A_437 = tpu.memref_slice %arg5[%mul3A_425, %dma_start3A_436] : memref<204800x128xf32, #tpu.memory_space<hbm>> -> memref<128x128xf32, #tpu.memory_space<hbm>>
      %dma_start3A_438 = arith.constant 0 : i32
      %dma_start3A_439 = arith.constant 0 : i32
      %dma_start3A_440 = tpu.memref_slice %arg8[%dma_start3A_426, %dma_start3A_438, %dma_start3A_439] : memref<4x128x128xf32, #tpu.memory_space<vmem>> -> memref<1x128x128xf32, #tpu.memory_space<vmem>>
      %dma_start3A_441 = tpu.memref_squeeze %dma_start3A_440 : memref<1x128x128xf32, #tpu.memory_space<vmem>> -> memref<128x128xf32, #tpu.memory_space<vmem>>
      tpu.enqueue_dma source(%dma_start3A_441 : memref<128x128xf32, #tpu.memory_space<vmem>>) target(%dma_start3A_437 : memref<128x128xf32, #tpu.memory_space<hbm>>) target_semaphore(%dma_start3A_435 : memref<!tpu.dma_semaphore, #tpu.memory_space<semaphore_mem>>)
      %mul3A_442 = arith.constant 4 : i32
      %mul3A_443 = arith.muli %mul3A_442, %scan3A_280 : i32
      %add3A_444 = arith.constant 2 : i32
      %add3A_445 = arith.addi %mul3A_443, %add3A_444 : i32
      %add3A_446 = arith.constant 2 : i32
      %add3A_447 = arith.addi %add3A_445, %add3A_446 : i32
      %lt3A_448 = arith.constant 50 : i32
      %lt3A_449 = arith.cmpi slt, %add3A_447, %lt3A_448 : i32
      %convert_element_type3A_450 = arith.extui %lt3A_449 : i1 to i32
      %cond3A_451 = arith.constant 0 : i32
      %cond3A_452 = arith.cmpi ne, %convert_element_type3A_450, %cond3A_451 : i32
      scf.if %cond3A_452 {
        %ge3A = arith.constant 2 : i32
        %ge3A_604 = arith.cmpi sge, %add3A_445, %ge3A : i32
        %convert_element_type3A_605 = arith.extui %ge3A_604 : i1 to i32
        %cond3A_606 = arith.constant 0 : i32
        %cond3A_607 = arith.cmpi ne, %convert_element_type3A_605, %cond3A_606 : i32
        scf.if %cond3A_607 {
          %add3A_624 = arith.addi %mul3A_2, %add3A_445 : i32
          %mul3A_625 = arith.constant 128 : i32
          %mul3A_626 = arith.muli %add3A_624, %mul3A_625 : i32
          %dma_wait3A_627 = arith.constant 0 : i32
          %dma_wait3A_628 = arith.constant 0 : i32
          %dma_wait3A_629 = arith.constant 0 : i32
          %dma_wait3A_630 = arith.constant 0 : i32
          %dma_wait3A_631 = tpu.memref_slice %arg8[%dma_wait3A_627, %dma_wait3A_629, %dma_wait3A_630] : memref<4x128x128xf32, #tpu.memory_space<vmem>> -> memref<1x128x128xf32, #tpu.memory_space<vmem>>
          %dma_wait3A_632 = tpu.memref_squeeze %dma_wait3A_631 : memref<1x128x128xf32, #tpu.memory_space<vmem>> -> memref<128x128xf32, #tpu.memory_space<vmem>>
          %dma_wait3A_633 = arith.constant 0 : i32
          %dma_wait3A_634 = tpu.memref_slice %arg5[%mul3A_626, %dma_wait3A_633] : memref<204800x128xf32, #tpu.memory_space<hbm>> -> memref<128x128xf32, #tpu.memory_space<hbm>>
          %dma_wait3A_635 = tpu.memref_slice %arg13[%dma_wait3A_628] : memref<4x!tpu.dma_semaphore, #tpu.memory_space<semaphore_mem>> -> memref<1x!tpu.dma_semaphore, #tpu.memory_space<semaphore_mem>>
          %dma_wait3A_636 = tpu.memref_squeeze %dma_wait3A_635 : memref<1x!tpu.dma_semaphore, #tpu.memory_space<semaphore_mem>> -> memref<!tpu.dma_semaphore, #tpu.memory_space<semaphore_mem>>
          %dma_wait3A_637 = arith.constant 0 : i32
          %dma_wait3A_638 = tpu.memref_slice %arg5[%mul3A_626, %dma_wait3A_637] : memref<204800x128xf32, #tpu.memory_space<hbm>> -> memref<128x128xf32, #tpu.memory_space<hbm>>
          %dma_wait3A_639 = arith.constant 0 : i32
          %dma_wait3A_640 = arith.constant 0 : i32
          %dma_wait3A_641 = tpu.memref_slice %arg8[%dma_wait3A_627, %dma_wait3A_639, %dma_wait3A_640] : memref<4x128x128xf32, #tpu.memory_space<vmem>> -> memref<1x128x128xf32, #tpu.memory_space<vmem>>
          %dma_wait3A_642 = tpu.memref_squeeze %dma_wait3A_641 : memref<1x128x128xf32, #tpu.memory_space<vmem>> -> memref<128x128xf32, #tpu.memory_space<vmem>>
          tpu.wait_dma2 semaphore(%dma_wait3A_636 : memref<!tpu.dma_semaphore, #tpu.memory_space<semaphore_mem>>) src(%dma_wait3A_642 : memref<128x128xf32, #tpu.memory_space<vmem>>) dst(%dma_wait3A_638 : memref<128x128xf32, #tpu.memory_space<hbm>>)
        } else {
        }
        %add3A_608 = arith.constant 2 : i32
        %add3A_609 = arith.addi %add3A_445, %add3A_608 : i32
        %dma_start3A_610 = arith.constant 0 : i32
        %dma_start3A_611 = arith.constant 0 : i32
        %dma_start3A_612 = arith.constant 0 : i32
        %dma_start3A_613 = arith.constant 0 : i32
        %dma_start3A_614 = tpu.memref_slice %arg8[%dma_start3A_610, %dma_start3A_612, %dma_start3A_613] : memref<4x128x128xf32, #tpu.memory_space<vmem>> -> memref<1x128x128xf32, #tpu.memory_space<vmem>>
        %dma_start3A_615 = tpu.memref_squeeze %dma_start3A_614 : memref<1x128x128xf32, #tpu.memory_space<vmem>> -> memref<128x128xf32, #tpu.memory_space<vmem>>
        %dma_start3A_616 = arith.constant 0 : i32
        %dma_start3A_617 = tpu.memref_slice %arg6[%add3A_609, %dma_start3A_616] : memref<50x128xi32, #tpu.memory_space<vmem>> -> memref<1x128xi32, #tpu.memory_space<vmem>>
        %dma_start3A_618 = tpu.memref_squeeze %dma_start3A_617 : memref<1x128xi32, #tpu.memory_space<vmem>> -> memref<128xi32, #tpu.memory_space<vmem>>
        %dma_start3A_619 = arith.constant 0 : i32
        %dma_start3A_620 = arith.constant 0 : i32
        %dma_start3A_621 = tpu.memref_slice %arg4[%dma_start3A_619, %dma_start3A_620] : memref<101600x128xf32, #tpu.memory_space<hbm>> -> memref<101600x128xf32, #tpu.memory_space<hbm>>
        %dma_start3A_622 = tpu.memref_slice %arg11[%dma_start3A_611] : memref<4x!tpu.dma_semaphore, #tpu.memory_space<semaphore_mem>> -> memref<1x!tpu.dma_semaphore, #tpu.memory_space<semaphore_mem>>
        %dma_start3A_623 = tpu.memref_squeeze %dma_start3A_622 : memref<1x!tpu.dma_semaphore, #tpu.memory_space<semaphore_mem>> -> memref<!tpu.dma_semaphore, #tpu.memory_space<semaphore_mem>>
        tpu.enqueue_indirect_dma source(%dma_start3A_621 : memref<101600x128xf32, #tpu.memory_space<hbm>>) target(%dma_start3A_615 : memref<128x128xf32, #tpu.memory_space<vmem>>) offsets(%dma_start3A_618 : memref<128xi32, #tpu.memory_space<vmem>>) semaphore(%dma_start3A_623 : memref<!tpu.dma_semaphore, #tpu.memory_space<semaphore_mem>>)
      } else {
      }
      %add3A_453 = arith.constant 1 : i32
      %add3A_454 = arith.addi %add3A_445, %add3A_453 : i32
      %lt3A_455 = arith.constant 50 : i32
      %lt3A_456 = arith.cmpi slt, %add3A_454, %lt3A_455 : i32
      %convert_element_type3A_457 = arith.extui %lt3A_456 : i1 to i32
      %cond3A_458 = arith.constant 0 : i32
      %cond3A_459 = arith.cmpi ne, %convert_element_type3A_457, %cond3A_458 : i32
      scf.if %cond3A_459 {
        %add3A_604 = arith.constant 1 : i32
        %add3A_605 = arith.addi %add3A_445, %add3A_604 : i32
        %dma_start3A_606 = arith.constant 1 : i32
        %dma_start3A_607 = arith.constant 1 : i32
        %dma_start3A_608 = arith.constant 0 : i32
        %dma_start3A_609 = arith.constant 0 : i32
        %dma_start3A_610 = tpu.memref_slice %arg9[%dma_start3A_606, %dma_start3A_608, %dma_start3A_609] : memref<2x128x128xf32, #tpu.memory_space<vmem>> -> memref<1x128x128xf32, #tpu.memory_space<vmem>>
        %dma_start3A_611 = tpu.memref_squeeze %dma_start3A_610 : memref<1x128x128xf32, #tpu.memory_space<vmem>> -> memref<128x128xf32, #tpu.memory_space<vmem>>
        %dma_start3A_612 = arith.constant 0 : i32
        %dma_start3A_613 = tpu.memref_slice %arg7[%add3A_605, %dma_start3A_612] : memref<50x128xi32, #tpu.memory_space<vmem>> -> memref<1x128xi32, #tpu.memory_space<vmem>>
        %dma_start3A_614 = tpu.memref_squeeze %dma_start3A_613 : memref<1x128xi32, #tpu.memory_space<vmem>> -> memref<128xi32, #tpu.memory_space<vmem>>
        %dma_start3A_615 = arith.constant 0 : i32
        %dma_start3A_616 = arith.constant 0 : i32
        %dma_start3A_617 = tpu.memref_slice %arg10[%dma_start3A_615, %dma_start3A_616] : memref<1600x128xf32, #tpu.memory_space<vmem_shared>> -> memref<1600x128xf32, #tpu.memory_space<vmem_shared>>
        %dma_start3A_618 = tpu.memref_slice %arg12[%dma_start3A_607] : memref<2x!tpu.dma_semaphore, #tpu.memory_space<semaphore_mem>> -> memref<1x!tpu.dma_semaphore, #tpu.memory_space<semaphore_mem>>
        %dma_start3A_619 = tpu.memref_squeeze %dma_start3A_618 : memref<1x!tpu.dma_semaphore, #tpu.memory_space<semaphore_mem>> -> memref<!tpu.dma_semaphore, #tpu.memory_space<semaphore_mem>>
        tpu.enqueue_indirect_dma source(%dma_start3A_617 : memref<1600x128xf32, #tpu.memory_space<vmem_shared>>) target(%dma_start3A_611 : memref<128x128xf32, #tpu.memory_space<vmem>>) offsets(%dma_start3A_614 : memref<128xi32, #tpu.memory_space<vmem>>) semaphore(%dma_start3A_619 : memref<!tpu.dma_semaphore, #tpu.memory_space<semaphore_mem>>)
      } else {
      }
      %add3A_460 = arith.addi %mul3A_2, %add3A_445 : i32
      %mul3A_461 = arith.constant 128 : i32
      %mul3A_462 = arith.muli %add3A_460, %mul3A_461 : i32
      %dma_wait3A_463 = arith.constant 2 : i32
      %dma_wait3A_464 = arith.constant 2 : i32
      %dma_wait3A_465 = arith.constant 0 : i32
      %dma_wait3A_466 = arith.constant 0 : i32
      %dma_wait3A_467 = tpu.memref_slice %arg8[%dma_wait3A_463, %dma_wait3A_465, %dma_wait3A_466] : memref<4x128x128xf32, #tpu.memory_space<vmem>> -> memref<1x128x128xf32, #tpu.memory_space<vmem>>
      %dma_wait3A_468 = tpu.memref_squeeze %dma_wait3A_467 : memref<1x128x128xf32, #tpu.memory_space<vmem>> -> memref<128x128xf32, #tpu.memory_space<vmem>>
      %dma_wait3A_469 = arith.constant 0 : i32
      %dma_wait3A_470 = tpu.memref_slice %arg5[%mul3A_462, %dma_wait3A_469] : memref<204800x128xf32, #tpu.memory_space<hbm>> -> memref<128x128xf32, #tpu.memory_space<hbm>>
      %dma_wait3A_471 = tpu.memref_slice %arg11[%dma_wait3A_464] : memref<4x!tpu.dma_semaphore, #tpu.memory_space<semaphore_mem>> -> memref<1x!tpu.dma_semaphore, #tpu.memory_space<semaphore_mem>>
      %dma_wait3A_472 = tpu.memref_squeeze %dma_wait3A_471 : memref<1x!tpu.dma_semaphore, #tpu.memory_space<semaphore_mem>> -> memref<!tpu.dma_semaphore, #tpu.memory_space<semaphore_mem>>
      %dma_wait3A_473 = arith.constant 0 : i32
      %dma_wait3A_474 = tpu.memref_slice %arg5[%mul3A_462, %dma_wait3A_473] : memref<204800x128xf32, #tpu.memory_space<hbm>> -> memref<128x128xf32, #tpu.memory_space<hbm>>
      %dma_wait3A_475 = arith.constant 0 : i32
      %dma_wait3A_476 = arith.constant 0 : i32
      %dma_wait3A_477 = tpu.memref_slice %arg8[%dma_wait3A_463, %dma_wait3A_475, %dma_wait3A_476] : memref<4x128x128xf32, #tpu.memory_space<vmem>> -> memref<1x128x128xf32, #tpu.memory_space<vmem>>
      %dma_wait3A_478 = tpu.memref_squeeze %dma_wait3A_477 : memref<1x128x128xf32, #tpu.memory_space<vmem>> -> memref<128x128xf32, #tpu.memory_space<vmem>>
      tpu.wait_dma2 semaphore(%dma_wait3A_472 : memref<!tpu.dma_semaphore, #tpu.memory_space<semaphore_mem>>) src(%dma_wait3A_478 : memref<128x128xf32, #tpu.memory_space<vmem>>) dst(%dma_wait3A_474 : memref<128x128xf32, #tpu.memory_space<hbm>>)
      %add3A_479 = arith.addi %mul3A_2, %add3A_445 : i32
      %mul3A_480 = arith.constant 128 : i32
      %mul3A_481 = arith.muli %add3A_479, %mul3A_480 : i32
      %dma_wait3A_482 = arith.constant 0 : i32
      %dma_wait3A_483 = arith.constant 0 : i32
      %dma_wait3A_484 = arith.constant 0 : i32
      %dma_wait3A_485 = arith.constant 0 : i32
      %dma_wait3A_486 = tpu.memref_slice %arg8[%dma_wait3A_482, %dma_wait3A_484, %dma_wait3A_485] : memref<4x128x128xf32, #tpu.memory_space<vmem>> -> memref<1x128x128xf32, #tpu.memory_space<vmem>>
      %dma_wait3A_487 = tpu.memref_squeeze %dma_wait3A_486 : memref<1x128x128xf32, #tpu.memory_space<vmem>> -> memref<128x128xf32, #tpu.memory_space<vmem>>
      %dma_wait3A_488 = arith.constant 0 : i32
      %dma_wait3A_489 = tpu.memref_slice %arg5[%mul3A_481, %dma_wait3A_488] : memref<204800x128xf32, #tpu.memory_space<hbm>> -> memref<128x128xf32, #tpu.memory_space<hbm>>
      %dma_wait3A_490 = tpu.memref_slice %arg12[%dma_wait3A_483] : memref<2x!tpu.dma_semaphore, #tpu.memory_space<semaphore_mem>> -> memref<1x!tpu.dma_semaphore, #tpu.memory_space<semaphore_mem>>
      %dma_wait3A_491 = tpu.memref_squeeze %dma_wait3A_490 : memref<1x!tpu.dma_semaphore, #tpu.memory_space<semaphore_mem>> -> memref<!tpu.dma_semaphore, #tpu.memory_space<semaphore_mem>>
      %dma_wait3A_492 = arith.constant 0 : i32
      %dma_wait3A_493 = tpu.memref_slice %arg5[%mul3A_481, %dma_wait3A_492] : memref<204800x128xf32, #tpu.memory_space<hbm>> -> memref<128x128xf32, #tpu.memory_space<hbm>>
      %dma_wait3A_494 = arith.constant 0 : i32
      %dma_wait3A_495 = arith.constant 0 : i32
      %dma_wait3A_496 = tpu.memref_slice %arg8[%dma_wait3A_482, %dma_wait3A_494, %dma_wait3A_495] : memref<4x128x128xf32, #tpu.memory_space<vmem>> -> memref<1x128x128xf32, #tpu.memory_space<vmem>>
      %dma_wait3A_497 = tpu.memref_squeeze %dma_wait3A_496 : memref<1x128x128xf32, #tpu.memory_space<vmem>> -> memref<128x128xf32, #tpu.memory_space<vmem>>
      tpu.wait_dma2 semaphore(%dma_wait3A_491 : memref<!tpu.dma_semaphore, #tpu.memory_space<semaphore_mem>>) src(%dma_wait3A_497 : memref<128x128xf32, #tpu.memory_space<vmem>>) dst(%dma_wait3A_493 : memref<128x128xf32, #tpu.memory_space<hbm>>)
      %scan3A_498 = arith.constant 0 : i32
      %scan3A_499 = arith.constant 0 : i32
      %scan3A_500 = arith.constant 32 : i32
      %scan3A_501 = arith.addi %scan3A_499, %scan3A_500 : i32
      %scan3A_502 = arith.constant 1 : i32
      scf.for %scan3A_604 = %scan3A_499 to %scan3A_501 step %scan3A_502  : i32 {
        %mul3A_605 = arith.constant 4 : i32
        %mul3A_606 = arith.muli %scan3A_604, %mul3A_605 : i32
        %add3A_607 = arith.constant 0 : i32
        %add3A_608 = arith.addi %mul3A_606, %add3A_607 : i32
        %get3A = arith.constant 0 : i32
        %get3A_609 = arith.index_cast %get3A : i32 to index
        %get3A_610 = arith.index_cast %add3A_608 : i32 to index
        %get3A_611 = arith.constant 0 : index
        %get3A_612 = tpu.vector_load %arg9[%get3A_609, %get3A_610, %get3A_611] {strides = array<i32>} : memref<2x128x128xf32, #tpu.memory_space<vmem>>, vector<1x1x16xf32>,
        %get3A_613 = vector.shape_cast %get3A_612 : vector<1x1x16xf32> to vector<16xf32>
        %swap3A = arith.constant 2 : i32
        %swap3A_614 = arith.index_cast %swap3A : i32 to index
        %swap3A_615 = arith.index_cast %add3A_608 : i32 to index
        %swap3A_616 = arith.constant 64 : index
        %swap3A_617 = tpu.vector_load %arg8[%swap3A_614, %swap3A_615, %swap3A_616] {strides = array<i32>} : memref<4x128x128xf32, #tpu.memory_space<vmem>>, vector<1x1x16xf32>,
        %swap3A_618 = vector.shape_cast %swap3A_617 : vector<1x1x16xf32> to vector<16xf32>
        %swap3A_619 = vector.shape_cast %get3A_613 : vector<16xf32> to vector<1x1x16xf32>
        tpu.vector_store %arg8[%swap3A_614, %swap3A_615, %swap3A_616], %swap3A_619 {strides = array<i32>} : memref<4x128x128xf32, #tpu.memory_space<vmem>>, vector<1x1x16xf32>,
        %get3A_620 = arith.constant 0 : i32
        %get3A_621 = arith.index_cast %get3A_620 : i32 to index
        %get3A_622 = arith.index_cast %add3A_608 : i32 to index
        %get3A_623 = arith.constant 16 : index
        %get3A_624 = tpu.vector_load %arg9[%get3A_621, %get3A_622, %get3A_623] {strides = array<i32>} : memref<2x128x128xf32, #tpu.memory_space<vmem>>, vector<1x1x16xf32>,
        %get3A_625 = vector.shape_cast %get3A_624 : vector<1x1x16xf32> to vector<16xf32>
        %swap3A_626 = arith.constant 2 : i32
        %swap3A_627 = arith.index_cast %swap3A_626 : i32 to index
        %swap3A_628 = arith.index_cast %add3A_608 : i32 to index
        %swap3A_629 = arith.constant 80 : index
        %swap3A_630 = tpu.vector_load %arg8[%swap3A_627, %swap3A_628, %swap3A_629] {strides = array<i32>} : memref<4x128x128xf32, #tpu.memory_space<vmem>>, vector<1x1x16xf32>,
        %swap3A_631 = vector.shape_cast %swap3A_630 : vector<1x1x16xf32> to vector<16xf32>
        %swap3A_632 = vector.shape_cast %get3A_625 : vector<16xf32> to vector<1x1x16xf32>
        tpu.vector_store %arg8[%swap3A_627, %swap3A_628, %swap3A_629], %swap3A_632 {strides = array<i32>} : memref<4x128x128xf32, #tpu.memory_space<vmem>>, vector<1x1x16xf32>,
        %get3A_633 = arith.constant 0 : i32
        %get3A_634 = arith.index_cast %get3A_633 : i32 to index
        %get3A_635 = arith.index_cast %add3A_608 : i32 to index
        %get3A_636 = arith.constant 32 : index
        %get3A_637 = tpu.vector_load %arg9[%get3A_634, %get3A_635, %get3A_636] {strides = array<i32>} : memref<2x128x128xf32, #tpu.memory_space<vmem>>, vector<1x1x16xf32>,
        %get3A_638 = vector.shape_cast %get3A_637 : vector<1x1x16xf32> to vector<16xf32>
        %swap3A_639 = arith.constant 2 : i32
        %swap3A_640 = arith.index_cast %swap3A_639 : i32 to index
        %swap3A_641 = arith.index_cast %add3A_608 : i32 to index
        %swap3A_642 = arith.constant 96 : index
        %swap3A_643 = tpu.vector_load %arg8[%swap3A_640, %swap3A_641, %swap3A_642] {strides = array<i32>} : memref<4x128x128xf32, #tpu.memory_space<vmem>>, vector<1x1x16xf32>,
        %swap3A_644 = vector.shape_cast %swap3A_643 : vector<1x1x16xf32> to vector<16xf32>
        %swap3A_645 = vector.shape_cast %get3A_638 : vector<16xf32> to vector<1x1x16xf32>
        tpu.vector_store %arg8[%swap3A_640, %swap3A_641, %swap3A_642], %swap3A_645 {strides = array<i32>} : memref<4x128x128xf32, #tpu.memory_space<vmem>>, vector<1x1x16xf32>,
        %get3A_646 = arith.constant 0 : i32
        %get3A_647 = arith.index_cast %get3A_646 : i32 to index
        %get3A_648 = arith.index_cast %add3A_608 : i32 to index
        %get3A_649 = arith.constant 48 : index
        %get3A_650 = tpu.vector_load %arg9[%get3A_647, %get3A_648, %get3A_649] {strides = array<i32>} : memref<2x128x128xf32, #tpu.memory_space<vmem>>, vector<1x1x16xf32>,
        %get3A_651 = vector.shape_cast %get3A_650 : vector<1x1x16xf32> to vector<16xf32>
        %swap3A_652 = arith.constant 2 : i32
        %swap3A_653 = arith.index_cast %swap3A_652 : i32 to index
        %swap3A_654 = arith.index_cast %add3A_608 : i32 to index
        %swap3A_655 = arith.constant 112 : index
        %swap3A_656 = tpu.vector_load %arg8[%swap3A_653, %swap3A_654, %swap3A_655] {strides = array<i32>} : memref<4x128x128xf32, #tpu.memory_space<vmem>>, vector<1x1x16xf32>,
        %swap3A_657 = vector.shape_cast %swap3A_656 : vector<1x1x16xf32> to vector<16xf32>
        %swap3A_658 = vector.shape_cast %get3A_651 : vector<16xf32> to vector<1x1x16xf32>
        tpu.vector_store %arg8[%swap3A_653, %swap3A_654, %swap3A_655], %swap3A_658 {strides = array<i32>} : memref<4x128x128xf32, #tpu.memory_space<vmem>>, vector<1x1x16xf32>,
        %mul3A_659 = arith.constant 4 : i32
        %mul3A_660 = arith.muli %scan3A_604, %mul3A_659 : i32
        %add3A_661 = arith.constant 1 : i32
        %add3A_662 = arith.addi %mul3A_660, %add3A_661 : i32
        %get3A_663 = arith.constant 0 : i32
        %get3A_664 = arith.index_cast %get3A_663 : i32 to index
        %get3A_665 = arith.index_cast %add3A_662 : i32 to index
        %get3A_666 = arith.constant 0 : index
        %get3A_667 = tpu.vector_load %arg9[%get3A_664, %get3A_665, %get3A_666] {strides = array<i32>} : memref<2x128x128xf32, #tpu.memory_space<vmem>>, vector<1x1x16xf32>,
        %get3A_668 = vector.shape_cast %get3A_667 : vector<1x1x16xf32> to vector<16xf32>
        %swap3A_669 = arith.constant 2 : i32
        %swap3A_670 = arith.index_cast %swap3A_669 : i32 to index
        %swap3A_671 = arith.index_cast %add3A_662 : i32 to index
        %swap3A_672 = arith.constant 64 : index
        %swap3A_673 = tpu.vector_load %arg8[%swap3A_670, %swap3A_671, %swap3A_672] {strides = array<i32>} : memref<4x128x128xf32, #tpu.memory_space<vmem>>, vector<1x1x16xf32>,
        %swap3A_674 = vector.shape_cast %swap3A_673 : vector<1x1x16xf32> to vector<16xf32>
        %swap3A_675 = vector.shape_cast %get3A_668 : vector<16xf32> to vector<1x1x16xf32>
        tpu.vector_store %arg8[%swap3A_670, %swap3A_671, %swap3A_672], %swap3A_675 {strides = array<i32>} : memref<4x128x128xf32, #tpu.memory_space<vmem>>, vector<1x1x16xf32>,
        %get3A_676 = arith.constant 0 : i32
        %get3A_677 = arith.index_cast %get3A_676 : i32 to index
        %get3A_678 = arith.index_cast %add3A_662 : i32 to index
        %get3A_679 = arith.constant 16 : index
        %get3A_680 = tpu.vector_load %arg9[%get3A_677, %get3A_678, %get3A_679] {strides = array<i32>} : memref<2x128x128xf32, #tpu.memory_space<vmem>>, vector<1x1x16xf32>,
        %get3A_681 = vector.shape_cast %get3A_680 : vector<1x1x16xf32> to vector<16xf32>
        %swap3A_682 = arith.constant 2 : i32
        %swap3A_683 = arith.index_cast %swap3A_682 : i32 to index
        %swap3A_684 = arith.index_cast %add3A_662 : i32 to index
        %swap3A_685 = arith.constant 80 : index
        %swap3A_686 = tpu.vector_load %arg8[%swap3A_683, %swap3A_684, %swap3A_685] {strides = array<i32>} : memref<4x128x128xf32, #tpu.memory_space<vmem>>, vector<1x1x16xf32>,
        %swap3A_687 = vector.shape_cast %swap3A_686 : vector<1x1x16xf32> to vector<16xf32>
        %swap3A_688 = vector.shape_cast %get3A_681 : vector<16xf32> to vector<1x1x16xf32>
        tpu.vector_store %arg8[%swap3A_683, %swap3A_684, %swap3A_685], %swap3A_688 {strides = array<i32>} : memref<4x128x128xf32, #tpu.memory_space<vmem>>, vector<1x1x16xf32>,
        %get3A_689 = arith.constant 0 : i32
        %get3A_690 = arith.index_cast %get3A_689 : i32 to index
        %get3A_691 = arith.index_cast %add3A_662 : i32 to index
        %get3A_692 = arith.constant 32 : index
        %get3A_693 = tpu.vector_load %arg9[%get3A_690, %get3A_691, %get3A_692] {strides = array<i32>} : memref<2x128x128xf32, #tpu.memory_space<vmem>>, vector<1x1x16xf32>,
        %get3A_694 = vector.shape_cast %get3A_693 : vector<1x1x16xf32> to vector<16xf32>
        %swap3A_695 = arith.constant 2 : i32
        %swap3A_696 = arith.index_cast %swap3A_695 : i32 to index
        %swap3A_697 = arith.index_cast %add3A_662 : i32 to index
        %swap3A_698 = arith.constant 96 : index
        %swap3A_699 = tpu.vector_load %arg8[%swap3A_696, %swap3A_697, %swap3A_698] {strides = array<i32>} : memref<4x128x128xf32, #tpu.memory_space<vmem>>, vector<1x1x16xf32>,
        %swap3A_700 = vector.shape_cast %swap3A_699 : vector<1x1x16xf32> to vector<16xf32>
        %swap3A_701 = vector.shape_cast %get3A_694 : vector<16xf32> to vector<1x1x16xf32>
        tpu.vector_store %arg8[%swap3A_696, %swap3A_697, %swap3A_698], %swap3A_701 {strides = array<i32>} : memref<4x128x128xf32, #tpu.memory_space<vmem>>, vector<1x1x16xf32>,
        %get3A_702 = arith.constant 0 : i32
        %get3A_703 = arith.index_cast %get3A_702 : i32 to index
        %get3A_704 = arith.index_cast %add3A_662 : i32 to index
        %get3A_705 = arith.constant 48 : index
        %get3A_706 = tpu.vector_load %arg9[%get3A_703, %get3A_704, %get3A_705] {strides = array<i32>} : memref<2x128x128xf32, #tpu.memory_space<vmem>>, vector<1x1x16xf32>,
        %get3A_707 = vector.shape_cast %get3A_706 : vector<1x1x16xf32> to vector<16xf32>
        %swap3A_708 = arith.constant 2 : i32
        %swap3A_709 = arith.index_cast %swap3A_708 : i32 to index
        %swap3A_710 = arith.index_cast %add3A_662 : i32 to index
        %swap3A_711 = arith.constant 112 : index
        %swap3A_712 = tpu.vector_load %arg8[%swap3A_709, %swap3A_710, %swap3A_711] {strides = array<i32>} : memref<4x128x128xf32, #tpu.memory_space<vmem>>, vector<1x1x16xf32>,
        %swap3A_713 = vector.shape_cast %swap3A_712 : vector<1x1x16xf32> to vector<16xf32>
        %swap3A_714 = vector.shape_cast %get3A_707 : vector<16xf32> to vector<1x1x16xf32>
        tpu.vector_store %arg8[%swap3A_709, %swap3A_710, %swap3A_711], %swap3A_714 {strides = array<i32>} : memref<4x128x128xf32, #tpu.memory_space<vmem>>, vector<1x1x16xf32>,
        %mul3A_715 = arith.constant 4 : i32
        %mul3A_716 = arith.muli %scan3A_604, %mul3A_715 : i32
        %add3A_717 = arith.constant 2 : i32
        %add3A_718 = arith.addi %mul3A_716, %add3A_717 : i32
        %get3A_719 = arith.constant 0 : i32
        %get3A_720 = arith.index_cast %get3A_719 : i32 to index
        %get3A_721 = arith.index_cast %add3A_718 : i32 to index
        %get3A_722 = arith.constant 0 : index
        %get3A_723 = tpu.vector_load %arg9[%get3A_720, %get3A_721, %get3A_722] {strides = array<i32>} : memref<2x128x128xf32, #tpu.memory_space<vmem>>, vector<1x1x16xf32>,
        %get3A_724 = vector.shape_cast %get3A_723 : vector<1x1x16xf32> to vector<16xf32>
        %swap3A_725 = arith.constant 2 : i32
        %swap3A_726 = arith.index_cast %swap3A_725 : i32 to index
        %swap3A_727 = arith.index_cast %add3A_718 : i32 to index
        %swap3A_728 = arith.constant 64 : index
        %swap3A_729 = tpu.vector_load %arg8[%swap3A_726, %swap3A_727, %swap3A_728] {strides = array<i32>} : memref<4x128x128xf32, #tpu.memory_space<vmem>>, vector<1x1x16xf32>,
        %swap3A_730 = vector.shape_cast %swap3A_729 : vector<1x1x16xf32> to vector<16xf32>
        %swap3A_731 = vector.shape_cast %get3A_724 : vector<16xf32> to vector<1x1x16xf32>
        tpu.vector_store %arg8[%swap3A_726, %swap3A_727, %swap3A_728], %swap3A_731 {strides = array<i32>} : memref<4x128x128xf32, #tpu.memory_space<vmem>>, vector<1x1x16xf32>,
        %get3A_732 = arith.constant 0 : i32
        %get3A_733 = arith.index_cast %get3A_732 : i32 to index
        %get3A_734 = arith.index_cast %add3A_718 : i32 to index
        %get3A_735 = arith.constant 16 : index
        %get3A_736 = tpu.vector_load %arg9[%get3A_733, %get3A_734, %get3A_735] {strides = array<i32>} : memref<2x128x128xf32, #tpu.memory_space<vmem>>, vector<1x1x16xf32>,
        %get3A_737 = vector.shape_cast %get3A_736 : vector<1x1x16xf32> to vector<16xf32>
        %swap3A_738 = arith.constant 2 : i32
        %swap3A_739 = arith.index_cast %swap3A_738 : i32 to index
        %swap3A_740 = arith.index_cast %add3A_718 : i32 to index
        %swap3A_741 = arith.constant 80 : index
        %swap3A_742 = tpu.vector_load %arg8[%swap3A_739, %swap3A_740, %swap3A_741] {strides = array<i32>} : memref<4x128x128xf32, #tpu.memory_space<vmem>>, vector<1x1x16xf32>,
        %swap3A_743 = vector.shape_cast %swap3A_742 : vector<1x1x16xf32> to vector<16xf32>
        %swap3A_744 = vector.shape_cast %get3A_737 : vector<16xf32> to vector<1x1x16xf32>
        tpu.vector_store %arg8[%swap3A_739, %swap3A_740, %swap3A_741], %swap3A_744 {strides = array<i32>} : memref<4x128x128xf32, #tpu.memory_space<vmem>>, vector<1x1x16xf32>,
        %get3A_745 = arith.constant 0 : i32
        %get3A_746 = arith.index_cast %get3A_745 : i32 to index
        %get3A_747 = arith.index_cast %add3A_718 : i32 to index
        %get3A_748 = arith.constant 32 : index
        %get3A_749 = tpu.vector_load %arg9[%get3A_746, %get3A_747, %get3A_748] {strides = array<i32>} : memref<2x128x128xf32, #tpu.memory_space<vmem>>, vector<1x1x16xf32>,
        %get3A_750 = vector.shape_cast %get3A_749 : vector<1x1x16xf32> to vector<16xf32>
        %swap3A_751 = arith.constant 2 : i32
        %swap3A_752 = arith.index_cast %swap3A_751 : i32 to index
        %swap3A_753 = arith.index_cast %add3A_718 : i32 to index
        %swap3A_754 = arith.constant 96 : index
        %swap3A_755 = tpu.vector_load %arg8[%swap3A_752, %swap3A_753, %swap3A_754] {strides = array<i32>} : memref<4x128x128xf32, #tpu.memory_space<vmem>>, vector<1x1x16xf32>,
        %swap3A_756 = vector.shape_cast %swap3A_755 : vector<1x1x16xf32> to vector<16xf32>
        %swap3A_757 = vector.shape_cast %get3A_750 : vector<16xf32> to vector<1x1x16xf32>
        tpu.vector_store %arg8[%swap3A_752, %swap3A_753, %swap3A_754], %swap3A_757 {strides = array<i32>} : memref<4x128x128xf32, #tpu.memory_space<vmem>>, vector<1x1x16xf32>,
        %get3A_758 = arith.constant 0 : i32
        %get3A_759 = arith.index_cast %get3A_758 : i32 to index
        %get3A_760 = arith.index_cast %add3A_718 : i32 to index
        %get3A_761 = arith.constant 48 : index
        %get3A_762 = tpu.vector_load %arg9[%get3A_759, %get3A_760, %get3A_761] {strides = array<i32>} : memref<2x128x128xf32, #tpu.memory_space<vmem>>, vector<1x1x16xf32>,
        %get3A_763 = vector.shape_cast %get3A_762 : vector<1x1x16xf32> to vector<16xf32>
        %swap3A_764 = arith.constant 2 : i32
        %swap3A_765 = arith.index_cast %swap3A_764 : i32 to index
        %swap3A_766 = arith.index_cast %add3A_718 : i32 to index
        %swap3A_767 = arith.constant 112 : index
        %swap3A_768 = tpu.vector_load %arg8[%swap3A_765, %swap3A_766, %swap3A_767] {strides = array<i32>} : memref<4x128x128xf32, #tpu.memory_space<vmem>>, vector<1x1x16xf32>,
        %swap3A_769 = vector.shape_cast %swap3A_768 : vector<1x1x16xf32> to vector<16xf32>
        %swap3A_770 = vector.shape_cast %get3A_763 : vector<16xf32> to vector<1x1x16xf32>
        tpu.vector_store %arg8[%swap3A_765, %swap3A_766, %swap3A_767], %swap3A_770 {strides = array<i32>} : memref<4x128x128xf32, #tpu.memory_space<vmem>>, vector<1x1x16xf32>,
        %mul3A_771 = arith.constant 4 : i32
        %mul3A_772 = arith.muli %scan3A_604, %mul3A_771 : i32
        %add3A_773 = arith.constant 3 : i32
        %add3A_774 = arith.addi %mul3A_772, %add3A_773 : i32
        %get3A_775 = arith.constant 0 : i32
        %get3A_776 = arith.index_cast %get3A_775 : i32 to index
        %get3A_777 = arith.index_cast %add3A_774 : i32 to index
        %get3A_778 = arith.constant 0 : index
        %get3A_779 = tpu.vector_load %arg9[%get3A_776, %get3A_777, %get3A_778] {strides = array<i32>} : memref<2x128x128xf32, #tpu.memory_space<vmem>>, vector<1x1x16xf32>,
        %get3A_780 = vector.shape_cast %get3A_779 : vector<1x1x16xf32> to vector<16xf32>
        %swap3A_781 = arith.constant 2 : i32
        %swap3A_782 = arith.index_cast %swap3A_781 : i32 to index
        %swap3A_783 = arith.index_cast %add3A_774 : i32 to index
        %swap3A_784 = arith.constant 64 : index
        %swap3A_785 = tpu.vector_load %arg8[%swap3A_782, %swap3A_783, %swap3A_784] {strides = array<i32>} : memref<4x128x128xf32, #tpu.memory_space<vmem>>, vector<1x1x16xf32>,
        %swap3A_786 = vector.shape_cast %swap3A_785 : vector<1x1x16xf32> to vector<16xf32>
        %swap3A_787 = vector.shape_cast %get3A_780 : vector<16xf32> to vector<1x1x16xf32>
        tpu.vector_store %arg8[%swap3A_782, %swap3A_783, %swap3A_784], %swap3A_787 {strides = array<i32>} : memref<4x128x128xf32, #tpu.memory_space<vmem>>, vector<1x1x16xf32>,
        %get3A_788 = arith.constant 0 : i32
        %get3A_789 = arith.index_cast %get3A_788 : i32 to index
        %get3A_790 = arith.index_cast %add3A_774 : i32 to index
        %get3A_791 = arith.constant 16 : index
        %get3A_792 = tpu.vector_load %arg9[%get3A_789, %get3A_790, %get3A_791] {strides = array<i32>} : memref<2x128x128xf32, #tpu.memory_space<vmem>>, vector<1x1x16xf32>,
        %get3A_793 = vector.shape_cast %get3A_792 : vector<1x1x16xf32> to vector<16xf32>
        %swap3A_794 = arith.constant 2 : i32
        %swap3A_795 = arith.index_cast %swap3A_794 : i32 to index
        %swap3A_796 = arith.index_cast %add3A_774 : i32 to index
        %swap3A_797 = arith.constant 80 : index
        %swap3A_798 = tpu.vector_load %arg8[%swap3A_795, %swap3A_796, %swap3A_797] {strides = array<i32>} : memref<4x128x128xf32, #tpu.memory_space<vmem>>, vector<1x1x16xf32>,
        %swap3A_799 = vector.shape_cast %swap3A_798 : vector<1x1x16xf32> to vector<16xf32>
        %swap3A_800 = vector.shape_cast %get3A_793 : vector<16xf32> to vector<1x1x16xf32>
        tpu.vector_store %arg8[%swap3A_795, %swap3A_796, %swap3A_797], %swap3A_800 {strides = array<i32>} : memref<4x128x128xf32, #tpu.memory_space<vmem>>, vector<1x1x16xf32>,
        %get3A_801 = arith.constant 0 : i32
        %get3A_802 = arith.index_cast %get3A_801 : i32 to index
        %get3A_803 = arith.index_cast %add3A_774 : i32 to index
        %get3A_804 = arith.constant 32 : index
        %get3A_805 = tpu.vector_load %arg9[%get3A_802, %get3A_803, %get3A_804] {strides = array<i32>} : memref<2x128x128xf32, #tpu.memory_space<vmem>>, vector<1x1x16xf32>,
        %get3A_806 = vector.shape_cast %get3A_805 : vector<1x1x16xf32> to vector<16xf32>
        %swap3A_807 = arith.constant 2 : i32
        %swap3A_808 = arith.index_cast %swap3A_807 : i32 to index
        %swap3A_809 = arith.index_cast %add3A_774 : i32 to index
        %swap3A_810 = arith.constant 96 : index
        %swap3A_811 = tpu.vector_load %arg8[%swap3A_808, %swap3A_809, %swap3A_810] {strides = array<i32>} : memref<4x128x128xf32, #tpu.memory_space<vmem>>, vector<1x1x16xf32>,
        %swap3A_812 = vector.shape_cast %swap3A_811 : vector<1x1x16xf32> to vector<16xf32>
        %swap3A_813 = vector.shape_cast %get3A_806 : vector<16xf32> to vector<1x1x16xf32>
        tpu.vector_store %arg8[%swap3A_808, %swap3A_809, %swap3A_810], %swap3A_813 {strides = array<i32>} : memref<4x128x128xf32, #tpu.memory_space<vmem>>, vector<1x1x16xf32>,
        %get3A_814 = arith.constant 0 : i32
        %get3A_815 = arith.index_cast %get3A_814 : i32 to index
        %get3A_816 = arith.index_cast %add3A_774 : i32 to index
        %get3A_817 = arith.constant 48 : index
        %get3A_818 = tpu.vector_load %arg9[%get3A_815, %get3A_816, %get3A_817] {strides = array<i32>} : memref<2x128x128xf32, #tpu.memory_space<vmem>>, vector<1x1x16xf32>,
        %get3A_819 = vector.shape_cast %get3A_818 : vector<1x1x16xf32> to vector<16xf32>
        %swap3A_820 = arith.constant 2 : i32
        %swap3A_821 = arith.index_cast %swap3A_820 : i32 to index
        %swap3A_822 = arith.index_cast %add3A_774 : i32 to index
        %swap3A_823 = arith.constant 112 : index
        %swap3A_824 = tpu.vector_load %arg8[%swap3A_821, %swap3A_822, %swap3A_823] {strides = array<i32>} : memref<4x128x128xf32, #tpu.memory_space<vmem>>, vector<1x1x16xf32>,
        %swap3A_825 = vector.shape_cast %swap3A_824 : vector<1x1x16xf32> to vector<16xf32>
        %swap3A_826 = vector.shape_cast %get3A_819 : vector<16xf32> to vector<1x1x16xf32>
        tpu.vector_store %arg8[%swap3A_821, %swap3A_822, %swap3A_823], %swap3A_826 {strides = array<i32>} : memref<4x128x128xf32, #tpu.memory_space<vmem>>, vector<1x1x16xf32>,
      }
      %scan3A_503 = arith.constant 32 : i32
      %add3A_504 = arith.addi %mul3A_2, %add3A_445 : i32
      %mul3A_505 = arith.constant 128 : i32
      %mul3A_506 = arith.muli %add3A_504, %mul3A_505 : i32
      %dma_start3A_507 = arith.constant 2 : i32
      %dma_start3A_508 = arith.constant 2 : i32
      %dma_start3A_509 = arith.constant 0 : i32
      %dma_start3A_510 = arith.constant 0 : i32
      %dma_start3A_511 = tpu.memref_slice %arg8[%dma_start3A_507, %dma_start3A_509, %dma_start3A_510] : memref<4x128x128xf32, #tpu.memory_space<vmem>> -> memref<1x128x128xf32, #tpu.memory_space<vmem>>
      %dma_start3A_512 = tpu.memref_squeeze %dma_start3A_511 : memref<1x128x128xf32, #tpu.memory_space<vmem>> -> memref<128x128xf32, #tpu.memory_space<vmem>>
      %dma_start3A_513 = arith.constant 0 : i32
      %dma_start3A_514 = tpu.memref_slice %arg5[%mul3A_506, %dma_start3A_513] : memref<204800x128xf32, #tpu.memory_space<hbm>> -> memref<128x128xf32, #tpu.memory_space<hbm>>
      %dma_start3A_515 = tpu.memref_slice %arg13[%dma_start3A_508] : memref<4x!tpu.dma_semaphore, #tpu.memory_space<semaphore_mem>> -> memref<1x!tpu.dma_semaphore, #tpu.memory_space<semaphore_mem>>
      %dma_start3A_516 = tpu.memref_squeeze %dma_start3A_515 : memref<1x!tpu.dma_semaphore, #tpu.memory_space<semaphore_mem>> -> memref<!tpu.dma_semaphore, #tpu.memory_space<semaphore_mem>>
      %dma_start3A_517 = arith.constant 0 : i32
      %dma_start3A_518 = tpu.memref_slice %arg5[%mul3A_506, %dma_start3A_517] : memref<204800x128xf32, #tpu.memory_space<hbm>> -> memref<128x128xf32, #tpu.memory_space<hbm>>
      %dma_start3A_519 = arith.constant 0 : i32
      %dma_start3A_520 = arith.constant 0 : i32
      %dma_start3A_521 = tpu.memref_slice %arg8[%dma_start3A_507, %dma_start3A_519, %dma_start3A_520] : memref<4x128x128xf32, #tpu.memory_space<vmem>> -> memref<1x128x128xf32, #tpu.memory_space<vmem>>
      %dma_start3A_522 = tpu.memref_squeeze %dma_start3A_521 : memref<1x128x128xf32, #tpu.memory_space<vmem>> -> memref<128x128xf32, #tpu.memory_space<vmem>>
      tpu.enqueue_dma source(%dma_start3A_522 : memref<128x128xf32, #tpu.memory_space<vmem>>) target(%dma_start3A_518 : memref<128x128xf32, #tpu.memory_space<hbm>>) target_semaphore(%dma_start3A_516 : memref<!tpu.dma_semaphore, #tpu.memory_space<semaphore_mem>>)
      %mul3A_523 = arith.constant 4 : i32
      %mul3A_524 = arith.muli %mul3A_523, %scan3A_280 : i32
      %add3A_525 = arith.constant 3 : i32
      %add3A_526 = arith.addi %mul3A_524, %add3A_525 : i32
      %add3A_527 = arith.constant 2 : i32
      %add3A_528 = arith.addi %add3A_526, %add3A_527 : i32
      %lt3A_529 = arith.constant 50 : i32
      %lt3A_530 = arith.cmpi slt, %add3A_528, %lt3A_529 : i32
      %convert_element_type3A_531 = arith.extui %lt3A_530 : i1 to i32
      %cond3A_532 = arith.constant 0 : i32
      %cond3A_533 = arith.cmpi ne, %convert_element_type3A_531, %cond3A_532 : i32
      scf.if %cond3A_533 {
        %ge3A = arith.constant 2 : i32
        %ge3A_604 = arith.cmpi sge, %add3A_526, %ge3A : i32
        %convert_element_type3A_605 = arith.extui %ge3A_604 : i1 to i32
        %cond3A_606 = arith.constant 0 : i32
        %cond3A_607 = arith.cmpi ne, %convert_element_type3A_605, %cond3A_606 : i32
        scf.if %cond3A_607 {
          %add3A_624 = arith.addi %mul3A_2, %add3A_526 : i32
          %mul3A_625 = arith.constant 128 : i32
          %mul3A_626 = arith.muli %add3A_624, %mul3A_625 : i32
          %dma_wait3A_627 = arith.constant 1 : i32
          %dma_wait3A_628 = arith.constant 1 : i32
          %dma_wait3A_629 = arith.constant 0 : i32
          %dma_wait3A_630 = arith.constant 0 : i32
          %dma_wait3A_631 = tpu.memref_slice %arg8[%dma_wait3A_627, %dma_wait3A_629, %dma_wait3A_630] : memref<4x128x128xf32, #tpu.memory_space<vmem>> -> memref<1x128x128xf32, #tpu.memory_space<vmem>>
          %dma_wait3A_632 = tpu.memref_squeeze %dma_wait3A_631 : memref<1x128x128xf32, #tpu.memory_space<vmem>> -> memref<128x128xf32, #tpu.memory_space<vmem>>
          %dma_wait3A_633 = arith.constant 0 : i32
          %dma_wait3A_634 = tpu.memref_slice %arg5[%mul3A_626, %dma_wait3A_633] : memref<204800x128xf32, #tpu.memory_space<hbm>> -> memref<128x128xf32, #tpu.memory_space<hbm>>
          %dma_wait3A_635 = tpu.memref_slice %arg13[%dma_wait3A_628] : memref<4x!tpu.dma_semaphore, #tpu.memory_space<semaphore_mem>> -> memref<1x!tpu.dma_semaphore, #tpu.memory_space<semaphore_mem>>
          %dma_wait3A_636 = tpu.memref_squeeze %dma_wait3A_635 : memref<1x!tpu.dma_semaphore, #tpu.memory_space<semaphore_mem>> -> memref<!tpu.dma_semaphore, #tpu.memory_space<semaphore_mem>>
          %dma_wait3A_637 = arith.constant 0 : i32
          %dma_wait3A_638 = tpu.memref_slice %arg5[%mul3A_626, %dma_wait3A_637] : memref<204800x128xf32, #tpu.memory_space<hbm>> -> memref<128x128xf32, #tpu.memory_space<hbm>>
          %dma_wait3A_639 = arith.constant 0 : i32
          %dma_wait3A_640 = arith.constant 0 : i32
          %dma_wait3A_641 = tpu.memref_slice %arg8[%dma_wait3A_627, %dma_wait3A_639, %dma_wait3A_640] : memref<4x128x128xf32, #tpu.memory_space<vmem>> -> memref<1x128x128xf32, #tpu.memory_space<vmem>>
          %dma_wait3A_642 = tpu.memref_squeeze %dma_wait3A_641 : memref<1x128x128xf32, #tpu.memory_space<vmem>> -> memref<128x128xf32, #tpu.memory_space<vmem>>
          tpu.wait_dma2 semaphore(%dma_wait3A_636 : memref<!tpu.dma_semaphore, #tpu.memory_space<semaphore_mem>>) src(%dma_wait3A_642 : memref<128x128xf32, #tpu.memory_space<vmem>>) dst(%dma_wait3A_638 : memref<128x128xf32, #tpu.memory_space<hbm>>)
        } else {
        }
        %add3A_608 = arith.constant 2 : i32
        %add3A_609 = arith.addi %add3A_526, %add3A_608 : i32
        %dma_start3A_610 = arith.constant 1 : i32
        %dma_start3A_611 = arith.constant 1 : i32
        %dma_start3A_612 = arith.constant 0 : i32
        %dma_start3A_613 = arith.constant 0 : i32
        %dma_start3A_614 = tpu.memref_slice %arg8[%dma_start3A_610, %dma_start3A_612, %dma_start3A_613] : memref<4x128x128xf32, #tpu.memory_space<vmem>> -> memref<1x128x128xf32, #tpu.memory_space<vmem>>
        %dma_start3A_615 = tpu.memref_squeeze %dma_start3A_614 : memref<1x128x128xf32, #tpu.memory_space<vmem>> -> memref<128x128xf32, #tpu.memory_space<vmem>>
        %dma_start3A_616 = arith.constant 0 : i32
        %dma_start3A_617 = tpu.memref_slice %arg6[%add3A_609, %dma_start3A_616] : memref<50x128xi32, #tpu.memory_space<vmem>> -> memref<1x128xi32, #tpu.memory_space<vmem>>
        %dma_start3A_618 = tpu.memref_squeeze %dma_start3A_617 : memref<1x128xi32, #tpu.memory_space<vmem>> -> memref<128xi32, #tpu.memory_space<vmem>>
        %dma_start3A_619 = arith.constant 0 : i32
        %dma_start3A_620 = arith.constant 0 : i32
        %dma_start3A_621 = tpu.memref_slice %arg4[%dma_start3A_619, %dma_start3A_620] : memref<101600x128xf32, #tpu.memory_space<hbm>> -> memref<101600x128xf32, #tpu.memory_space<hbm>>
        %dma_start3A_622 = tpu.memref_slice %arg11[%dma_start3A_611] : memref<4x!tpu.dma_semaphore, #tpu.memory_space<semaphore_mem>> -> memref<1x!tpu.dma_semaphore, #tpu.memory_space<semaphore_mem>>
        %dma_start3A_623 = tpu.memref_squeeze %dma_start3A_622 : memref<1x!tpu.dma_semaphore, #tpu.memory_space<semaphore_mem>> -> memref<!tpu.dma_semaphore, #tpu.memory_space<semaphore_mem>>
        tpu.enqueue_indirect_dma source(%dma_start3A_621 : memref<101600x128xf32, #tpu.memory_space<hbm>>) target(%dma_start3A_615 : memref<128x128xf32, #tpu.memory_space<vmem>>) offsets(%dma_start3A_618 : memref<128xi32, #tpu.memory_space<vmem>>) semaphore(%dma_start3A_623 : memref<!tpu.dma_semaphore, #tpu.memory_space<semaphore_mem>>)
      } else {
      }
      %add3A_534 = arith.constant 1 : i32
      %add3A_535 = arith.addi %add3A_526, %add3A_534 : i32
      %lt3A_536 = arith.constant 50 : i32
      %lt3A_537 = arith.cmpi slt, %add3A_535, %lt3A_536 : i32
      %convert_element_type3A_538 = arith.extui %lt3A_537 : i1 to i32
      %cond3A_539 = arith.constant 0 : i32
      %cond3A_540 = arith.cmpi ne, %convert_element_type3A_538, %cond3A_539 : i32
      scf.if %cond3A_540 {
        %add3A_604 = arith.constant 1 : i32
        %add3A_605 = arith.addi %add3A_526, %add3A_604 : i32
        %dma_start3A_606 = arith.constant 0 : i32
        %dma_start3A_607 = arith.constant 0 : i32
        %dma_start3A_608 = arith.constant 0 : i32
        %dma_start3A_609 = arith.constant 0 : i32
        %dma_start3A_610 = tpu.memref_slice %arg9[%dma_start3A_606, %dma_start3A_608, %dma_start3A_609] : memref<2x128x128xf32, #tpu.memory_space<vmem>> -> memref<1x128x128xf32, #tpu.memory_space<vmem>>
        %dma_start3A_611 = tpu.memref_squeeze %dma_start3A_610 : memref<1x128x128xf32, #tpu.memory_space<vmem>> -> memref<128x128xf32, #tpu.memory_space<vmem>>
        %dma_start3A_612 = arith.constant 0 : i32
        %dma_start3A_613 = tpu.memref_slice %arg7[%add3A_605, %dma_start3A_612] : memref<50x128xi32, #tpu.memory_space<vmem>> -> memref<1x128xi32, #tpu.memory_space<vmem>>
        %dma_start3A_614 = tpu.memref_squeeze %dma_start3A_613 : memref<1x128xi32, #tpu.memory_space<vmem>> -> memref<128xi32, #tpu.memory_space<vmem>>
        %dma_start3A_615 = arith.constant 0 : i32
        %dma_start3A_616 = arith.constant 0 : i32
        %dma_start3A_617 = tpu.memref_slice %arg10[%dma_start3A_615, %dma_start3A_616] : memref<1600x128xf32, #tpu.memory_space<vmem_shared>> -> memref<1600x128xf32, #tpu.memory_space<vmem_shared>>
        %dma_start3A_618 = tpu.memref_slice %arg12[%dma_start3A_607] : memref<2x!tpu.dma_semaphore, #tpu.memory_space<semaphore_mem>> -> memref<1x!tpu.dma_semaphore, #tpu.memory_space<semaphore_mem>>
        %dma_start3A_619 = tpu.memref_squeeze %dma_start3A_618 : memref<1x!tpu.dma_semaphore, #tpu.memory_space<semaphore_mem>> -> memref<!tpu.dma_semaphore, #tpu.memory_space<semaphore_mem>>
        tpu.enqueue_indirect_dma source(%dma_start3A_617 : memref<1600x128xf32, #tpu.memory_space<vmem_shared>>) target(%dma_start3A_611 : memref<128x128xf32, #tpu.memory_space<vmem>>) offsets(%dma_start3A_614 : memref<128xi32, #tpu.memory_space<vmem>>) semaphore(%dma_start3A_619 : memref<!tpu.dma_semaphore, #tpu.memory_space<semaphore_mem>>)
      } else {
      }
      %add3A_541 = arith.addi %mul3A_2, %add3A_526 : i32
      %mul3A_542 = arith.constant 128 : i32
      %mul3A_543 = arith.muli %add3A_541, %mul3A_542 : i32
      %dma_wait3A_544 = arith.constant 3 : i32
      %dma_wait3A_545 = arith.constant 3 : i32
      %dma_wait3A_546 = arith.constant 0 : i32
      %dma_wait3A_547 = arith.constant 0 : i32
      %dma_wait3A_548 = tpu.memref_slice %arg8[%dma_wait3A_544, %dma_wait3A_546, %dma_wait3A_547] : memref<4x128x128xf32, #tpu.memory_space<vmem>> -> memref<1x128x128xf32, #tpu.memory_space<vmem>>
      %dma_wait3A_549 = tpu.memref_squeeze %dma_wait3A_548 : memref<1x128x128xf32, #tpu.memory_space<vmem>> -> memref<128x128xf32, #tpu.memory_space<vmem>>
      %dma_wait3A_550 = arith.constant 0 : i32
      %dma_wait3A_551 = tpu.memref_slice %arg5[%mul3A_543, %dma_wait3A_550] : memref<204800x128xf32, #tpu.memory_space<hbm>> -> memref<128x128xf32, #tpu.memory_space<hbm>>
      %dma_wait3A_552 = tpu.memref_slice %arg11[%dma_wait3A_545] : memref<4x!tpu.dma_semaphore, #tpu.memory_space<semaphore_mem>> -> memref<1x!tpu.dma_semaphore, #tpu.memory_space<semaphore_mem>>
      %dma_wait3A_553 = tpu.memref_squeeze %dma_wait3A_552 : memref<1x!tpu.dma_semaphore, #tpu.memory_space<semaphore_mem>> -> memref<!tpu.dma_semaphore, #tpu.memory_space<semaphore_mem>>
      %dma_wait3A_554 = arith.constant 0 : i32
      %dma_wait3A_555 = tpu.memref_slice %arg5[%mul3A_543, %dma_wait3A_554] : memref<204800x128xf32, #tpu.memory_space<hbm>> -> memref<128x128xf32, #tpu.memory_space<hbm>>
      %dma_wait3A_556 = arith.constant 0 : i32
      %dma_wait3A_557 = arith.constant 0 : i32
      %dma_wait3A_558 = tpu.memref_slice %arg8[%dma_wait3A_544, %dma_wait3A_556, %dma_wait3A_557] : memref<4x128x128xf32, #tpu.memory_space<vmem>> -> memref<1x128x128xf32, #tpu.memory_space<vmem>>
      %dma_wait3A_559 = tpu.memref_squeeze %dma_wait3A_558 : memref<1x128x128xf32, #tpu.memory_space<vmem>> -> memref<128x128xf32, #tpu.memory_space<vmem>>
      tpu.wait_dma2 semaphore(%dma_wait3A_553 : memref<!tpu.dma_semaphore, #tpu.memory_space<semaphore_mem>>) src(%dma_wait3A_559 : memref<128x128xf32, #tpu.memory_space<vmem>>) dst(%dma_wait3A_555 : memref<128x128xf32, #tpu.memory_space<hbm>>)
      %add3A_560 = arith.addi %mul3A_2, %add3A_526 : i32
      %mul3A_561 = arith.constant 128 : i32
      %mul3A_562 = arith.muli %add3A_560, %mul3A_561 : i32
      %dma_wait3A_563 = arith.constant 1 : i32
      %dma_wait3A_564 = arith.constant 1 : i32
      %dma_wait3A_565 = arith.constant 0 : i32
      %dma_wait3A_566 = arith.constant 0 : i32
      %dma_wait3A_567 = tpu.memref_slice %arg8[%dma_wait3A_563, %dma_wait3A_565, %dma_wait3A_566] : memref<4x128x128xf32, #tpu.memory_space<vmem>> -> memref<1x128x128xf32, #tpu.memory_space<vmem>>
      %dma_wait3A_568 = tpu.memref_squeeze %dma_wait3A_567 : memref<1x128x128xf32, #tpu.memory_space<vmem>> -> memref<128x128xf32, #tpu.memory_space<vmem>>
      %dma_wait3A_569 = arith.constant 0 : i32
      %dma_wait3A_570 = tpu.memref_slice %arg5[%mul3A_562, %dma_wait3A_569] : memref<204800x128xf32, #tpu.memory_space<hbm>> -> memref<128x128xf32, #tpu.memory_space<hbm>>
      %dma_wait3A_571 = tpu.memref_slice %arg12[%dma_wait3A_564] : memref<2x!tpu.dma_semaphore, #tpu.memory_space<semaphore_mem>> -> memref<1x!tpu.dma_semaphore, #tpu.memory_space<semaphore_mem>>
      %dma_wait3A_572 = tpu.memref_squeeze %dma_wait3A_571 : memref<1x!tpu.dma_semaphore, #tpu.memory_space<semaphore_mem>> -> memref<!tpu.dma_semaphore, #tpu.memory_space<semaphore_mem>>
      %dma_wait3A_573 = arith.constant 0 : i32
      %dma_wait3A_574 = tpu.memref_slice %arg5[%mul3A_562, %dma_wait3A_573] : memref<204800x128xf32, #tpu.memory_space<hbm>> -> memref<128x128xf32, #tpu.memory_space<hbm>>
      %dma_wait3A_575 = arith.constant 0 : i32
      %dma_wait3A_576 = arith.constant 0 : i32
      %dma_wait3A_577 = tpu.memref_slice %arg8[%dma_wait3A_563, %dma_wait3A_575, %dma_wait3A_576] : memref<4x128x128xf32, #tpu.memory_space<vmem>> -> memref<1x128x128xf32, #tpu.memory_space<vmem>>
      %dma_wait3A_578 = tpu.memref_squeeze %dma_wait3A_577 : memref<1x128x128xf32, #tpu.memory_space<vmem>> -> memref<128x128xf32, #tpu.memory_space<vmem>>
      tpu.wait_dma2 semaphore(%dma_wait3A_572 : memref<!tpu.dma_semaphore, #tpu.memory_space<semaphore_mem>>) src(%dma_wait3A_578 : memref<128x128xf32, #tpu.memory_space<vmem>>) dst(%dma_wait3A_574 : memref<128x128xf32, #tpu.memory_space<hbm>>)
      %scan3A_579 = arith.constant 0 : i32
      %scan3A_580 = arith.constant 0 : i32
      %scan3A_581 = arith.constant 32 : i32
      %scan3A_582 = arith.addi %scan3A_580, %scan3A_581 : i32
      %scan3A_583 = arith.constant 1 : i32
      scf.for %scan3A_604 = %scan3A_580 to %scan3A_582 step %scan3A_583  : i32 {
        %mul3A_605 = arith.constant 4 : i32
        %mul3A_606 = arith.muli %scan3A_604, %mul3A_605 : i32
        %add3A_607 = arith.constant 0 : i32
        %add3A_608 = arith.addi %mul3A_606, %add3A_607 : i32
        %get3A = arith.constant 1 : i32
        %get3A_609 = arith.index_cast %get3A : i32 to index
        %get3A_610 = arith.index_cast %add3A_608 : i32 to index
        %get3A_611 = arith.constant 0 : index
        %get3A_612 = tpu.vector_load %arg9[%get3A_609, %get3A_610, %get3A_611] {strides = array<i32>} : memref<2x128x128xf32, #tpu.memory_space<vmem>>, vector<1x1x16xf32>,
        %get3A_613 = vector.shape_cast %get3A_612 : vector<1x1x16xf32> to vector<16xf32>
        %swap3A = arith.constant 3 : i32
        %swap3A_614 = arith.index_cast %swap3A : i32 to index
        %swap3A_615 = arith.index_cast %add3A_608 : i32 to index
        %swap3A_616 = arith.constant 64 : index
        %swap3A_617 = tpu.vector_load %arg8[%swap3A_614, %swap3A_615, %swap3A_616] {strides = array<i32>} : memref<4x128x128xf32, #tpu.memory_space<vmem>>, vector<1x1x16xf32>,
        %swap3A_618 = vector.shape_cast %swap3A_617 : vector<1x1x16xf32> to vector<16xf32>
        %swap3A_619 = vector.shape_cast %get3A_613 : vector<16xf32> to vector<1x1x16xf32>
        tpu.vector_store %arg8[%swap3A_614, %swap3A_615, %swap3A_616], %swap3A_619 {strides = array<i32>} : memref<4x128x128xf32, #tpu.memory_space<vmem>>, vector<1x1x16xf32>,
        %get3A_620 = arith.constant 1 : i32
        %get3A_621 = arith.index_cast %get3A_620 : i32 to index
        %get3A_622 = arith.index_cast %add3A_608 : i32 to index
        %get3A_623 = arith.constant 16 : index
        %get3A_624 = tpu.vector_load %arg9[%get3A_621, %get3A_622, %get3A_623] {strides = array<i32>} : memref<2x128x128xf32, #tpu.memory_space<vmem>>, vector<1x1x16xf32>,
        %get3A_625 = vector.shape_cast %get3A_624 : vector<1x1x16xf32> to vector<16xf32>
        %swap3A_626 = arith.constant 3 : i32
        %swap3A_627 = arith.index_cast %swap3A_626 : i32 to index
        %swap3A_628 = arith.index_cast %add3A_608 : i32 to index
        %swap3A_629 = arith.constant 80 : index
        %swap3A_630 = tpu.vector_load %arg8[%swap3A_627, %swap3A_628, %swap3A_629] {strides = array<i32>} : memref<4x128x128xf32, #tpu.memory_space<vmem>>, vector<1x1x16xf32>,
        %swap3A_631 = vector.shape_cast %swap3A_630 : vector<1x1x16xf32> to vector<16xf32>
        %swap3A_632 = vector.shape_cast %get3A_625 : vector<16xf32> to vector<1x1x16xf32>
        tpu.vector_store %arg8[%swap3A_627, %swap3A_628, %swap3A_629], %swap3A_632 {strides = array<i32>} : memref<4x128x128xf32, #tpu.memory_space<vmem>>, vector<1x1x16xf32>,
        %get3A_633 = arith.constant 1 : i32
        %get3A_634 = arith.index_cast %get3A_633 : i32 to index
        %get3A_635 = arith.index_cast %add3A_608 : i32 to index
        %get3A_636 = arith.constant 32 : index
        %get3A_637 = tpu.vector_load %arg9[%get3A_634, %get3A_635, %get3A_636] {strides = array<i32>} : memref<2x128x128xf32, #tpu.memory_space<vmem>>, vector<1x1x16xf32>,
        %get3A_638 = vector.shape_cast %get3A_637 : vector<1x1x16xf32> to vector<16xf32>
        %swap3A_639 = arith.constant 3 : i32
        %swap3A_640 = arith.index_cast %swap3A_639 : i32 to index
        %swap3A_641 = arith.index_cast %add3A_608 : i32 to index
        %swap3A_642 = arith.constant 96 : index
        %swap3A_643 = tpu.vector_load %arg8[%swap3A_640, %swap3A_641, %swap3A_642] {strides = array<i32>} : memref<4x128x128xf32, #tpu.memory_space<vmem>>, vector<1x1x16xf32>,
        %swap3A_644 = vector.shape_cast %swap3A_643 : vector<1x1x16xf32> to vector<16xf32>
        %swap3A_645 = vector.shape_cast %get3A_638 : vector<16xf32> to vector<1x1x16xf32>
        tpu.vector_store %arg8[%swap3A_640, %swap3A_641, %swap3A_642], %swap3A_645 {strides = array<i32>} : memref<4x128x128xf32, #tpu.memory_space<vmem>>, vector<1x1x16xf32>,
        %get3A_646 = arith.constant 1 : i32
        %get3A_647 = arith.index_cast %get3A_646 : i32 to index
        %get3A_648 = arith.index_cast %add3A_608 : i32 to index
        %get3A_649 = arith.constant 48 : index
        %get3A_650 = tpu.vector_load %arg9[%get3A_647, %get3A_648, %get3A_649] {strides = array<i32>} : memref<2x128x128xf32, #tpu.memory_space<vmem>>, vector<1x1x16xf32>,
        %get3A_651 = vector.shape_cast %get3A_650 : vector<1x1x16xf32> to vector<16xf32>
        %swap3A_652 = arith.constant 3 : i32
        %swap3A_653 = arith.index_cast %swap3A_652 : i32 to index
        %swap3A_654 = arith.index_cast %add3A_608 : i32 to index
        %swap3A_655 = arith.constant 112 : index
        %swap3A_656 = tpu.vector_load %arg8[%swap3A_653, %swap3A_654, %swap3A_655] {strides = array<i32>} : memref<4x128x128xf32, #tpu.memory_space<vmem>>, vector<1x1x16xf32>,
        %swap3A_657 = vector.shape_cast %swap3A_656 : vector<1x1x16xf32> to vector<16xf32>
        %swap3A_658 = vector.shape_cast %get3A_651 : vector<16xf32> to vector<1x1x16xf32>
        tpu.vector_store %arg8[%swap3A_653, %swap3A_654, %swap3A_655], %swap3A_658 {strides = array<i32>} : memref<4x128x128xf32, #tpu.memory_space<vmem>>, vector<1x1x16xf32>,
        %mul3A_659 = arith.constant 4 : i32
        %mul3A_660 = arith.muli %scan3A_604, %mul3A_659 : i32
        %add3A_661 = arith.constant 1 : i32
        %add3A_662 = arith.addi %mul3A_660, %add3A_661 : i32
        %get3A_663 = arith.constant 1 : i32
        %get3A_664 = arith.index_cast %get3A_663 : i32 to index
        %get3A_665 = arith.index_cast %add3A_662 : i32 to index
        %get3A_666 = arith.constant 0 : index
        %get3A_667 = tpu.vector_load %arg9[%get3A_664, %get3A_665, %get3A_666] {strides = array<i32>} : memref<2x128x128xf32, #tpu.memory_space<vmem>>, vector<1x1x16xf32>,
        %get3A_668 = vector.shape_cast %get3A_667 : vector<1x1x16xf32> to vector<16xf32>
        %swap3A_669 = arith.constant 3 : i32
        %swap3A_670 = arith.index_cast %swap3A_669 : i32 to index
        %swap3A_671 = arith.index_cast %add3A_662 : i32 to index
        %swap3A_672 = arith.constant 64 : index
        %swap3A_673 = tpu.vector_load %arg8[%swap3A_670, %swap3A_671, %swap3A_672] {strides = array<i32>} : memref<4x128x128xf32, #tpu.memory_space<vmem>>, vector<1x1x16xf32>,
        %swap3A_674 = vector.shape_cast %swap3A_673 : vector<1x1x16xf32> to vector<16xf32>
        %swap3A_675 = vector.shape_cast %get3A_668 : vector<16xf32> to vector<1x1x16xf32>
        tpu.vector_store %arg8[%swap3A_670, %swap3A_671, %swap3A_672], %swap3A_675 {strides = array<i32>} : memref<4x128x128xf32, #tpu.memory_space<vmem>>, vector<1x1x16xf32>,
        %get3A_676 = arith.constant 1 : i32
        %get3A_677 = arith.index_cast %get3A_676 : i32 to index
        %get3A_678 = arith.index_cast %add3A_662 : i32 to index
        %get3A_679 = arith.constant 16 : index
        %get3A_680 = tpu.vector_load %arg9[%get3A_677, %get3A_678, %get3A_679] {strides = array<i32>} : memref<2x128x128xf32, #tpu.memory_space<vmem>>, vector<1x1x16xf32>,
        %get3A_681 = vector.shape_cast %get3A_680 : vector<1x1x16xf32> to vector<16xf32>
        %swap3A_682 = arith.constant 3 : i32
        %swap3A_683 = arith.index_cast %swap3A_682 : i32 to index
        %swap3A_684 = arith.index_cast %add3A_662 : i32 to index
        %swap3A_685 = arith.constant 80 : index
        %swap3A_686 = tpu.vector_load %arg8[%swap3A_683, %swap3A_684, %swap3A_685] {strides = array<i32>} : memref<4x128x128xf32, #tpu.memory_space<vmem>>, vector<1x1x16xf32>,
        %swap3A_687 = vector.shape_cast %swap3A_686 : vector<1x1x16xf32> to vector<16xf32>
        %swap3A_688 = vector.shape_cast %get3A_681 : vector<16xf32> to vector<1x1x16xf32>
        tpu.vector_store %arg8[%swap3A_683, %swap3A_684, %swap3A_685], %swap3A_688 {strides = array<i32>} : memref<4x128x128xf32, #tpu.memory_space<vmem>>, vector<1x1x16xf32>,
        %get3A_689 = arith.constant 1 : i32
        %get3A_690 = arith.index_cast %get3A_689 : i32 to index
        %get3A_691 = arith.index_cast %add3A_662 : i32 to index
        %get3A_692 = arith.constant 32 : index
        %get3A_693 = tpu.vector_load %arg9[%get3A_690, %get3A_691, %get3A_692] {strides = array<i32>} : memref<2x128x128xf32, #tpu.memory_space<vmem>>, vector<1x1x16xf32>,
        %get3A_694 = vector.shape_cast %get3A_693 : vector<1x1x16xf32> to vector<16xf32>
        %swap3A_695 = arith.constant 3 : i32
        %swap3A_696 = arith.index_cast %swap3A_695 : i32 to index
        %swap3A_697 = arith.index_cast %add3A_662 : i32 to index
        %swap3A_698 = arith.constant 96 : index
        %swap3A_699 = tpu.vector_load %arg8[%swap3A_696, %swap3A_697, %swap3A_698] {strides = array<i32>} : memref<4x128x128xf32, #tpu.memory_space<vmem>>, vector<1x1x16xf32>,
        %swap3A_700 = vector.shape_cast %swap3A_699 : vector<1x1x16xf32> to vector<16xf32>
        %swap3A_701 = vector.shape_cast %get3A_694 : vector<16xf32> to vector<1x1x16xf32>
        tpu.vector_store %arg8[%swap3A_696, %swap3A_697, %swap3A_698], %swap3A_701 {strides = array<i32>} : memref<4x128x128xf32, #tpu.memory_space<vmem>>, vector<1x1x16xf32>,
        %get3A_702 = arith.constant 1 : i32
        %get3A_703 = arith.index_cast %get3A_702 : i32 to index
        %get3A_704 = arith.index_cast %add3A_662 : i32 to index
        %get3A_705 = arith.constant 48 : index
        %get3A_706 = tpu.vector_load %arg9[%get3A_703, %get3A_704, %get3A_705] {strides = array<i32>} : memref<2x128x128xf32, #tpu.memory_space<vmem>>, vector<1x1x16xf32>,
        %get3A_707 = vector.shape_cast %get3A_706 : vector<1x1x16xf32> to vector<16xf32>
        %swap3A_708 = arith.constant 3 : i32
        %swap3A_709 = arith.index_cast %swap3A_708 : i32 to index
        %swap3A_710 = arith.index_cast %add3A_662 : i32 to index
        %swap3A_711 = arith.constant 112 : index
        %swap3A_712 = tpu.vector_load %arg8[%swap3A_709, %swap3A_710, %swap3A_711] {strides = array<i32>} : memref<4x128x128xf32, #tpu.memory_space<vmem>>, vector<1x1x16xf32>,
        %swap3A_713 = vector.shape_cast %swap3A_712 : vector<1x1x16xf32> to vector<16xf32>
        %swap3A_714 = vector.shape_cast %get3A_707 : vector<16xf32> to vector<1x1x16xf32>
        tpu.vector_store %arg8[%swap3A_709, %swap3A_710, %swap3A_711], %swap3A_714 {strides = array<i32>} : memref<4x128x128xf32, #tpu.memory_space<vmem>>, vector<1x1x16xf32>,
        %mul3A_715 = arith.constant 4 : i32
        %mul3A_716 = arith.muli %scan3A_604, %mul3A_715 : i32
        %add3A_717 = arith.constant 2 : i32
        %add3A_718 = arith.addi %mul3A_716, %add3A_717 : i32
        %get3A_719 = arith.constant 1 : i32
        %get3A_720 = arith.index_cast %get3A_719 : i32 to index
        %get3A_721 = arith.index_cast %add3A_718 : i32 to index
        %get3A_722 = arith.constant 0 : index
        %get3A_723 = tpu.vector_load %arg9[%get3A_720, %get3A_721, %get3A_722] {strides = array<i32>} : memref<2x128x128xf32, #tpu.memory_space<vmem>>, vector<1x1x16xf32>,
        %get3A_724 = vector.shape_cast %get3A_723 : vector<1x1x16xf32> to vector<16xf32>
        %swap3A_725 = arith.constant 3 : i32
        %swap3A_726 = arith.index_cast %swap3A_725 : i32 to index
        %swap3A_727 = arith.index_cast %add3A_718 : i32 to index
        %swap3A_728 = arith.constant 64 : index
        %swap3A_729 = tpu.vector_load %arg8[%swap3A_726, %swap3A_727, %swap3A_728] {strides = array<i32>} : memref<4x128x128xf32, #tpu.memory_space<vmem>>, vector<1x1x16xf32>,
        %swap3A_730 = vector.shape_cast %swap3A_729 : vector<1x1x16xf32> to vector<16xf32>
        %swap3A_731 = vector.shape_cast %get3A_724 : vector<16xf32> to vector<1x1x16xf32>
        tpu.vector_store %arg8[%swap3A_726, %swap3A_727, %swap3A_728], %swap3A_731 {strides = array<i32>} : memref<4x128x128xf32, #tpu.memory_space<vmem>>, vector<1x1x16xf32>,
        %get3A_732 = arith.constant 1 : i32
        %get3A_733 = arith.index_cast %get3A_732 : i32 to index
        %get3A_734 = arith.index_cast %add3A_718 : i32 to index
        %get3A_735 = arith.constant 16 : index
        %get3A_736 = tpu.vector_load %arg9[%get3A_733, %get3A_734, %get3A_735] {strides = array<i32>} : memref<2x128x128xf32, #tpu.memory_space<vmem>>, vector<1x1x16xf32>,
        %get3A_737 = vector.shape_cast %get3A_736 : vector<1x1x16xf32> to vector<16xf32>
        %swap3A_738 = arith.constant 3 : i32
        %swap3A_739 = arith.index_cast %swap3A_738 : i32 to index
        %swap3A_740 = arith.index_cast %add3A_718 : i32 to index
        %swap3A_741 = arith.constant 80 : index
        %swap3A_742 = tpu.vector_load %arg8[%swap3A_739, %swap3A_740, %swap3A_741] {strides = array<i32>} : memref<4x128x128xf32, #tpu.memory_space<vmem>>, vector<1x1x16xf32>,
        %swap3A_743 = vector.shape_cast %swap3A_742 : vector<1x1x16xf32> to vector<16xf32>
        %swap3A_744 = vector.shape_cast %get3A_737 : vector<16xf32> to vector<1x1x16xf32>
        tpu.vector_store %arg8[%swap3A_739, %swap3A_740, %swap3A_741], %swap3A_744 {strides = array<i32>} : memref<4x128x128xf32, #tpu.memory_space<vmem>>, vector<1x1x16xf32>,
        %get3A_745 = arith.constant 1 : i32
        %get3A_746 = arith.index_cast %get3A_745 : i32 to index
        %get3A_747 = arith.index_cast %add3A_718 : i32 to index
        %get3A_748 = arith.constant 32 : index
        %get3A_749 = tpu.vector_load %arg9[%get3A_746, %get3A_747, %get3A_748] {strides = array<i32>} : memref<2x128x128xf32, #tpu.memory_space<vmem>>, vector<1x1x16xf32>,
        %get3A_750 = vector.shape_cast %get3A_749 : vector<1x1x16xf32> to vector<16xf32>
        %swap3A_751 = arith.constant 3 : i32
        %swap3A_752 = arith.index_cast %swap3A_751 : i32 to index
        %swap3A_753 = arith.index_cast %add3A_718 : i32 to index
        %swap3A_754 = arith.constant 96 : index
        %swap3A_755 = tpu.vector_load %arg8[%swap3A_752, %swap3A_753, %swap3A_754] {strides = array<i32>} : memref<4x128x128xf32, #tpu.memory_space<vmem>>, vector<1x1x16xf32>,
        %swap3A_756 = vector.shape_cast %swap3A_755 : vector<1x1x16xf32> to vector<16xf32>
        %swap3A_757 = vector.shape_cast %get3A_750 : vector<16xf32> to vector<1x1x16xf32>
        tpu.vector_store %arg8[%swap3A_752, %swap3A_753, %swap3A_754], %swap3A_757 {strides = array<i32>} : memref<4x128x128xf32, #tpu.memory_space<vmem>>, vector<1x1x16xf32>,
        %get3A_758 = arith.constant 1 : i32
        %get3A_759 = arith.index_cast %get3A_758 : i32 to index
        %get3A_760 = arith.index_cast %add3A_718 : i32 to index
        %get3A_761 = arith.constant 48 : index
        %get3A_762 = tpu.vector_load %arg9[%get3A_759, %get3A_760, %get3A_761] {strides = array<i32>} : memref<2x128x128xf32, #tpu.memory_space<vmem>>, vector<1x1x16xf32>,
        %get3A_763 = vector.shape_cast %get3A_762 : vector<1x1x16xf32> to vector<16xf32>
        %swap3A_764 = arith.constant 3 : i32
        %swap3A_765 = arith.index_cast %swap3A_764 : i32 to index
        %swap3A_766 = arith.index_cast %add3A_718 : i32 to index
        %swap3A_767 = arith.constant 112 : index
        %swap3A_768 = tpu.vector_load %arg8[%swap3A_765, %swap3A_766, %swap3A_767] {strides = array<i32>} : memref<4x128x128xf32, #tpu.memory_space<vmem>>, vector<1x1x16xf32>,
        %swap3A_769 = vector.shape_cast %swap3A_768 : vector<1x1x16xf32> to vector<16xf32>
        %swap3A_770 = vector.shape_cast %get3A_763 : vector<16xf32> to vector<1x1x16xf32>
        tpu.vector_store %arg8[%swap3A_765, %swap3A_766, %swap3A_767], %swap3A_770 {strides = array<i32>} : memref<4x128x128xf32, #tpu.memory_space<vmem>>, vector<1x1x16xf32>,
        %mul3A_771 = arith.constant 4 : i32
        %mul3A_772 = arith.muli %scan3A_604, %mul3A_771 : i32
        %add3A_773 = arith.constant 3 : i32
        %add3A_774 = arith.addi %mul3A_772, %add3A_773 : i32
        %get3A_775 = arith.constant 1 : i32
        %get3A_776 = arith.index_cast %get3A_775 : i32 to index
        %get3A_777 = arith.index_cast %add3A_774 : i32 to index
        %get3A_778 = arith.constant 0 : index
        %get3A_779 = tpu.vector_load %arg9[%get3A_776, %get3A_777, %get3A_778] {strides = array<i32>} : memref<2x128x128xf32, #tpu.memory_space<vmem>>, vector<1x1x16xf32>,
        %get3A_780 = vector.shape_cast %get3A_779 : vector<1x1x16xf32> to vector<16xf32>
        %swap3A_781 = arith.constant 3 : i32
        %swap3A_782 = arith.index_cast %swap3A_781 : i32 to index
        %swap3A_783 = arith.index_cast %add3A_774 : i32 to index
        %swap3A_784 = arith.constant 64 : index
        %swap3A_785 = tpu.vector_load %arg8[%swap3A_782, %swap3A_783, %swap3A_784] {strides = array<i32>} : memref<4x128x128xf32, #tpu.memory_space<vmem>>, vector<1x1x16xf32>,
        %swap3A_786 = vector.shape_cast %swap3A_785 : vector<1x1x16xf32> to vector<16xf32>
        %swap3A_787 = vector.shape_cast %get3A_780 : vector<16xf32> to vector<1x1x16xf32>
        tpu.vector_store %arg8[%swap3A_782, %swap3A_783, %swap3A_784], %swap3A_787 {strides = array<i32>} : memref<4x128x128xf32, #tpu.memory_space<vmem>>, vector<1x1x16xf32>,
        %get3A_788 = arith.constant 1 : i32
        %get3A_789 = arith.index_cast %get3A_788 : i32 to index
        %get3A_790 = arith.index_cast %add3A_774 : i32 to index
        %get3A_791 = arith.constant 16 : index
        %get3A_792 = tpu.vector_load %arg9[%get3A_789, %get3A_790, %get3A_791] {strides = array<i32>} : memref<2x128x128xf32, #tpu.memory_space<vmem>>, vector<1x1x16xf32>,
        %get3A_793 = vector.shape_cast %get3A_792 : vector<1x1x16xf32> to vector<16xf32>
        %swap3A_794 = arith.constant 3 : i32
        %swap3A_795 = arith.index_cast %swap3A_794 : i32 to index
        %swap3A_796 = arith.index_cast %add3A_774 : i32 to index
        %swap3A_797 = arith.constant 80 : index
        %swap3A_798 = tpu.vector_load %arg8[%swap3A_795, %swap3A_796, %swap3A_797] {strides = array<i32>} : memref<4x128x128xf32, #tpu.memory_space<vmem>>, vector<1x1x16xf32>,
        %swap3A_799 = vector.shape_cast %swap3A_798 : vector<1x1x16xf32> to vector<16xf32>
        %swap3A_800 = vector.shape_cast %get3A_793 : vector<16xf32> to vector<1x1x16xf32>
        tpu.vector_store %arg8[%swap3A_795, %swap3A_796, %swap3A_797], %swap3A_800 {strides = array<i32>} : memref<4x128x128xf32, #tpu.memory_space<vmem>>, vector<1x1x16xf32>,
        %get3A_801 = arith.constant 1 : i32
        %get3A_802 = arith.index_cast %get3A_801 : i32 to index
        %get3A_803 = arith.index_cast %add3A_774 : i32 to index
        %get3A_804 = arith.constant 32 : index
        %get3A_805 = tpu.vector_load %arg9[%get3A_802, %get3A_803, %get3A_804] {strides = array<i32>} : memref<2x128x128xf32, #tpu.memory_space<vmem>>, vector<1x1x16xf32>,
        %get3A_806 = vector.shape_cast %get3A_805 : vector<1x1x16xf32> to vector<16xf32>
        %swap3A_807 = arith.constant 3 : i32
        %swap3A_808 = arith.index_cast %swap3A_807 : i32 to index
        %swap3A_809 = arith.index_cast %add3A_774 : i32 to index
        %swap3A_810 = arith.constant 96 : index
        %swap3A_811 = tpu.vector_load %arg8[%swap3A_808, %swap3A_809, %swap3A_810] {strides = array<i32>} : memref<4x128x128xf32, #tpu.memory_space<vmem>>, vector<1x1x16xf32>,
        %swap3A_812 = vector.shape_cast %swap3A_811 : vector<1x1x16xf32> to vector<16xf32>
        %swap3A_813 = vector.shape_cast %get3A_806 : vector<16xf32> to vector<1x1x16xf32>
        tpu.vector_store %arg8[%swap3A_808, %swap3A_809, %swap3A_810], %swap3A_813 {strides = array<i32>} : memref<4x128x128xf32, #tpu.memory_space<vmem>>, vector<1x1x16xf32>,
        %get3A_814 = arith.constant 1 : i32
        %get3A_815 = arith.index_cast %get3A_814 : i32 to index
        %get3A_816 = arith.index_cast %add3A_774 : i32 to index
        %get3A_817 = arith.constant 48 : index
        %get3A_818 = tpu.vector_load %arg9[%get3A_815, %get3A_816, %get3A_817] {strides = array<i32>} : memref<2x128x128xf32, #tpu.memory_space<vmem>>, vector<1x1x16xf32>,
        %get3A_819 = vector.shape_cast %get3A_818 : vector<1x1x16xf32> to vector<16xf32>
        %swap3A_820 = arith.constant 3 : i32
        %swap3A_821 = arith.index_cast %swap3A_820 : i32 to index
        %swap3A_822 = arith.index_cast %add3A_774 : i32 to index
        %swap3A_823 = arith.constant 112 : index
        %swap3A_824 = tpu.vector_load %arg8[%swap3A_821, %swap3A_822, %swap3A_823] {strides = array<i32>} : memref<4x128x128xf32, #tpu.memory_space<vmem>>, vector<1x1x16xf32>,
        %swap3A_825 = vector.shape_cast %swap3A_824 : vector<1x1x16xf32> to vector<16xf32>
        %swap3A_826 = vector.shape_cast %get3A_819 : vector<16xf32> to vector<1x1x16xf32>
        tpu.vector_store %arg8[%swap3A_821, %swap3A_822, %swap3A_823], %swap3A_826 {strides = array<i32>} : memref<4x128x128xf32, #tpu.memory_space<vmem>>, vector<1x1x16xf32>,
      }
      %scan3A_584 = arith.constant 32 : i32
      %add3A_585 = arith.addi %mul3A_2, %add3A_526 : i32
      %mul3A_586 = arith.constant 128 : i32
      %mul3A_587 = arith.muli %add3A_585, %mul3A_586 : i32
      %dma_start3A_588 = arith.constant 3 : i32
      %dma_start3A_589 = arith.constant 3 : i32
      %dma_start3A_590 = arith.constant 0 : i32
      %dma_start3A_591 = arith.constant 0 : i32
      %dma_start3A_592 = tpu.memref_slice %arg8[%dma_start3A_588, %dma_start3A_590, %dma_start3A_591] : memref<4x128x128xf32, #tpu.memory_space<vmem>> -> memref<1x128x128xf32, #tpu.memory_space<vmem>>
      %dma_start3A_593 = tpu.memref_squeeze %dma_start3A_592 : memref<1x128x128xf32, #tpu.memory_space<vmem>> -> memref<128x128xf32, #tpu.memory_space<vmem>>
      %dma_start3A_594 = arith.constant 0 : i32
      %dma_start3A_595 = tpu.memref_slice %arg5[%mul3A_587, %dma_start3A_594] : memref<204800x128xf32, #tpu.memory_space<hbm>> -> memref<128x128xf32, #tpu.memory_space<hbm>>
      %dma_start3A_596 = tpu.memref_slice %arg13[%dma_start3A_589] : memref<4x!tpu.dma_semaphore, #tpu.memory_space<semaphore_mem>> -> memref<1x!tpu.dma_semaphore, #tpu.memory_space<semaphore_mem>>
      %dma_start3A_597 = tpu.memref_squeeze %dma_start3A_596 : memref<1x!tpu.dma_semaphore, #tpu.memory_space<semaphore_mem>> -> memref<!tpu.dma_semaphore, #tpu.memory_space<semaphore_mem>>
      %dma_start3A_598 = arith.constant 0 : i32
      %dma_start3A_599 = tpu.memref_slice %arg5[%mul3A_587, %dma_start3A_598] : memref<204800x128xf32, #tpu.memory_space<hbm>> -> memref<128x128xf32, #tpu.memory_space<hbm>>
      %dma_start3A_600 = arith.constant 0 : i32
      %dma_start3A_601 = arith.constant 0 : i32
      %dma_start3A_602 = tpu.memref_slice %arg8[%dma_start3A_588, %dma_start3A_600, %dma_start3A_601] : memref<4x128x128xf32, #tpu.memory_space<vmem>> -> memref<1x128x128xf32, #tpu.memory_space<vmem>>
      %dma_start3A_603 = tpu.memref_squeeze %dma_start3A_602 : memref<1x128x128xf32, #tpu.memory_space<vmem>> -> memref<128x128xf32, #tpu.memory_space<vmem>>
      tpu.enqueue_dma source(%dma_start3A_603 : memref<128x128xf32, #tpu.memory_space<vmem>>) target(%dma_start3A_599 : memref<128x128xf32, #tpu.memory_space<hbm>>) target_semaphore(%dma_start3A_597 : memref<!tpu.dma_semaphore, #tpu.memory_space<semaphore_mem>>)
    }
    %scan3A_53 = arith.constant 12 : i32
    %dma_start3A_54 = arith.constant 49 : i32
    %dma_start3A_55 = arith.constant 1 : i32
    %dma_start3A_56 = arith.constant 1 : i32
    %dma_start3A_57 = arith.constant 0 : i32
    %dma_start3A_58 = arith.constant 0 : i32
    %dma_start3A_59 = tpu.memref_slice %arg9[%dma_start3A_55, %dma_start3A_57, %dma_start3A_58] : memref<2x128x128xf32, #tpu.memory_space<vmem>> -> memref<1x128x128xf32, #tpu.memory_space<vmem>>
    %dma_start3A_60 = tpu.memref_squeeze %dma_start3A_59 : memref<1x128x128xf32, #tpu.memory_space<vmem>> -> memref<128x128xf32, #tpu.memory_space<vmem>>
    %dma_start3A_61 = arith.constant 0 : i32
    %dma_start3A_62 = tpu.memref_slice %arg7[%dma_start3A_54, %dma_start3A_61] : memref<50x128xi32, #tpu.memory_space<vmem>> -> memref<1x128xi32, #tpu.memory_space<vmem>>
    %dma_start3A_63 = tpu.memref_squeeze %dma_start3A_62 : memref<1x128xi32, #tpu.memory_space<vmem>> -> memref<128xi32, #tpu.memory_space<vmem>>
    %dma_start3A_64 = arith.constant 0 : i32
    %dma_start3A_65 = arith.constant 0 : i32
    %dma_start3A_66 = tpu.memref_slice %arg10[%dma_start3A_64, %dma_start3A_65] : memref<1600x128xf32, #tpu.memory_space<vmem_shared>> -> memref<1600x128xf32, #tpu.memory_space<vmem_shared>>
    %dma_start3A_67 = tpu.memref_slice %arg12[%dma_start3A_56] : memref<2x!tpu.dma_semaphore, #tpu.memory_space<semaphore_mem>> -> memref<1x!tpu.dma_semaphore, #tpu.memory_space<semaphore_mem>>
    %dma_start3A_68 = tpu.memref_squeeze %dma_start3A_67 : memref<1x!tpu.dma_semaphore, #tpu.memory_space<semaphore_mem>> -> memref<!tpu.dma_semaphore, #tpu.memory_space<semaphore_mem>>
    tpu.enqueue_indirect_dma source(%dma_start3A_66 : memref<1600x128xf32, #tpu.memory_space<vmem_shared>>) target(%dma_start3A_60 : memref<128x128xf32, #tpu.memory_space<vmem>>) offsets(%dma_start3A_63 : memref<128xi32, #tpu.memory_space<vmem>>) semaphore(%dma_start3A_68 : memref<!tpu.dma_semaphore, #tpu.memory_space<semaphore_mem>>)
    %add3A_69 = arith.constant 48 : i32
    %add3A_70 = arith.addi %mul3A_2, %add3A_69 : i32
    %mul3A_71 = arith.constant 128 : i32
    %mul3A_72 = arith.muli %add3A_70, %mul3A_71 : i32
    %dma_wait3A = arith.constant 0 : i32
    %dma_wait3A_73 = arith.constant 0 : i32
    %dma_wait3A_74 = arith.constant 0 : i32
    %dma_wait3A_75 = arith.constant 0 : i32
    %dma_wait3A_76 = tpu.memref_slice %arg8[%dma_wait3A, %dma_wait3A_74, %dma_wait3A_75] : memref<4x128x128xf32, #tpu.memory_space<vmem>> -> memref<1x128x128xf32, #tpu.memory_space<vmem>>
    %dma_wait3A_77 = tpu.memref_squeeze %dma_wait3A_76 : memref<1x128x128xf32, #tpu.memory_space<vmem>> -> memref<128x128xf32, #tpu.memory_space<vmem>>
    %dma_wait3A_78 = arith.constant 0 : i32
    %dma_wait3A_79 = tpu.memref_slice %arg5[%mul3A_72, %dma_wait3A_78] : memref<204800x128xf32, #tpu.memory_space<hbm>> -> memref<128x128xf32, #tpu.memory_space<hbm>>
    %dma_wait3A_80 = tpu.memref_slice %arg11[%dma_wait3A_73] : memref<4x!tpu.dma_semaphore, #tpu.memory_space<semaphore_mem>> -> memref<1x!tpu.dma_semaphore, #tpu.memory_space<semaphore_mem>>
    %dma_wait3A_81 = tpu.memref_squeeze %dma_wait3A_80 : memref<1x!tpu.dma_semaphore, #tpu.memory_space<semaphore_mem>> -> memref<!tpu.dma_semaphore, #tpu.memory_space<semaphore_mem>>
    %dma_wait3A_82 = arith.constant 0 : i32
    %dma_wait3A_83 = tpu.memref_slice %arg5[%mul3A_72, %dma_wait3A_82] : memref<204800x128xf32, #tpu.memory_space<hbm>> -> memref<128x128xf32, #tpu.memory_space<hbm>>
    %dma_wait3A_84 = arith.constant 0 : i32
    %dma_wait3A_85 = arith.constant 0 : i32
    %dma_wait3A_86 = tpu.memref_slice %arg8[%dma_wait3A, %dma_wait3A_84, %dma_wait3A_85] : memref<4x128x128xf32, #tpu.memory_space<vmem>> -> memref<1x128x128xf32, #tpu.memory_space<vmem>>
    %dma_wait3A_87 = tpu.memref_squeeze %dma_wait3A_86 : memref<1x128x128xf32, #tpu.memory_space<vmem>> -> memref<128x128xf32, #tpu.memory_space<vmem>>
    tpu.wait_dma2 semaphore(%dma_wait3A_81 : memref<!tpu.dma_semaphore, #tpu.memory_space<semaphore_mem>>) src(%dma_wait3A_87 : memref<128x128xf32, #tpu.memory_space<vmem>>) dst(%dma_wait3A_83 : memref<128x128xf32, #tpu.memory_space<hbm>>)
    %add3A_88 = arith.constant 48 : i32
    %add3A_89 = arith.addi %mul3A_2, %add3A_88 : i32
    %mul3A_90 = arith.constant 128 : i32
    %mul3A_91 = arith.muli %add3A_89, %mul3A_90 : i32
    %dma_wait3A_92 = arith.constant 0 : i32
    %dma_wait3A_93 = arith.constant 0 : i32
    %dma_wait3A_94 = arith.constant 0 : i32
    %dma_wait3A_95 = arith.constant 0 : i32
    %dma_wait3A_96 = tpu.memref_slice %arg8[%dma_wait3A_92, %dma_wait3A_94, %dma_wait3A_95] : memref<4x128x128xf32, #tpu.memory_space<vmem>> -> memref<1x128x128xf32, #tpu.memory_space<vmem>>
    %dma_wait3A_97 = tpu.memref_squeeze %dma_wait3A_96 : memref<1x128x128xf32, #tpu.memory_space<vmem>> -> memref<128x128xf32, #tpu.memory_space<vmem>>
    %dma_wait3A_98 = arith.constant 0 : i32
    %dma_wait3A_99 = tpu.memref_slice %arg5[%mul3A_91, %dma_wait3A_98] : memref<204800x128xf32, #tpu.memory_space<hbm>> -> memref<128x128xf32, #tpu.memory_space<hbm>>
    %dma_wait3A_100 = tpu.memref_slice %arg12[%dma_wait3A_93] : memref<2x!tpu.dma_semaphore, #tpu.memory_space<semaphore_mem>> -> memref<1x!tpu.dma_semaphore, #tpu.memory_space<semaphore_mem>>
    %dma_wait3A_101 = tpu.memref_squeeze %dma_wait3A_100 : memref<1x!tpu.dma_semaphore, #tpu.memory_space<semaphore_mem>> -> memref<!tpu.dma_semaphore, #tpu.memory_space<semaphore_mem>>
    %dma_wait3A_102 = arith.constant 0 : i32
    %dma_wait3A_103 = tpu.memref_slice %arg5[%mul3A_91, %dma_wait3A_102] : memref<204800x128xf32, #tpu.memory_space<hbm>> -> memref<128x128xf32, #tpu.memory_space<hbm>>
    %dma_wait3A_104 = arith.constant 0 : i32
    %dma_wait3A_105 = arith.constant 0 : i32
    %dma_wait3A_106 = tpu.memref_slice %arg8[%dma_wait3A_92, %dma_wait3A_104, %dma_wait3A_105] : memref<4x128x128xf32, #tpu.memory_space<vmem>> -> memref<1x128x128xf32, #tpu.memory_space<vmem>>
    %dma_wait3A_107 = tpu.memref_squeeze %dma_wait3A_106 : memref<1x128x128xf32, #tpu.memory_space<vmem>> -> memref<128x128xf32, #tpu.memory_space<vmem>>
    tpu.wait_dma2 semaphore(%dma_wait3A_101 : memref<!tpu.dma_semaphore, #tpu.memory_space<semaphore_mem>>) src(%dma_wait3A_107 : memref<128x128xf32, #tpu.memory_space<vmem>>) dst(%dma_wait3A_103 : memref<128x128xf32, #tpu.memory_space<hbm>>)
    %scan3A_108 = arith.constant 0 : i32
    %scan3A_109 = arith.constant 0 : i32
    %scan3A_110 = arith.constant 32 : i32
    %scan3A_111 = arith.addi %scan3A_109, %scan3A_110 : i32
    %scan3A_112 = arith.constant 1 : i32
    scf.for %scan3A_280 = %scan3A_109 to %scan3A_111 step %scan3A_112  : i32 {
      %mul3A_281 = arith.constant 4 : i32
      %mul3A_282 = arith.muli %scan3A_280, %mul3A_281 : i32
      %add3A_283 = arith.constant 0 : i32
      %add3A_284 = arith.addi %mul3A_282, %add3A_283 : i32
      %get3A = arith.constant 0 : i32
      %get3A_285 = arith.index_cast %get3A : i32 to index
      %get3A_286 = arith.index_cast %add3A_284 : i32 to index
      %get3A_287 = arith.constant 0 : index
      %get3A_288 = tpu.vector_load %arg9[%get3A_285, %get3A_286, %get3A_287] {strides = array<i32>} : memref<2x128x128xf32, #tpu.memory_space<vmem>>, vector<1x1x16xf32>,
      %get3A_289 = vector.shape_cast %get3A_288 : vector<1x1x16xf32> to vector<16xf32>
      %swap3A = arith.constant 0 : i32
      %swap3A_290 = arith.index_cast %swap3A : i32 to index
      %swap3A_291 = arith.index_cast %add3A_284 : i32 to index
      %swap3A_292 = arith.constant 64 : index
      %swap3A_293 = tpu.vector_load %arg8[%swap3A_290, %swap3A_291, %swap3A_292] {strides = array<i32>} : memref<4x128x128xf32, #tpu.memory_space<vmem>>, vector<1x1x16xf32>,
      %swap3A_294 = vector.shape_cast %swap3A_293 : vector<1x1x16xf32> to vector<16xf32>
      %swap3A_295 = vector.shape_cast %get3A_289 : vector<16xf32> to vector<1x1x16xf32>
      tpu.vector_store %arg8[%swap3A_290, %swap3A_291, %swap3A_292], %swap3A_295 {strides = array<i32>} : memref<4x128x128xf32, #tpu.memory_space<vmem>>, vector<1x1x16xf32>,
      %get3A_296 = arith.constant 0 : i32
      %get3A_297 = arith.index_cast %get3A_296 : i32 to index
      %get3A_298 = arith.index_cast %add3A_284 : i32 to index
      %get3A_299 = arith.constant 16 : index
      %get3A_300 = tpu.vector_load %arg9[%get3A_297, %get3A_298, %get3A_299] {strides = array<i32>} : memref<2x128x128xf32, #tpu.memory_space<vmem>>, vector<1x1x16xf32>,
      %get3A_301 = vector.shape_cast %get3A_300 : vector<1x1x16xf32> to vector<16xf32>
      %swap3A_302 = arith.constant 0 : i32
      %swap3A_303 = arith.index_cast %swap3A_302 : i32 to index
      %swap3A_304 = arith.index_cast %add3A_284 : i32 to index
      %swap3A_305 = arith.constant 80 : index
      %swap3A_306 = tpu.vector_load %arg8[%swap3A_303, %swap3A_304, %swap3A_305] {strides = array<i32>} : memref<4x128x128xf32, #tpu.memory_space<vmem>>, vector<1x1x16xf32>,
      %swap3A_307 = vector.shape_cast %swap3A_306 : vector<1x1x16xf32> to vector<16xf32>
      %swap3A_308 = vector.shape_cast %get3A_301 : vector<16xf32> to vector<1x1x16xf32>
      tpu.vector_store %arg8[%swap3A_303, %swap3A_304, %swap3A_305], %swap3A_308 {strides = array<i32>} : memref<4x128x128xf32, #tpu.memory_space<vmem>>, vector<1x1x16xf32>,
      %get3A_309 = arith.constant 0 : i32
      %get3A_310 = arith.index_cast %get3A_309 : i32 to index
      %get3A_311 = arith.index_cast %add3A_284 : i32 to index
      %get3A_312 = arith.constant 32 : index
      %get3A_313 = tpu.vector_load %arg9[%get3A_310, %get3A_311, %get3A_312] {strides = array<i32>} : memref<2x128x128xf32, #tpu.memory_space<vmem>>, vector<1x1x16xf32>,
      %get3A_314 = vector.shape_cast %get3A_313 : vector<1x1x16xf32> to vector<16xf32>
      %swap3A_315 = arith.constant 0 : i32
      %swap3A_316 = arith.index_cast %swap3A_315 : i32 to index
      %swap3A_317 = arith.index_cast %add3A_284 : i32 to index
      %swap3A_318 = arith.constant 96 : index
      %swap3A_319 = tpu.vector_load %arg8[%swap3A_316, %swap3A_317, %swap3A_318] {strides = array<i32>} : memref<4x128x128xf32, #tpu.memory_space<vmem>>, vector<1x1x16xf32>,
      %swap3A_320 = vector.shape_cast %swap3A_319 : vector<1x1x16xf32> to vector<16xf32>
      %swap3A_321 = vector.shape_cast %get3A_314 : vector<16xf32> to vector<1x1x16xf32>
      tpu.vector_store %arg8[%swap3A_316, %swap3A_317, %swap3A_318], %swap3A_321 {strides = array<i32>} : memref<4x128x128xf32, #tpu.memory_space<vmem>>, vector<1x1x16xf32>,
      %get3A_322 = arith.constant 0 : i32
      %get3A_323 = arith.index_cast %get3A_322 : i32 to index
      %get3A_324 = arith.index_cast %add3A_284 : i32 to index
      %get3A_325 = arith.constant 48 : index
      %get3A_326 = tpu.vector_load %arg9[%get3A_323, %get3A_324, %get3A_325] {strides = array<i32>} : memref<2x128x128xf32, #tpu.memory_space<vmem>>, vector<1x1x16xf32>,
      %get3A_327 = vector.shape_cast %get3A_326 : vector<1x1x16xf32> to vector<16xf32>
      %swap3A_328 = arith.constant 0 : i32
      %swap3A_329 = arith.index_cast %swap3A_328 : i32 to index
      %swap3A_330 = arith.index_cast %add3A_284 : i32 to index
      %swap3A_331 = arith.constant 112 : index
      %swap3A_332 = tpu.vector_load %arg8[%swap3A_329, %swap3A_330, %swap3A_331] {strides = array<i32>} : memref<4x128x128xf32, #tpu.memory_space<vmem>>, vector<1x1x16xf32>,
      %swap3A_333 = vector.shape_cast %swap3A_332 : vector<1x1x16xf32> to vector<16xf32>
      %swap3A_334 = vector.shape_cast %get3A_327 : vector<16xf32> to vector<1x1x16xf32>
      tpu.vector_store %arg8[%swap3A_329, %swap3A_330, %swap3A_331], %swap3A_334 {strides = array<i32>} : memref<4x128x128xf32, #tpu.memory_space<vmem>>, vector<1x1x16xf32>,
      %mul3A_335 = arith.constant 4 : i32
      %mul3A_336 = arith.muli %scan3A_280, %mul3A_335 : i32
      %add3A_337 = arith.constant 1 : i32
      %add3A_338 = arith.addi %mul3A_336, %add3A_337 : i32
      %get3A_339 = arith.constant 0 : i32
      %get3A_340 = arith.index_cast %get3A_339 : i32 to index
      %get3A_341 = arith.index_cast %add3A_338 : i32 to index
      %get3A_342 = arith.constant 0 : index
      %get3A_343 = tpu.vector_load %arg9[%get3A_340, %get3A_341, %get3A_342] {strides = array<i32>} : memref<2x128x128xf32, #tpu.memory_space<vmem>>, vector<1x1x16xf32>,
      %get3A_344 = vector.shape_cast %get3A_343 : vector<1x1x16xf32> to vector<16xf32>
      %swap3A_345 = arith.constant 0 : i32
      %swap3A_346 = arith.index_cast %swap3A_345 : i32 to index
      %swap3A_347 = arith.index_cast %add3A_338 : i32 to index
      %swap3A_348 = arith.constant 64 : index
      %swap3A_349 = tpu.vector_load %arg8[%swap3A_346, %swap3A_347, %swap3A_348] {strides = array<i32>} : memref<4x128x128xf32, #tpu.memory_space<vmem>>, vector<1x1x16xf32>,
      %swap3A_350 = vector.shape_cast %swap3A_349 : vector<1x1x16xf32> to vector<16xf32>
      %swap3A_351 = vector.shape_cast %get3A_344 : vector<16xf32> to vector<1x1x16xf32>
      tpu.vector_store %arg8[%swap3A_346, %swap3A_347, %swap3A_348], %swap3A_351 {strides = array<i32>} : memref<4x128x128xf32, #tpu.memory_space<vmem>>, vector<1x1x16xf32>,
      %get3A_352 = arith.constant 0 : i32
      %get3A_353 = arith.index_cast %get3A_352 : i32 to index
      %get3A_354 = arith.index_cast %add3A_338 : i32 to index
      %get3A_355 = arith.constant 16 : index
      %get3A_356 = tpu.vector_load %arg9[%get3A_353, %get3A_354, %get3A_355] {strides = array<i32>} : memref<2x128x128xf32, #tpu.memory_space<vmem>>, vector<1x1x16xf32>,
      %get3A_357 = vector.shape_cast %get3A_356 : vector<1x1x16xf32> to vector<16xf32>
      %swap3A_358 = arith.constant 0 : i32
      %swap3A_359 = arith.index_cast %swap3A_358 : i32 to index
      %swap3A_360 = arith.index_cast %add3A_338 : i32 to index
      %swap3A_361 = arith.constant 80 : index
      %swap3A_362 = tpu.vector_load %arg8[%swap3A_359, %swap3A_360, %swap3A_361] {strides = array<i32>} : memref<4x128x128xf32, #tpu.memory_space<vmem>>, vector<1x1x16xf32>,
      %swap3A_363 = vector.shape_cast %swap3A_362 : vector<1x1x16xf32> to vector<16xf32>
      %swap3A_364 = vector.shape_cast %get3A_357 : vector<16xf32> to vector<1x1x16xf32>
      tpu.vector_store %arg8[%swap3A_359, %swap3A_360, %swap3A_361], %swap3A_364 {strides = array<i32>} : memref<4x128x128xf32, #tpu.memory_space<vmem>>, vector<1x1x16xf32>,
      %get3A_365 = arith.constant 0 : i32
      %get3A_366 = arith.index_cast %get3A_365 : i32 to index
      %get3A_367 = arith.index_cast %add3A_338 : i32 to index
      %get3A_368 = arith.constant 32 : index
      %get3A_369 = tpu.vector_load %arg9[%get3A_366, %get3A_367, %get3A_368] {strides = array<i32>} : memref<2x128x128xf32, #tpu.memory_space<vmem>>, vector<1x1x16xf32>,
      %get3A_370 = vector.shape_cast %get3A_369 : vector<1x1x16xf32> to vector<16xf32>
      %swap3A_371 = arith.constant 0 : i32
      %swap3A_372 = arith.index_cast %swap3A_371 : i32 to index
      %swap3A_373 = arith.index_cast %add3A_338 : i32 to index
      %swap3A_374 = arith.constant 96 : index
      %swap3A_375 = tpu.vector_load %arg8[%swap3A_372, %swap3A_373, %swap3A_374] {strides = array<i32>} : memref<4x128x128xf32, #tpu.memory_space<vmem>>, vector<1x1x16xf32>,
      %swap3A_376 = vector.shape_cast %swap3A_375 : vector<1x1x16xf32> to vector<16xf32>
      %swap3A_377 = vector.shape_cast %get3A_370 : vector<16xf32> to vector<1x1x16xf32>
      tpu.vector_store %arg8[%swap3A_372, %swap3A_373, %swap3A_374], %swap3A_377 {strides = array<i32>} : memref<4x128x128xf32, #tpu.memory_space<vmem>>, vector<1x1x16xf32>,
      %get3A_378 = arith.constant 0 : i32
      %get3A_379 = arith.index_cast %get3A_378 : i32 to index
      %get3A_380 = arith.index_cast %add3A_338 : i32 to index
      %get3A_381 = arith.constant 48 : index
      %get3A_382 = tpu.vector_load %arg9[%get3A_379, %get3A_380, %get3A_381] {strides = array<i32>} : memref<2x128x128xf32, #tpu.memory_space<vmem>>, vector<1x1x16xf32>,
      %get3A_383 = vector.shape_cast %get3A_382 : vector<1x1x16xf32> to vector<16xf32>
      %swap3A_384 = arith.constant 0 : i32
      %swap3A_385 = arith.index_cast %swap3A_384 : i32 to index
      %swap3A_386 = arith.index_cast %add3A_338 : i32 to index
      %swap3A_387 = arith.constant 112 : index
      %swap3A_388 = tpu.vector_load %arg8[%swap3A_385, %swap3A_386, %swap3A_387] {strides = array<i32>} : memref<4x128x128xf32, #tpu.memory_space<vmem>>, vector<1x1x16xf32>,
      %swap3A_389 = vector.shape_cast %swap3A_388 : vector<1x1x16xf32> to vector<16xf32>
      %swap3A_390 = vector.shape_cast %get3A_383 : vector<16xf32> to vector<1x1x16xf32>
      tpu.vector_store %arg8[%swap3A_385, %swap3A_386, %swap3A_387], %swap3A_390 {strides = array<i32>} : memref<4x128x128xf32, #tpu.memory_space<vmem>>, vector<1x1x16xf32>,
      %mul3A_391 = arith.constant 4 : i32
      %mul3A_392 = arith.muli %scan3A_280, %mul3A_391 : i32
      %add3A_393 = arith.constant 2 : i32
      %add3A_394 = arith.addi %mul3A_392, %add3A_393 : i32
      %get3A_395 = arith.constant 0 : i32
      %get3A_396 = arith.index_cast %get3A_395 : i32 to index
      %get3A_397 = arith.index_cast %add3A_394 : i32 to index
      %get3A_398 = arith.constant 0 : index
      %get3A_399 = tpu.vector_load %arg9[%get3A_396, %get3A_397, %get3A_398] {strides = array<i32>} : memref<2x128x128xf32, #tpu.memory_space<vmem>>, vector<1x1x16xf32>,
      %get3A_400 = vector.shape_cast %get3A_399 : vector<1x1x16xf32> to vector<16xf32>
      %swap3A_401 = arith.constant 0 : i32
      %swap3A_402 = arith.index_cast %swap3A_401 : i32 to index
      %swap3A_403 = arith.index_cast %add3A_394 : i32 to index
      %swap3A_404 = arith.constant 64 : index
      %swap3A_405 = tpu.vector_load %arg8[%swap3A_402, %swap3A_403, %swap3A_404] {strides = array<i32>} : memref<4x128x128xf32, #tpu.memory_space<vmem>>, vector<1x1x16xf32>,
      %swap3A_406 = vector.shape_cast %swap3A_405 : vector<1x1x16xf32> to vector<16xf32>
      %swap3A_407 = vector.shape_cast %get3A_400 : vector<16xf32> to vector<1x1x16xf32>
      tpu.vector_store %arg8[%swap3A_402, %swap3A_403, %swap3A_404], %swap3A_407 {strides = array<i32>} : memref<4x128x128xf32, #tpu.memory_space<vmem>>, vector<1x1x16xf32>,
      %get3A_408 = arith.constant 0 : i32
      %get3A_409 = arith.index_cast %get3A_408 : i32 to index
      %get3A_410 = arith.index_cast %add3A_394 : i32 to index
      %get3A_411 = arith.constant 16 : index
      %get3A_412 = tpu.vector_load %arg9[%get3A_409, %get3A_410, %get3A_411] {strides = array<i32>} : memref<2x128x128xf32, #tpu.memory_space<vmem>>, vector<1x1x16xf32>,
      %get3A_413 = vector.shape_cast %get3A_412 : vector<1x1x16xf32> to vector<16xf32>
      %swap3A_414 = arith.constant 0 : i32
      %swap3A_415 = arith.index_cast %swap3A_414 : i32 to index
      %swap3A_416 = arith.index_cast %add3A_394 : i32 to index
      %swap3A_417 = arith.constant 80 : index
      %swap3A_418 = tpu.vector_load %arg8[%swap3A_415, %swap3A_416, %swap3A_417] {strides = array<i32>} : memref<4x128x128xf32, #tpu.memory_space<vmem>>, vector<1x1x16xf32>,
      %swap3A_419 = vector.shape_cast %swap3A_418 : vector<1x1x16xf32> to vector<16xf32>
      %swap3A_420 = vector.shape_cast %get3A_413 : vector<16xf32> to vector<1x1x16xf32>
      tpu.vector_store %arg8[%swap3A_415, %swap3A_416, %swap3A_417], %swap3A_420 {strides = array<i32>} : memref<4x128x128xf32, #tpu.memory_space<vmem>>, vector<1x1x16xf32>,
      %get3A_421 = arith.constant 0 : i32
      %get3A_422 = arith.index_cast %get3A_421 : i32 to index
      %get3A_423 = arith.index_cast %add3A_394 : i32 to index
      %get3A_424 = arith.constant 32 : index
      %get3A_425 = tpu.vector_load %arg9[%get3A_422, %get3A_423, %get3A_424] {strides = array<i32>} : memref<2x128x128xf32, #tpu.memory_space<vmem>>, vector<1x1x16xf32>,
      %get3A_426 = vector.shape_cast %get3A_425 : vector<1x1x16xf32> to vector<16xf32>
      %swap3A_427 = arith.constant 0 : i32
      %swap3A_428 = arith.index_cast %swap3A_427 : i32 to index
      %swap3A_429 = arith.index_cast %add3A_394 : i32 to index
      %swap3A_430 = arith.constant 96 : index
      %swap3A_431 = tpu.vector_load %arg8[%swap3A_428, %swap3A_429, %swap3A_430] {strides = array<i32>} : memref<4x128x128xf32, #tpu.memory_space<vmem>>, vector<1x1x16xf32>,
      %swap3A_432 = vector.shape_cast %swap3A_431 : vector<1x1x16xf32> to vector<16xf32>
      %swap3A_433 = vector.shape_cast %get3A_426 : vector<16xf32> to vector<1x1x16xf32>
      tpu.vector_store %arg8[%swap3A_428, %swap3A_429, %swap3A_430], %swap3A_433 {strides = array<i32>} : memref<4x128x128xf32, #tpu.memory_space<vmem>>, vector<1x1x16xf32>,
      %get3A_434 = arith.constant 0 : i32
      %get3A_435 = arith.index_cast %get3A_434 : i32 to index
      %get3A_436 = arith.index_cast %add3A_394 : i32 to index
      %get3A_437 = arith.constant 48 : index
      %get3A_438 = tpu.vector_load %arg9[%get3A_435, %get3A_436, %get3A_437] {strides = array<i32>} : memref<2x128x128xf32, #tpu.memory_space<vmem>>, vector<1x1x16xf32>,
      %get3A_439 = vector.shape_cast %get3A_438 : vector<1x1x16xf32> to vector<16xf32>
      %swap3A_440 = arith.constant 0 : i32
      %swap3A_441 = arith.index_cast %swap3A_440 : i32 to index
      %swap3A_442 = arith.index_cast %add3A_394 : i32 to index
      %swap3A_443 = arith.constant 112 : index
      %swap3A_444 = tpu.vector_load %arg8[%swap3A_441, %swap3A_442, %swap3A_443] {strides = array<i32>} : memref<4x128x128xf32, #tpu.memory_space<vmem>>, vector<1x1x16xf32>,
      %swap3A_445 = vector.shape_cast %swap3A_444 : vector<1x1x16xf32> to vector<16xf32>
      %swap3A_446 = vector.shape_cast %get3A_439 : vector<16xf32> to vector<1x1x16xf32>
      tpu.vector_store %arg8[%swap3A_441, %swap3A_442, %swap3A_443], %swap3A_446 {strides = array<i32>} : memref<4x128x128xf32, #tpu.memory_space<vmem>>, vector<1x1x16xf32>,
      %mul3A_447 = arith.constant 4 : i32
      %mul3A_448 = arith.muli %scan3A_280, %mul3A_447 : i32
      %add3A_449 = arith.constant 3 : i32
      %add3A_450 = arith.addi %mul3A_448, %add3A_449 : i32
      %get3A_451 = arith.constant 0 : i32
      %get3A_452 = arith.index_cast %get3A_451 : i32 to index
      %get3A_453 = arith.index_cast %add3A_450 : i32 to index
      %get3A_454 = arith.constant 0 : index
      %get3A_455 = tpu.vector_load %arg9[%get3A_452, %get3A_453, %get3A_454] {strides = array<i32>} : memref<2x128x128xf32, #tpu.memory_space<vmem>>, vector<1x1x16xf32>,
      %get3A_456 = vector.shape_cast %get3A_455 : vector<1x1x16xf32> to vector<16xf32>
      %swap3A_457 = arith.constant 0 : i32
      %swap3A_458 = arith.index_cast %swap3A_457 : i32 to index
      %swap3A_459 = arith.index_cast %add3A_450 : i32 to index
      %swap3A_460 = arith.constant 64 : index
      %swap3A_461 = tpu.vector_load %arg8[%swap3A_458, %swap3A_459, %swap3A_460] {strides = array<i32>} : memref<4x128x128xf32, #tpu.memory_space<vmem>>, vector<1x1x16xf32>,
      %swap3A_462 = vector.shape_cast %swap3A_461 : vector<1x1x16xf32> to vector<16xf32>
      %swap3A_463 = vector.shape_cast %get3A_456 : vector<16xf32> to vector<1x1x16xf32>
      tpu.vector_store %arg8[%swap3A_458, %swap3A_459, %swap3A_460], %swap3A_463 {strides = array<i32>} : memref<4x128x128xf32, #tpu.memory_space<vmem>>, vector<1x1x16xf32>,
      %get3A_464 = arith.constant 0 : i32
      %get3A_465 = arith.index_cast %get3A_464 : i32 to index
      %get3A_466 = arith.index_cast %add3A_450 : i32 to index
      %get3A_467 = arith.constant 16 : index
      %get3A_468 = tpu.vector_load %arg9[%get3A_465, %get3A_466, %get3A_467] {strides = array<i32>} : memref<2x128x128xf32, #tpu.memory_space<vmem>>, vector<1x1x16xf32>,
      %get3A_469 = vector.shape_cast %get3A_468 : vector<1x1x16xf32> to vector<16xf32>
      %swap3A_470 = arith.constant 0 : i32
      %swap3A_471 = arith.index_cast %swap3A_470 : i32 to index
      %swap3A_472 = arith.index_cast %add3A_450 : i32 to index
      %swap3A_473 = arith.constant 80 : index
      %swap3A_474 = tpu.vector_load %arg8[%swap3A_471, %swap3A_472, %swap3A_473] {strides = array<i32>} : memref<4x128x128xf32, #tpu.memory_space<vmem>>, vector<1x1x16xf32>,
      %swap3A_475 = vector.shape_cast %swap3A_474 : vector<1x1x16xf32> to vector<16xf32>
      %swap3A_476 = vector.shape_cast %get3A_469 : vector<16xf32> to vector<1x1x16xf32>
      tpu.vector_store %arg8[%swap3A_471, %swap3A_472, %swap3A_473], %swap3A_476 {strides = array<i32>} : memref<4x128x128xf32, #tpu.memory_space<vmem>>, vector<1x1x16xf32>,
      %get3A_477 = arith.constant 0 : i32
      %get3A_478 = arith.index_cast %get3A_477 : i32 to index
      %get3A_479 = arith.index_cast %add3A_450 : i32 to index
      %get3A_480 = arith.constant 32 : index
      %get3A_481 = tpu.vector_load %arg9[%get3A_478, %get3A_479, %get3A_480] {strides = array<i32>} : memref<2x128x128xf32, #tpu.memory_space<vmem>>, vector<1x1x16xf32>,
      %get3A_482 = vector.shape_cast %get3A_481 : vector<1x1x16xf32> to vector<16xf32>
      %swap3A_483 = arith.constant 0 : i32
      %swap3A_484 = arith.index_cast %swap3A_483 : i32 to index
      %swap3A_485 = arith.index_cast %add3A_450 : i32 to index
      %swap3A_486 = arith.constant 96 : index
      %swap3A_487 = tpu.vector_load %arg8[%swap3A_484, %swap3A_485, %swap3A_486] {strides = array<i32>} : memref<4x128x128xf32, #tpu.memory_space<vmem>>, vector<1x1x16xf32>,
      %swap3A_488 = vector.shape_cast %swap3A_487 : vector<1x1x16xf32> to vector<16xf32>
      %swap3A_489 = vector.shape_cast %get3A_482 : vector<16xf32> to vector<1x1x16xf32>
      tpu.vector_store %arg8[%swap3A_484, %swap3A_485, %swap3A_486], %swap3A_489 {strides = array<i32>} : memref<4x128x128xf32, #tpu.memory_space<vmem>>, vector<1x1x16xf32>,
      %get3A_490 = arith.constant 0 : i32
      %get3A_491 = arith.index_cast %get3A_490 : i32 to index
      %get3A_492 = arith.index_cast %add3A_450 : i32 to index
      %get3A_493 = arith.constant 48 : index
      %get3A_494 = tpu.vector_load %arg9[%get3A_491, %get3A_492, %get3A_493] {strides = array<i32>} : memref<2x128x128xf32, #tpu.memory_space<vmem>>, vector<1x1x16xf32>,
      %get3A_495 = vector.shape_cast %get3A_494 : vector<1x1x16xf32> to vector<16xf32>
      %swap3A_496 = arith.constant 0 : i32
      %swap3A_497 = arith.index_cast %swap3A_496 : i32 to index
      %swap3A_498 = arith.index_cast %add3A_450 : i32 to index
      %swap3A_499 = arith.constant 112 : index
      %swap3A_500 = tpu.vector_load %arg8[%swap3A_497, %swap3A_498, %swap3A_499] {strides = array<i32>} : memref<4x128x128xf32, #tpu.memory_space<vmem>>, vector<1x1x16xf32>,
      %swap3A_501 = vector.shape_cast %swap3A_500 : vector<1x1x16xf32> to vector<16xf32>
      %swap3A_502 = vector.shape_cast %get3A_495 : vector<16xf32> to vector<1x1x16xf32>
      tpu.vector_store %arg8[%swap3A_497, %swap3A_498, %swap3A_499], %swap3A_502 {strides = array<i32>} : memref<4x128x128xf32, #tpu.memory_space<vmem>>, vector<1x1x16xf32>,
    }
    %scan3A_113 = arith.constant 32 : i32
    %add3A_114 = arith.constant 48 : i32
    %add3A_115 = arith.addi %mul3A_2, %add3A_114 : i32
    %mul3A_116 = arith.constant 128 : i32
    %mul3A_117 = arith.muli %add3A_115, %mul3A_116 : i32
    %dma_start3A_118 = arith.constant 0 : i32
    %dma_start3A_119 = arith.constant 0 : i32
    %dma_start3A_120 = arith.constant 0 : i32
    %dma_start3A_121 = arith.constant 0 : i32
    %dma_start3A_122 = tpu.memref_slice %arg8[%dma_start3A_118, %dma_start3A_120, %dma_start3A_121] : memref<4x128x128xf32, #tpu.memory_space<vmem>> -> memref<1x128x128xf32, #tpu.memory_space<vmem>>
    %dma_start3A_123 = tpu.memref_squeeze %dma_start3A_122 : memref<1x128x128xf32, #tpu.memory_space<vmem>> -> memref<128x128xf32, #tpu.memory_space<vmem>>
    %dma_start3A_124 = arith.constant 0 : i32
    %dma_start3A_125 = tpu.memref_slice %arg5[%mul3A_117, %dma_start3A_124] : memref<204800x128xf32, #tpu.memory_space<hbm>> -> memref<128x128xf32, #tpu.memory_space<hbm>>
    %dma_start3A_126 = tpu.memref_slice %arg13[%dma_start3A_119] : memref<4x!tpu.dma_semaphore, #tpu.memory_space<semaphore_mem>> -> memref<1x!tpu.dma_semaphore, #tpu.memory_space<semaphore_mem>>
    %dma_start3A_127 = tpu.memref_squeeze %dma_start3A_126 : memref<1x!tpu.dma_semaphore, #tpu.memory_space<semaphore_mem>> -> memref<!tpu.dma_semaphore, #tpu.memory_space<semaphore_mem>>
    %dma_start3A_128 = arith.constant 0 : i32
    %dma_start3A_129 = tpu.memref_slice %arg5[%mul3A_117, %dma_start3A_128] : memref<204800x128xf32, #tpu.memory_space<hbm>> -> memref<128x128xf32, #tpu.memory_space<hbm>>
    %dma_start3A_130 = arith.constant 0 : i32
    %dma_start3A_131 = arith.constant 0 : i32
    %dma_start3A_132 = tpu.memref_slice %arg8[%dma_start3A_118, %dma_start3A_130, %dma_start3A_131] : memref<4x128x128xf32, #tpu.memory_space<vmem>> -> memref<1x128x128xf32, #tpu.memory_space<vmem>>
    %dma_start3A_133 = tpu.memref_squeeze %dma_start3A_132 : memref<1x128x128xf32, #tpu.memory_space<vmem>> -> memref<128x128xf32, #tpu.memory_space<vmem>>
    tpu.enqueue_dma source(%dma_start3A_133 : memref<128x128xf32, #tpu.memory_space<vmem>>) target(%dma_start3A_129 : memref<128x128xf32, #tpu.memory_space<hbm>>) target_semaphore(%dma_start3A_127 : memref<!tpu.dma_semaphore, #tpu.memory_space<semaphore_mem>>)
    %add3A_134 = arith.constant 49 : i32
    %add3A_135 = arith.addi %mul3A_2, %add3A_134 : i32
    %mul3A_136 = arith.constant 128 : i32
    %mul3A_137 = arith.muli %add3A_135, %mul3A_136 : i32
    %dma_wait3A_138 = arith.constant 1 : i32
    %dma_wait3A_139 = arith.constant 1 : i32
    %dma_wait3A_140 = arith.constant 0 : i32
    %dma_wait3A_141 = arith.constant 0 : i32
    %dma_wait3A_142 = tpu.memref_slice %arg8[%dma_wait3A_138, %dma_wait3A_140, %dma_wait3A_141] : memref<4x128x128xf32, #tpu.memory_space<vmem>> -> memref<1x128x128xf32, #tpu.memory_space<vmem>>
    %dma_wait3A_143 = tpu.memref_squeeze %dma_wait3A_142 : memref<1x128x128xf32, #tpu.memory_space<vmem>> -> memref<128x128xf32, #tpu.memory_space<vmem>>
    %dma_wait3A_144 = arith.constant 0 : i32
    %dma_wait3A_145 = tpu.memref_slice %arg5[%mul3A_137, %dma_wait3A_144] : memref<204800x128xf32, #tpu.memory_space<hbm>> -> memref<128x128xf32, #tpu.memory_space<hbm>>
    %dma_wait3A_146 = tpu.memref_slice %arg11[%dma_wait3A_139] : memref<4x!tpu.dma_semaphore, #tpu.memory_space<semaphore_mem>> -> memref<1x!tpu.dma_semaphore, #tpu.memory_space<semaphore_mem>>
    %dma_wait3A_147 = tpu.memref_squeeze %dma_wait3A_146 : memref<1x!tpu.dma_semaphore, #tpu.memory_space<semaphore_mem>> -> memref<!tpu.dma_semaphore, #tpu.memory_space<semaphore_mem>>
    %dma_wait3A_148 = arith.constant 0 : i32
    %dma_wait3A_149 = tpu.memref_slice %arg5[%mul3A_137, %dma_wait3A_148] : memref<204800x128xf32, #tpu.memory_space<hbm>> -> memref<128x128xf32, #tpu.memory_space<hbm>>
    %dma_wait3A_150 = arith.constant 0 : i32
    %dma_wait3A_151 = arith.constant 0 : i32
    %dma_wait3A_152 = tpu.memref_slice %arg8[%dma_wait3A_138, %dma_wait3A_150, %dma_wait3A_151] : memref<4x128x128xf32, #tpu.memory_space<vmem>> -> memref<1x128x128xf32, #tpu.memory_space<vmem>>
    %dma_wait3A_153 = tpu.memref_squeeze %dma_wait3A_152 : memref<1x128x128xf32, #tpu.memory_space<vmem>> -> memref<128x128xf32, #tpu.memory_space<vmem>>
    tpu.wait_dma2 semaphore(%dma_wait3A_147 : memref<!tpu.dma_semaphore, #tpu.memory_space<semaphore_mem>>) src(%dma_wait3A_153 : memref<128x128xf32, #tpu.memory_space<vmem>>) dst(%dma_wait3A_149 : memref<128x128xf32, #tpu.memory_space<hbm>>)
    %add3A_154 = arith.constant 49 : i32
    %add3A_155 = arith.addi %mul3A_2, %add3A_154 : i32
    %mul3A_156 = arith.constant 128 : i32
    %mul3A_157 = arith.muli %add3A_155, %mul3A_156 : i32
    %dma_wait3A_158 = arith.constant 1 : i32
    %dma_wait3A_159 = arith.constant 1 : i32
    %dma_wait3A_160 = arith.constant 0 : i32
    %dma_wait3A_161 = arith.constant 0 : i32
    %dma_wait3A_162 = tpu.memref_slice %arg8[%dma_wait3A_158, %dma_wait3A_160, %dma_wait3A_161] : memref<4x128x128xf32, #tpu.memory_space<vmem>> -> memref<1x128x128xf32, #tpu.memory_space<vmem>>
    %dma_wait3A_163 = tpu.memref_squeeze %dma_wait3A_162 : memref<1x128x128xf32, #tpu.memory_space<vmem>> -> memref<128x128xf32, #tpu.memory_space<vmem>>
    %dma_wait3A_164 = arith.constant 0 : i32
    %dma_wait3A_165 = tpu.memref_slice %arg5[%mul3A_157, %dma_wait3A_164] : memref<204800x128xf32, #tpu.memory_space<hbm>> -> memref<128x128xf32, #tpu.memory_space<hbm>>
    %dma_wait3A_166 = tpu.memref_slice %arg12[%dma_wait3A_159] : memref<2x!tpu.dma_semaphore, #tpu.memory_space<semaphore_mem>> -> memref<1x!tpu.dma_semaphore, #tpu.memory_space<semaphore_mem>>
    %dma_wait3A_167 = tpu.memref_squeeze %dma_wait3A_166 : memref<1x!tpu.dma_semaphore, #tpu.memory_space<semaphore_mem>> -> memref<!tpu.dma_semaphore, #tpu.memory_space<semaphore_mem>>
    %dma_wait3A_168 = arith.constant 0 : i32
    %dma_wait3A_169 = tpu.memref_slice %arg5[%mul3A_157, %dma_wait3A_168] : memref<204800x128xf32, #tpu.memory_space<hbm>> -> memref<128x128xf32, #tpu.memory_space<hbm>>
    %dma_wait3A_170 = arith.constant 0 : i32
    %dma_wait3A_171 = arith.constant 0 : i32
    %dma_wait3A_172 = tpu.memref_slice %arg8[%dma_wait3A_158, %dma_wait3A_170, %dma_wait3A_171] : memref<4x128x128xf32, #tpu.memory_space<vmem>> -> memref<1x128x128xf32, #tpu.memory_space<vmem>>
    %dma_wait3A_173 = tpu.memref_squeeze %dma_wait3A_172 : memref<1x128x128xf32, #tpu.memory_space<vmem>> -> memref<128x128xf32, #tpu.memory_space<vmem>>
    tpu.wait_dma2 semaphore(%dma_wait3A_167 : memref<!tpu.dma_semaphore, #tpu.memory_space<semaphore_mem>>) src(%dma_wait3A_173 : memref<128x128xf32, #tpu.memory_space<vmem>>) dst(%dma_wait3A_169 : memref<128x128xf32, #tpu.memory_space<hbm>>)
    %scan3A_174 = arith.constant 0 : i32
    %scan3A_175 = arith.constant 0 : i32
    %scan3A_176 = arith.constant 32 : i32
    %scan3A_177 = arith.addi %scan3A_175, %scan3A_176 : i32
    %scan3A_178 = arith.constant 1 : i32
    scf.for %scan3A_280 = %scan3A_175 to %scan3A_177 step %scan3A_178  : i32 {
      %mul3A_281 = arith.constant 4 : i32
      %mul3A_282 = arith.muli %scan3A_280, %mul3A_281 : i32
      %add3A_283 = arith.constant 0 : i32
      %add3A_284 = arith.addi %mul3A_282, %add3A_283 : i32
      %get3A = arith.constant 1 : i32
      %get3A_285 = arith.index_cast %get3A : i32 to index
      %get3A_286 = arith.index_cast %add3A_284 : i32 to index
      %get3A_287 = arith.constant 0 : index
      %get3A_288 = tpu.vector_load %arg9[%get3A_285, %get3A_286, %get3A_287] {strides = array<i32>} : memref<2x128x128xf32, #tpu.memory_space<vmem>>, vector<1x1x16xf32>,
      %get3A_289 = vector.shape_cast %get3A_288 : vector<1x1x16xf32> to vector<16xf32>
      %swap3A = arith.constant 1 : i32
      %swap3A_290 = arith.index_cast %swap3A : i32 to index
      %swap3A_291 = arith.index_cast %add3A_284 : i32 to index
      %swap3A_292 = arith.constant 64 : index
      %swap3A_293 = tpu.vector_load %arg8[%swap3A_290, %swap3A_291, %swap3A_292] {strides = array<i32>} : memref<4x128x128xf32, #tpu.memory_space<vmem>>, vector<1x1x16xf32>,
      %swap3A_294 = vector.shape_cast %swap3A_293 : vector<1x1x16xf32> to vector<16xf32>
      %swap3A_295 = vector.shape_cast %get3A_289 : vector<16xf32> to vector<1x1x16xf32>
      tpu.vector_store %arg8[%swap3A_290, %swap3A_291, %swap3A_292], %swap3A_295 {strides = array<i32>} : memref<4x128x128xf32, #tpu.memory_space<vmem>>, vector<1x1x16xf32>,
      %get3A_296 = arith.constant 1 : i32
      %get3A_297 = arith.index_cast %get3A_296 : i32 to index
      %get3A_298 = arith.index_cast %add3A_284 : i32 to index
      %get3A_299 = arith.constant 16 : index
      %get3A_300 = tpu.vector_load %arg9[%get3A_297, %get3A_298, %get3A_299] {strides = array<i32>} : memref<2x128x128xf32, #tpu.memory_space<vmem>>, vector<1x1x16xf32>,
      %get3A_301 = vector.shape_cast %get3A_300 : vector<1x1x16xf32> to vector<16xf32>
      %swap3A_302 = arith.constant 1 : i32
      %swap3A_303 = arith.index_cast %swap3A_302 : i32 to index
      %swap3A_304 = arith.index_cast %add3A_284 : i32 to index
      %swap3A_305 = arith.constant 80 : index
      %swap3A_306 = tpu.vector_load %arg8[%swap3A_303, %swap3A_304, %swap3A_305] {strides = array<i32>} : memref<4x128x128xf32, #tpu.memory_space<vmem>>, vector<1x1x16xf32>,
      %swap3A_307 = vector.shape_cast %swap3A_306 : vector<1x1x16xf32> to vector<16xf32>
      %swap3A_308 = vector.shape_cast %get3A_301 : vector<16xf32> to vector<1x1x16xf32>
      tpu.vector_store %arg8[%swap3A_303, %swap3A_304, %swap3A_305], %swap3A_308 {strides = array<i32>} : memref<4x128x128xf32, #tpu.memory_space<vmem>>, vector<1x1x16xf32>,
      %get3A_309 = arith.constant 1 : i32
      %get3A_310 = arith.index_cast %get3A_309 : i32 to index
      %get3A_311 = arith.index_cast %add3A_284 : i32 to index
      %get3A_312 = arith.constant 32 : index
      %get3A_313 = tpu.vector_load %arg9[%get3A_310, %get3A_311, %get3A_312] {strides = array<i32>} : memref<2x128x128xf32, #tpu.memory_space<vmem>>, vector<1x1x16xf32>,
      %get3A_314 = vector.shape_cast %get3A_313 : vector<1x1x16xf32> to vector<16xf32>
      %swap3A_315 = arith.constant 1 : i32
      %swap3A_316 = arith.index_cast %swap3A_315 : i32 to index
      %swap3A_317 = arith.index_cast %add3A_284 : i32 to index
      %swap3A_318 = arith.constant 96 : index
      %swap3A_319 = tpu.vector_load %arg8[%swap3A_316, %swap3A_317, %swap3A_318] {strides = array<i32>} : memref<4x128x128xf32, #tpu.memory_space<vmem>>, vector<1x1x16xf32>,
      %swap3A_320 = vector.shape_cast %swap3A_319 : vector<1x1x16xf32> to vector<16xf32>
      %swap3A_321 = vector.shape_cast %get3A_314 : vector<16xf32> to vector<1x1x16xf32>
      tpu.vector_store %arg8[%swap3A_316, %swap3A_317, %swap3A_318], %swap3A_321 {strides = array<i32>} : memref<4x128x128xf32, #tpu.memory_space<vmem>>, vector<1x1x16xf32>,
      %get3A_322 = arith.constant 1 : i32
      %get3A_323 = arith.index_cast %get3A_322 : i32 to index
      %get3A_324 = arith.index_cast %add3A_284 : i32 to index
      %get3A_325 = arith.constant 48 : index
      %get3A_326 = tpu.vector_load %arg9[%get3A_323, %get3A_324, %get3A_325] {strides = array<i32>} : memref<2x128x128xf32, #tpu.memory_space<vmem>>, vector<1x1x16xf32>,
      %get3A_327 = vector.shape_cast %get3A_326 : vector<1x1x16xf32> to vector<16xf32>
      %swap3A_328 = arith.constant 1 : i32
      %swap3A_329 = arith.index_cast %swap3A_328 : i32 to index
      %swap3A_330 = arith.index_cast %add3A_284 : i32 to index
      %swap3A_331 = arith.constant 112 : index
      %swap3A_332 = tpu.vector_load %arg8[%swap3A_329, %swap3A_330, %swap3A_331] {strides = array<i32>} : memref<4x128x128xf32, #tpu.memory_space<vmem>>, vector<1x1x16xf32>,
      %swap3A_333 = vector.shape_cast %swap3A_332 : vector<1x1x16xf32> to vector<16xf32>
      %swap3A_334 = vector.shape_cast %get3A_327 : vector<16xf32> to vector<1x1x16xf32>
      tpu.vector_store %arg8[%swap3A_329, %swap3A_330, %swap3A_331], %swap3A_334 {strides = array<i32>} : memref<4x128x128xf32, #tpu.memory_space<vmem>>, vector<1x1x16xf32>,
      %mul3A_335 = arith.constant 4 : i32
      %mul3A_336 = arith.muli %scan3A_280, %mul3A_335 : i32
      %add3A_337 = arith.constant 1 : i32
      %add3A_338 = arith.addi %mul3A_336, %add3A_337 : i32
      %get3A_339 = arith.constant 1 : i32
      %get3A_340 = arith.index_cast %get3A_339 : i32 to index
      %get3A_341 = arith.index_cast %add3A_338 : i32 to index
      %get3A_342 = arith.constant 0 : index
      %get3A_343 = tpu.vector_load %arg9[%get3A_340, %get3A_341, %get3A_342] {strides = array<i32>} : memref<2x128x128xf32, #tpu.memory_space<vmem>>, vector<1x1x16xf32>,
      %get3A_344 = vector.shape_cast %get3A_343 : vector<1x1x16xf32> to vector<16xf32>
      %swap3A_345 = arith.constant 1 : i32
      %swap3A_346 = arith.index_cast %swap3A_345 : i32 to index
      %swap3A_347 = arith.index_cast %add3A_338 : i32 to index
      %swap3A_348 = arith.constant 64 : index
      %swap3A_349 = tpu.vector_load %arg8[%swap3A_346, %swap3A_347, %swap3A_348] {strides = array<i32>} : memref<4x128x128xf32, #tpu.memory_space<vmem>>, vector<1x1x16xf32>,
      %swap3A_350 = vector.shape_cast %swap3A_349 : vector<1x1x16xf32> to vector<16xf32>
      %swap3A_351 = vector.shape_cast %get3A_344 : vector<16xf32> to vector<1x1x16xf32>
      tpu.vector_store %arg8[%swap3A_346, %swap3A_347, %swap3A_348], %swap3A_351 {strides = array<i32>} : memref<4x128x128xf32, #tpu.memory_space<vmem>>, vector<1x1x16xf32>,
      %get3A_352 = arith.constant 1 : i32
      %get3A_353 = arith.index_cast %get3A_352 : i32 to index
      %get3A_354 = arith.index_cast %add3A_338 : i32 to index
      %get3A_355 = arith.constant 16 : index
      %get3A_356 = tpu.vector_load %arg9[%get3A_353, %get3A_354, %get3A_355] {strides = array<i32>} : memref<2x128x128xf32, #tpu.memory_space<vmem>>, vector<1x1x16xf32>,
      %get3A_357 = vector.shape_cast %get3A_356 : vector<1x1x16xf32> to vector<16xf32>
      %swap3A_358 = arith.constant 1 : i32
      %swap3A_359 = arith.index_cast %swap3A_358 : i32 to index
      %swap3A_360 = arith.index_cast %add3A_338 : i32 to index
      %swap3A_361 = arith.constant 80 : index
      %swap3A_362 = tpu.vector_load %arg8[%swap3A_359, %swap3A_360, %swap3A_361] {strides = array<i32>} : memref<4x128x128xf32, #tpu.memory_space<vmem>>, vector<1x1x16xf32>,
      %swap3A_363 = vector.shape_cast %swap3A_362 : vector<1x1x16xf32> to vector<16xf32>
      %swap3A_364 = vector.shape_cast %get3A_357 : vector<16xf32> to vector<1x1x16xf32>
      tpu.vector_store %arg8[%swap3A_359, %swap3A_360, %swap3A_361], %swap3A_364 {strides = array<i32>} : memref<4x128x128xf32, #tpu.memory_space<vmem>>, vector<1x1x16xf32>,
      %get3A_365 = arith.constant 1 : i32
      %get3A_366 = arith.index_cast %get3A_365 : i32 to index
      %get3A_367 = arith.index_cast %add3A_338 : i32 to index
      %get3A_368 = arith.constant 32 : index
      %get3A_369 = tpu.vector_load %arg9[%get3A_366, %get3A_367, %get3A_368] {strides = array<i32>} : memref<2x128x128xf32, #tpu.memory_space<vmem>>, vector<1x1x16xf32>,
      %get3A_370 = vector.shape_cast %get3A_369 : vector<1x1x16xf32> to vector<16xf32>
      %swap3A_371 = arith.constant 1 : i32
      %swap3A_372 = arith.index_cast %swap3A_371 : i32 to index
      %swap3A_373 = arith.index_cast %add3A_338 : i32 to index
      %swap3A_374 = arith.constant 96 : index
      %swap3A_375 = tpu.vector_load %arg8[%swap3A_372, %swap3A_373, %swap3A_374] {strides = array<i32>} : memref<4x128x128xf32, #tpu.memory_space<vmem>>, vector<1x1x16xf32>,
      %swap3A_376 = vector.shape_cast %swap3A_375 : vector<1x1x16xf32> to vector<16xf32>
      %swap3A_377 = vector.shape_cast %get3A_370 : vector<16xf32> to vector<1x1x16xf32>
      tpu.vector_store %arg8[%swap3A_372, %swap3A_373, %swap3A_374], %swap3A_377 {strides = array<i32>} : memref<4x128x128xf32, #tpu.memory_space<vmem>>, vector<1x1x16xf32>,
      %get3A_378 = arith.constant 1 : i32
      %get3A_379 = arith.index_cast %get3A_378 : i32 to index
      %get3A_380 = arith.index_cast %add3A_338 : i32 to index
      %get3A_381 = arith.constant 48 : index
      %get3A_382 = tpu.vector_load %arg9[%get3A_379, %get3A_380, %get3A_381] {strides = array<i32>} : memref<2x128x128xf32, #tpu.memory_space<vmem>>, vector<1x1x16xf32>,
      %get3A_383 = vector.shape_cast %get3A_382 : vector<1x1x16xf32> to vector<16xf32>
      %swap3A_384 = arith.constant 1 : i32
      %swap3A_385 = arith.index_cast %swap3A_384 : i32 to index
      %swap3A_386 = arith.index_cast %add3A_338 : i32 to index
      %swap3A_387 = arith.constant 112 : index
      %swap3A_388 = tpu.vector_load %arg8[%swap3A_385, %swap3A_386, %swap3A_387] {strides = array<i32>} : memref<4x128x128xf32, #tpu.memory_space<vmem>>, vector<1x1x16xf32>,
      %swap3A_389 = vector.shape_cast %swap3A_388 : vector<1x1x16xf32> to vector<16xf32>
      %swap3A_390 = vector.shape_cast %get3A_383 : vector<16xf32> to vector<1x1x16xf32>
      tpu.vector_store %arg8[%swap3A_385, %swap3A_386, %swap3A_387], %swap3A_390 {strides = array<i32>} : memref<4x128x128xf32, #tpu.memory_space<vmem>>, vector<1x1x16xf32>,
      %mul3A_391 = arith.constant 4 : i32
      %mul3A_392 = arith.muli %scan3A_280, %mul3A_391 : i32
      %add3A_393 = arith.constant 2 : i32
      %add3A_394 = arith.addi %mul3A_392, %add3A_393 : i32
      %get3A_395 = arith.constant 1 : i32
      %get3A_396 = arith.index_cast %get3A_395 : i32 to index
      %get3A_397 = arith.index_cast %add3A_394 : i32 to index
      %get3A_398 = arith.constant 0 : index
      %get3A_399 = tpu.vector_load %arg9[%get3A_396, %get3A_397, %get3A_398] {strides = array<i32>} : memref<2x128x128xf32, #tpu.memory_space<vmem>>, vector<1x1x16xf32>,
      %get3A_400 = vector.shape_cast %get3A_399 : vector<1x1x16xf32> to vector<16xf32>
      %swap3A_401 = arith.constant 1 : i32
      %swap3A_402 = arith.index_cast %swap3A_401 : i32 to index
      %swap3A_403 = arith.index_cast %add3A_394 : i32 to index
      %swap3A_404 = arith.constant 64 : index
      %swap3A_405 = tpu.vector_load %arg8[%swap3A_402, %swap3A_403, %swap3A_404] {strides = array<i32>} : memref<4x128x128xf32, #tpu.memory_space<vmem>>, vector<1x1x16xf32>,
      %swap3A_406 = vector.shape_cast %swap3A_405 : vector<1x1x16xf32> to vector<16xf32>
      %swap3A_407 = vector.shape_cast %get3A_400 : vector<16xf32> to vector<1x1x16xf32>
      tpu.vector_store %arg8[%swap3A_402, %swap3A_403, %swap3A_404], %swap3A_407 {strides = array<i32>} : memref<4x128x128xf32, #tpu.memory_space<vmem>>, vector<1x1x16xf32>,
      %get3A_408 = arith.constant 1 : i32
      %get3A_409 = arith.index_cast %get3A_408 : i32 to index
      %get3A_410 = arith.index_cast %add3A_394 : i32 to index
      %get3A_411 = arith.constant 16 : index
      %get3A_412 = tpu.vector_load %arg9[%get3A_409, %get3A_410, %get3A_411] {strides = array<i32>} : memref<2x128x128xf32, #tpu.memory_space<vmem>>, vector<1x1x16xf32>,
      %get3A_413 = vector.shape_cast %get3A_412 : vector<1x1x16xf32> to vector<16xf32>
      %swap3A_414 = arith.constant 1 : i32
      %swap3A_415 = arith.index_cast %swap3A_414 : i32 to index
      %swap3A_416 = arith.index_cast %add3A_394 : i32 to index
      %swap3A_417 = arith.constant 80 : index
      %swap3A_418 = tpu.vector_load %arg8[%swap3A_415, %swap3A_416, %swap3A_417] {strides = array<i32>} : memref<4x128x128xf32, #tpu.memory_space<vmem>>, vector<1x1x16xf32>,
      %swap3A_419 = vector.shape_cast %swap3A_418 : vector<1x1x16xf32> to vector<16xf32>
      %swap3A_420 = vector.shape_cast %get3A_413 : vector<16xf32> to vector<1x1x16xf32>
      tpu.vector_store %arg8[%swap3A_415, %swap3A_416, %swap3A_417], %swap3A_420 {strides = array<i32>} : memref<4x128x128xf32, #tpu.memory_space<vmem>>, vector<1x1x16xf32>,
      %get3A_421 = arith.constant 1 : i32
      %get3A_422 = arith.index_cast %get3A_421 : i32 to index
      %get3A_423 = arith.index_cast %add3A_394 : i32 to index
      %get3A_424 = arith.constant 32 : index
      %get3A_425 = tpu.vector_load %arg9[%get3A_422, %get3A_423, %get3A_424] {strides = array<i32>} : memref<2x128x128xf32, #tpu.memory_space<vmem>>, vector<1x1x16xf32>,
      %get3A_426 = vector.shape_cast %get3A_425 : vector<1x1x16xf32> to vector<16xf32>
      %swap3A_427 = arith.constant 1 : i32
      %swap3A_428 = arith.index_cast %swap3A_427 : i32 to index
      %swap3A_429 = arith.index_cast %add3A_394 : i32 to index
      %swap3A_430 = arith.constant 96 : index
      %swap3A_431 = tpu.vector_load %arg8[%swap3A_428, %swap3A_429, %swap3A_430] {strides = array<i32>} : memref<4x128x128xf32, #tpu.memory_space<vmem>>, vector<1x1x16xf32>,
      %swap3A_432 = vector.shape_cast %swap3A_431 : vector<1x1x16xf32> to vector<16xf32>
      %swap3A_433 = vector.shape_cast %get3A_426 : vector<16xf32> to vector<1x1x16xf32>
      tpu.vector_store %arg8[%swap3A_428, %swap3A_429, %swap3A_430], %swap3A_433 {strides = array<i32>} : memref<4x128x128xf32, #tpu.memory_space<vmem>>, vector<1x1x16xf32>,
      %get3A_434 = arith.constant 1 : i32
      %get3A_435 = arith.index_cast %get3A_434 : i32 to index
      %get3A_436 = arith.index_cast %add3A_394 : i32 to index
      %get3A_437 = arith.constant 48 : index
      %get3A_438 = tpu.vector_load %arg9[%get3A_435, %get3A_436, %get3A_437] {strides = array<i32>} : memref<2x128x128xf32, #tpu.memory_space<vmem>>, vector<1x1x16xf32>,
      %get3A_439 = vector.shape_cast %get3A_438 : vector<1x1x16xf32> to vector<16xf32>
      %swap3A_440 = arith.constant 1 : i32
      %swap3A_441 = arith.index_cast %swap3A_440 : i32 to index
      %swap3A_442 = arith.index_cast %add3A_394 : i32 to index
      %swap3A_443 = arith.constant 112 : index
      %swap3A_444 = tpu.vector_load %arg8[%swap3A_441, %swap3A_442, %swap3A_443] {strides = array<i32>} : memref<4x128x128xf32, #tpu.memory_space<vmem>>, vector<1x1x16xf32>,
      %swap3A_445 = vector.shape_cast %swap3A_444 : vector<1x1x16xf32> to vector<16xf32>
      %swap3A_446 = vector.shape_cast %get3A_439 : vector<16xf32> to vector<1x1x16xf32>
      tpu.vector_store %arg8[%swap3A_441, %swap3A_442, %swap3A_443], %swap3A_446 {strides = array<i32>} : memref<4x128x128xf32, #tpu.memory_space<vmem>>, vector<1x1x16xf32>,
      %mul3A_447 = arith.constant 4 : i32
      %mul3A_448 = arith.muli %scan3A_280, %mul3A_447 : i32
      %add3A_449 = arith.constant 3 : i32
      %add3A_450 = arith.addi %mul3A_448, %add3A_449 : i32
      %get3A_451 = arith.constant 1 : i32
      %get3A_452 = arith.index_cast %get3A_451 : i32 to index
      %get3A_453 = arith.index_cast %add3A_450 : i32 to index
      %get3A_454 = arith.constant 0 : index
      %get3A_455 = tpu.vector_load %arg9[%get3A_452, %get3A_453, %get3A_454] {strides = array<i32>} : memref<2x128x128xf32, #tpu.memory_space<vmem>>, vector<1x1x16xf32>,
      %get3A_456 = vector.shape_cast %get3A_455 : vector<1x1x16xf32> to vector<16xf32>
      %swap3A_457 = arith.constant 1 : i32
      %swap3A_458 = arith.index_cast %swap3A_457 : i32 to index
      %swap3A_459 = arith.index_cast %add3A_450 : i32 to index
      %swap3A_460 = arith.constant 64 : index
      %swap3A_461 = tpu.vector_load %arg8[%swap3A_458, %swap3A_459, %swap3A_460] {strides = array<i32>} : memref<4x128x128xf32, #tpu.memory_space<vmem>>, vector<1x1x16xf32>,
      %swap3A_462 = vector.shape_cast %swap3A_461 : vector<1x1x16xf32> to vector<16xf32>
      %swap3A_463 = vector.shape_cast %get3A_456 : vector<16xf32> to vector<1x1x16xf32>
      tpu.vector_store %arg8[%swap3A_458, %swap3A_459, %swap3A_460], %swap3A_463 {strides = array<i32>} : memref<4x128x128xf32, #tpu.memory_space<vmem>>, vector<1x1x16xf32>,
      %get3A_464 = arith.constant 1 : i32
      %get3A_465 = arith.index_cast %get3A_464 : i32 to index
      %get3A_466 = arith.index_cast %add3A_450 : i32 to index
      %get3A_467 = arith.constant 16 : index
      %get3A_468 = tpu.vector_load %arg9[%get3A_465, %get3A_466, %get3A_467] {strides = array<i32>} : memref<2x128x128xf32, #tpu.memory_space<vmem>>, vector<1x1x16xf32>,
      %get3A_469 = vector.shape_cast %get3A_468 : vector<1x1x16xf32> to vector<16xf32>
      %swap3A_470 = arith.constant 1 : i32
      %swap3A_471 = arith.index_cast %swap3A_470 : i32 to index
      %swap3A_472 = arith.index_cast %add3A_450 : i32 to index
      %swap3A_473 = arith.constant 80 : index
      %swap3A_474 = tpu.vector_load %arg8[%swap3A_471, %swap3A_472, %swap3A_473] {strides = array<i32>} : memref<4x128x128xf32, #tpu.memory_space<vmem>>, vector<1x1x16xf32>,
      %swap3A_475 = vector.shape_cast %swap3A_474 : vector<1x1x16xf32> to vector<16xf32>
      %swap3A_476 = vector.shape_cast %get3A_469 : vector<16xf32> to vector<1x1x16xf32>
      tpu.vector_store %arg8[%swap3A_471, %swap3A_472, %swap3A_473], %swap3A_476 {strides = array<i32>} : memref<4x128x128xf32, #tpu.memory_space<vmem>>, vector<1x1x16xf32>,
      %get3A_477 = arith.constant 1 : i32
      %get3A_478 = arith.index_cast %get3A_477 : i32 to index
      %get3A_479 = arith.index_cast %add3A_450 : i32 to index
      %get3A_480 = arith.constant 32 : index
      %get3A_481 = tpu.vector_load %arg9[%get3A_478, %get3A_479, %get3A_480] {strides = array<i32>} : memref<2x128x128xf32, #tpu.memory_space<vmem>>, vector<1x1x16xf32>,
      %get3A_482 = vector.shape_cast %get3A_481 : vector<1x1x16xf32> to vector<16xf32>
      %swap3A_483 = arith.constant 1 : i32
      %swap3A_484 = arith.index_cast %swap3A_483 : i32 to index
      %swap3A_485 = arith.index_cast %add3A_450 : i32 to index
      %swap3A_486 = arith.constant 96 : index
      %swap3A_487 = tpu.vector_load %arg8[%swap3A_484, %swap3A_485, %swap3A_486] {strides = array<i32>} : memref<4x128x128xf32, #tpu.memory_space<vmem>>, vector<1x1x16xf32>,
      %swap3A_488 = vector.shape_cast %swap3A_487 : vector<1x1x16xf32> to vector<16xf32>
      %swap3A_489 = vector.shape_cast %get3A_482 : vector<16xf32> to vector<1x1x16xf32>
      tpu.vector_store %arg8[%swap3A_484, %swap3A_485, %swap3A_486], %swap3A_489 {strides = array<i32>} : memref<4x128x128xf32, #tpu.memory_space<vmem>>, vector<1x1x16xf32>,
      %get3A_490 = arith.constant 1 : i32
      %get3A_491 = arith.index_cast %get3A_490 : i32 to index
      %get3A_492 = arith.index_cast %add3A_450 : i32 to index
      %get3A_493 = arith.constant 48 : index
      %get3A_494 = tpu.vector_load %arg9[%get3A_491, %get3A_492, %get3A_493] {strides = array<i32>} : memref<2x128x128xf32, #tpu.memory_space<vmem>>, vector<1x1x16xf32>,
      %get3A_495 = vector.shape_cast %get3A_494 : vector<1x1x16xf32> to vector<16xf32>
      %swap3A_496 = arith.constant 1 : i32
      %swap3A_497 = arith.index_cast %swap3A_496 : i32 to index
      %swap3A_498 = arith.index_cast %add3A_450 : i32 to index
      %swap3A_499 = arith.constant 112 : index
      %swap3A_500 = tpu.vector_load %arg8[%swap3A_497, %swap3A_498, %swap3A_499] {strides = array<i32>} : memref<4x128x128xf32, #tpu.memory_space<vmem>>, vector<1x1x16xf32>,
      %swap3A_501 = vector.shape_cast %swap3A_500 : vector<1x1x16xf32> to vector<16xf32>
      %swap3A_502 = vector.shape_cast %get3A_495 : vector<16xf32> to vector<1x1x16xf32>
      tpu.vector_store %arg8[%swap3A_497, %swap3A_498, %swap3A_499], %swap3A_502 {strides = array<i32>} : memref<4x128x128xf32, #tpu.memory_space<vmem>>, vector<1x1x16xf32>,
    }
    %scan3A_179 = arith.constant 32 : i32
    %add3A_180 = arith.constant 49 : i32
    %add3A_181 = arith.addi %mul3A_2, %add3A_180 : i32
    %mul3A_182 = arith.constant 128 : i32
    %mul3A_183 = arith.muli %add3A_181, %mul3A_182 : i32
    %dma_start3A_184 = arith.constant 1 : i32
    %dma_start3A_185 = arith.constant 1 : i32
    %dma_start3A_186 = arith.constant 0 : i32
    %dma_start3A_187 = arith.constant 0 : i32
    %dma_start3A_188 = tpu.memref_slice %arg8[%dma_start3A_184, %dma_start3A_186, %dma_start3A_187] : memref<4x128x128xf32, #tpu.memory_space<vmem>> -> memref<1x128x128xf32, #tpu.memory_space<vmem>>
    %dma_start3A_189 = tpu.memref_squeeze %dma_start3A_188 : memref<1x128x128xf32, #tpu.memory_space<vmem>> -> memref<128x128xf32, #tpu.memory_space<vmem>>
    %dma_start3A_190 = arith.constant 0 : i32
    %dma_start3A_191 = tpu.memref_slice %arg5[%mul3A_183, %dma_start3A_190] : memref<204800x128xf32, #tpu.memory_space<hbm>> -> memref<128x128xf32, #tpu.memory_space<hbm>>
    %dma_start3A_192 = tpu.memref_slice %arg13[%dma_start3A_185] : memref<4x!tpu.dma_semaphore, #tpu.memory_space<semaphore_mem>> -> memref<1x!tpu.dma_semaphore, #tpu.memory_space<semaphore_mem>>
    %dma_start3A_193 = tpu.memref_squeeze %dma_start3A_192 : memref<1x!tpu.dma_semaphore, #tpu.memory_space<semaphore_mem>> -> memref<!tpu.dma_semaphore, #tpu.memory_space<semaphore_mem>>
    %dma_start3A_194 = arith.constant 0 : i32
    %dma_start3A_195 = tpu.memref_slice %arg5[%mul3A_183, %dma_start3A_194] : memref<204800x128xf32, #tpu.memory_space<hbm>> -> memref<128x128xf32, #tpu.memory_space<hbm>>
    %dma_start3A_196 = arith.constant 0 : i32
    %dma_start3A_197 = arith.constant 0 : i32
    %dma_start3A_198 = tpu.memref_slice %arg8[%dma_start3A_184, %dma_start3A_196, %dma_start3A_197] : memref<4x128x128xf32, #tpu.memory_space<vmem>> -> memref<1x128x128xf32, #tpu.memory_space<vmem>>
    %dma_start3A_199 = tpu.memref_squeeze %dma_start3A_198 : memref<1x128x128xf32, #tpu.memory_space<vmem>> -> memref<128x128xf32, #tpu.memory_space<vmem>>
    tpu.enqueue_dma source(%dma_start3A_199 : memref<128x128xf32, #tpu.memory_space<vmem>>) target(%dma_start3A_195 : memref<128x128xf32, #tpu.memory_space<hbm>>) target_semaphore(%dma_start3A_193 : memref<!tpu.dma_semaphore, #tpu.memory_space<semaphore_mem>>)
    %add3A_200 = arith.constant 46 : i32
    %add3A_201 = arith.addi %mul3A_2, %add3A_200 : i32
    %mul3A_202 = arith.constant 128 : i32
    %mul3A_203 = arith.muli %add3A_201, %mul3A_202 : i32
    %dma_wait3A_204 = arith.constant 2 : i32
    %dma_wait3A_205 = arith.constant 2 : i32
    %dma_wait3A_206 = arith.constant 0 : i32
    %dma_wait3A_207 = arith.constant 0 : i32
    %dma_wait3A_208 = tpu.memref_slice %arg8[%dma_wait3A_204, %dma_wait3A_206, %dma_wait3A_207] : memref<4x128x128xf32, #tpu.memory_space<vmem>> -> memref<1x128x128xf32, #tpu.memory_space<vmem>>
    %dma_wait3A_209 = tpu.memref_squeeze %dma_wait3A_208 : memref<1x128x128xf32, #tpu.memory_space<vmem>> -> memref<128x128xf32, #tpu.memory_space<vmem>>
    %dma_wait3A_210 = arith.constant 0 : i32
    %dma_wait3A_211 = tpu.memref_slice %arg5[%mul3A_203, %dma_wait3A_210] : memref<204800x128xf32, #tpu.memory_space<hbm>> -> memref<128x128xf32, #tpu.memory_space<hbm>>
    %dma_wait3A_212 = tpu.memref_slice %arg13[%dma_wait3A_205] : memref<4x!tpu.dma_semaphore, #tpu.memory_space<semaphore_mem>> -> memref<1x!tpu.dma_semaphore, #tpu.memory_space<semaphore_mem>>
    %dma_wait3A_213 = tpu.memref_squeeze %dma_wait3A_212 : memref<1x!tpu.dma_semaphore, #tpu.memory_space<semaphore_mem>> -> memref<!tpu.dma_semaphore, #tpu.memory_space<semaphore_mem>>
    %dma_wait3A_214 = arith.constant 0 : i32
    %dma_wait3A_215 = tpu.memref_slice %arg5[%mul3A_203, %dma_wait3A_214] : memref<204800x128xf32, #tpu.memory_space<hbm>> -> memref<128x128xf32, #tpu.memory_space<hbm>>
    %dma_wait3A_216 = arith.constant 0 : i32
    %dma_wait3A_217 = arith.constant 0 : i32
    %dma_wait3A_218 = tpu.memref_slice %arg8[%dma_wait3A_204, %dma_wait3A_216, %dma_wait3A_217] : memref<4x128x128xf32, #tpu.memory_space<vmem>> -> memref<1x128x128xf32, #tpu.memory_space<vmem>>
    %dma_wait3A_219 = tpu.memref_squeeze %dma_wait3A_218 : memref<1x128x128xf32, #tpu.memory_space<vmem>> -> memref<128x128xf32, #tpu.memory_space<vmem>>
    tpu.wait_dma2 semaphore(%dma_wait3A_213 : memref<!tpu.dma_semaphore, #tpu.memory_space<semaphore_mem>>) src(%dma_wait3A_219 : memref<128x128xf32, #tpu.memory_space<vmem>>) dst(%dma_wait3A_215 : memref<128x128xf32, #tpu.memory_space<hbm>>)
    %add3A_220 = arith.constant 47 : i32
    %add3A_221 = arith.addi %mul3A_2, %add3A_220 : i32
    %mul3A_222 = arith.constant 128 : i32
    %mul3A_223 = arith.muli %add3A_221, %mul3A_222 : i32
    %dma_wait3A_224 = arith.constant 3 : i32
    %dma_wait3A_225 = arith.constant 3 : i32
    %dma_wait3A_226 = arith.constant 0 : i32
    %dma_wait3A_227 = arith.constant 0 : i32
    %dma_wait3A_228 = tpu.memref_slice %arg8[%dma_wait3A_224, %dma_wait3A_226, %dma_wait3A_227] : memref<4x128x128xf32, #tpu.memory_space<vmem>> -> memref<1x128x128xf32, #tpu.memory_space<vmem>>
    %dma_wait3A_229 = tpu.memref_squeeze %dma_wait3A_228 : memref<1x128x128xf32, #tpu.memory_space<vmem>> -> memref<128x128xf32, #tpu.memory_space<vmem>>
    %dma_wait3A_230 = arith.constant 0 : i32
    %dma_wait3A_231 = tpu.memref_slice %arg5[%mul3A_223, %dma_wait3A_230] : memref<204800x128xf32, #tpu.memory_space<hbm>> -> memref<128x128xf32, #tpu.memory_space<hbm>>
    %dma_wait3A_232 = tpu.memref_slice %arg13[%dma_wait3A_225] : memref<4x!tpu.dma_semaphore, #tpu.memory_space<semaphore_mem>> -> memref<1x!tpu.dma_semaphore, #tpu.memory_space<semaphore_mem>>
    %dma_wait3A_233 = tpu.memref_squeeze %dma_wait3A_232 : memref<1x!tpu.dma_semaphore, #tpu.memory_space<semaphore_mem>> -> memref<!tpu.dma_semaphore, #tpu.memory_space<semaphore_mem>>
    %dma_wait3A_234 = arith.constant 0 : i32
    %dma_wait3A_235 = tpu.memref_slice %arg5[%mul3A_223, %dma_wait3A_234] : memref<204800x128xf32, #tpu.memory_space<hbm>> -> memref<128x128xf32, #tpu.memory_space<hbm>>
    %dma_wait3A_236 = arith.constant 0 : i32
    %dma_wait3A_237 = arith.constant 0 : i32
    %dma_wait3A_238 = tpu.memref_slice %arg8[%dma_wait3A_224, %dma_wait3A_236, %dma_wait3A_237] : memref<4x128x128xf32, #tpu.memory_space<vmem>> -> memref<1x128x128xf32, #tpu.memory_space<vmem>>
    %dma_wait3A_239 = tpu.memref_squeeze %dma_wait3A_238 : memref<1x128x128xf32, #tpu.memory_space<vmem>> -> memref<128x128xf32, #tpu.memory_space<vmem>>
    tpu.wait_dma2 semaphore(%dma_wait3A_233 : memref<!tpu.dma_semaphore, #tpu.memory_space<semaphore_mem>>) src(%dma_wait3A_239 : memref<128x128xf32, #tpu.memory_space<vmem>>) dst(%dma_wait3A_235 : memref<128x128xf32, #tpu.memory_space<hbm>>)
    %add3A_240 = arith.constant 48 : i32
    %add3A_241 = arith.addi %mul3A_2, %add3A_240 : i32
    %mul3A_242 = arith.constant 128 : i32
    %mul3A_243 = arith.muli %add3A_241, %mul3A_242 : i32
    %dma_wait3A_244 = arith.constant 0 : i32
    %dma_wait3A_245 = arith.constant 0 : i32
    %dma_wait3A_246 = arith.constant 0 : i32
    %dma_wait3A_247 = arith.constant 0 : i32
    %dma_wait3A_248 = tpu.memref_slice %arg8[%dma_wait3A_244, %dma_wait3A_246, %dma_wait3A_247] : memref<4x128x128xf32, #tpu.memory_space<vmem>> -> memref<1x128x128xf32, #tpu.memory_space<vmem>>
    %dma_wait3A_249 = tpu.memref_squeeze %dma_wait3A_248 : memref<1x128x128xf32, #tpu.memory_space<vmem>> -> memref<128x128xf32, #tpu.memory_space<vmem>>
    %dma_wait3A_250 = arith.constant 0 : i32
    %dma_wait3A_251 = tpu.memref_slice %arg5[%mul3A_243, %dma_wait3A_250] : memref<204800x128xf32, #tpu.memory_space<hbm>> -> memref<128x128xf32, #tpu.memory_space<hbm>>
    %dma_wait3A_252 = tpu.memref_slice %arg13[%dma_wait3A_245] : memref<4x!tpu.dma_semaphore, #tpu.memory_space<semaphore_mem>> -> memref<1x!tpu.dma_semaphore, #tpu.memory_space<semaphore_mem>>
    %dma_wait3A_253 = tpu.memref_squeeze %dma_wait3A_252 : memref<1x!tpu.dma_semaphore, #tpu.memory_space<semaphore_mem>> -> memref<!tpu.dma_semaphore, #tpu.memory_space<semaphore_mem>>
    %dma_wait3A_254 = arith.constant 0 : i32
    %dma_wait3A_255 = tpu.memref_slice %arg5[%mul3A_243, %dma_wait3A_254] : memref<204800x128xf32, #tpu.memory_space<hbm>> -> memref<128x128xf32, #tpu.memory_space<hbm>>
    %dma_wait3A_256 = arith.constant 0 : i32
    %dma_wait3A_257 = arith.constant 0 : i32
    %dma_wait3A_258 = tpu.memref_slice %arg8[%dma_wait3A_244, %dma_wait3A_256, %dma_wait3A_257] : memref<4x128x128xf32, #tpu.memory_space<vmem>> -> memref<1x128x128xf32, #tpu.memory_space<vmem>>
    %dma_wait3A_259 = tpu.memref_squeeze %dma_wait3A_258 : memref<1x128x128xf32, #tpu.memory_space<vmem>> -> memref<128x128xf32, #tpu.memory_space<vmem>>
    tpu.wait_dma2 semaphore(%dma_wait3A_253 : memref<!tpu.dma_semaphore, #tpu.memory_space<semaphore_mem>>) src(%dma_wait3A_259 : memref<128x128xf32, #tpu.memory_space<vmem>>) dst(%dma_wait3A_255 : memref<128x128xf32, #tpu.memory_space<hbm>>)
    %add3A_260 = arith.constant 49 : i32
    %add3A_261 = arith.addi %mul3A_2, %add3A_260 : i32
    %mul3A_262 = arith.constant 128 : i32
    %mul3A_263 = arith.muli %add3A_261, %mul3A_262 : i32
    %dma_wait3A_264 = arith.constant 1 : i32
    %dma_wait3A_265 = arith.constant 1 : i32
    %dma_wait3A_266 = arith.constant 0 : i32
    %dma_wait3A_267 = arith.constant 0 : i32
    %dma_wait3A_268 = tpu.memref_slice %arg8[%dma_wait3A_264, %dma_wait3A_266, %dma_wait3A_267] : memref<4x128x128xf32, #tpu.memory_space<vmem>> -> memref<1x128x128xf32, #tpu.memory_space<vmem>>
    %dma_wait3A_269 = tpu.memref_squeeze %dma_wait3A_268 : memref<1x128x128xf32, #tpu.memory_space<vmem>> -> memref<128x128xf32, #tpu.memory_space<vmem>>
    %dma_wait3A_270 = arith.constant 0 : i32
    %dma_wait3A_271 = tpu.memref_slice %arg5[%mul3A_263, %dma_wait3A_270] : memref<204800x128xf32, #tpu.memory_space<hbm>> -> memref<128x128xf32, #tpu.memory_space<hbm>>
    %dma_wait3A_272 = tpu.memref_slice %arg13[%dma_wait3A_265] : memref<4x!tpu.dma_semaphore, #tpu.memory_space<semaphore_mem>> -> memref<1x!tpu.dma_semaphore, #tpu.memory_space<semaphore_mem>>
    %dma_wait3A_273 = tpu.memref_squeeze %dma_wait3A_272 : memref<1x!tpu.dma_semaphore, #tpu.memory_space<semaphore_mem>> -> memref<!tpu.dma_semaphore, #tpu.memory_space<semaphore_mem>>
    %dma_wait3A_274 = arith.constant 0 : i32
    %dma_wait3A_275 = tpu.memref_slice %arg5[%mul3A_263, %dma_wait3A_274] : memref<204800x128xf32, #tpu.memory_space<hbm>> -> memref<128x128xf32, #tpu.memory_space<hbm>>
    %dma_wait3A_276 = arith.constant 0 : i32
    %dma_wait3A_277 = arith.constant 0 : i32
    %dma_wait3A_278 = tpu.memref_slice %arg8[%dma_wait3A_264, %dma_wait3A_276, %dma_wait3A_277] : memref<4x128x128xf32, #tpu.memory_space<vmem>> -> memref<1x128x128xf32, #tpu.memory_space<vmem>>
    %dma_wait3A_279 = tpu.memref_squeeze %dma_wait3A_278 : memref<1x128x128xf32, #tpu.memory_space<vmem>> -> memref<128x128xf32, #tpu.memory_space<vmem>>
    tpu.wait_dma2 semaphore(%dma_wait3A_273 : memref<!tpu.dma_semaphore, #tpu.memory_space<semaphore_mem>>) src(%dma_wait3A_279 : memref<128x128xf32, #tpu.memory_space<vmem>>) dst(%dma_wait3A_275 : memref<128x128xf32, #tpu.memory_space<hbm>>)
    return
  }
}

</mosaic_0001>

<sc_bundles>
// kernel: kernel.3.cloned.1.call-start
scs
__scs_entry_jumppad:
0x0: {  	(pc) =	sbr.rel $0x88, $3  }
0x1: {  	(tag) =	ssettag $0x0;
	lr =	simm.s32 $0x1  }
0x2: {  	[smem:$0x3F9D] =	sst lr;
	_ =	strace $0xD0000000  }
0x3: {  	_ = 	snop  }
0x4: {  	_ = 	snop  }
0x5: {  	_ = 	snop  }
0x6: {  	_ = 	snop  }
0x7: {  	_ = 	snop  }
__scs_overlays_trampoline_lowered:
0x8: {  	[smem:$0x3FAC] =	sst s0  }
0x9: {  	[smem:$0x3FAD] =	sst s1  }
0xa: {  	[smem:$0x3FAE] =	sst s2  }
0xb: {  	[smem:$0x3FAF] =	sst s3  }
0xc: {  	[smem:$0x3FB0] =	sst s4  }
0xd: {  	[smem:$0x3FB1] =	sst s5  }
0xe: {  	[smem:$0x3FB2] =	sst s6  }
0xf: {  	[smem:$0x3FB3] =	sst s7  }
0x10: {  	[smem:$0x3FB4] =	sst s8  }
0x11: {  	[smem:$0x3FB5] =	sst s9;
	s0 =	simm.s32 @!p0 $0x0  }
0x12: {  	s1 =	sld [smem:$0x3F9B];
	s0 =	simm.s32 @p0 $0x1  }
0x13: {  	[smem:$0x3FB6] =	sst s0;
	s0 =	simm.s32 @!p1 $0x0  }
0x14: {  	s2 =	sld [smem:$0x3F9A];
	s0 =	simm.s32 @p1 $0x1  }
0x15: {  	[smem:$0x3FB7] =	sst s0;
	s0 =	simm.s32 @!p2 $0x0  }
0x16: {  	s3 =	sld [smem:$0x3FDB];
	s0 =	simm.s32 @p2 $0x1  }
0x17: {  	s4 =	simm.s32 $0x1BF5;
	[smem:$0x3FB9] =	sst s0  }
0x18: {  	s0 =	sld [smem:$0x3F9C];
	_ =	swait.ge [sflag:s4], $0x0  }
0x19: {  	s7 =	sld [smem:$0x3F9D]  }
0x1a: {  	s8 =	sadd.s32 $0xFFFFE003, lr  }
0x1b: {  	s9 =	sadd.s32 $0xFFFFFEF7, lr;
	s5 =	simm.s32 $0xFFFFFFFF;
	p2 =	slt.u32 s8, $0xFFFFF086  }
0x1c: {  	p1 =	slt.u32 s9, $0xF7A;
	s5 =	simm.s32 @!p2 $0x0  }
0x1d: {  	s5 =	simm.s32 @p1 $0x1;
	p0 =	seq.s32 s7, s2  }
0x1e: {  	s7 =	smul.u32 @!p0 $0xF7A, s2;
	p2 =	seq.s32 @!p0 s5, $0x0  }
0x1f: {  	s9 =	smul.u32 $0xF7A, s1;
	s8 =	simm.s32 @!p0 $0x1BF5;
	p2 =	por !p2, p0  }
0x20: {  	[sflag:s8] =	ssyncset.s32 @!p0 $0xFFFFF086;
	s6 =	sadd.s32 @!p0 s3, s7;
	s7 =	simm.s32 @!p0 $0x108  }
0x21: {  	s3 =	sadd.s32 s3, s9;
	s6 =	sadd.s32 @!p0 $0x88, s6;
	s7 =	simm.s32 @p2 $0x1082  }
0x22: {  	[simem:s7], [sflag:s8] =	dma.local @!p0 [hbm:s6], $0xF7A  }
0x23: {  	s9 =	sor.u32 $0xD0000000, s2;
	s6 =	simm.s32 $0x108;
	_ =	swait.ge @!p0 [sflag:s8], $0x0  }
0x24: {  	s3 =	sadd.s32 $0x88, s3;
	s6 =	simm.s32 @!p1 $0x1082;
	[sflag:s4] =	ssyncset.s32 $0xFFFFF086  }
0x25: {  	[simem:s6], [sflag:s4] =	dma.local [hbm:s3], $0xF7A  }
0x26: {  	[smem:$0x3F9D] =	sst s1;
	(tag) =	ssettag s2;
	_ =	strace s9  }
0x27: {  	s1 =	sld [smem:$0x3FAD]  }
0x28: {  	s2 =	sld [smem:$0x3FAE]  }
0x29: {  	s4 =	sld [smem:$0x3FB0]  }
0x2a: {  	p0 =	seq.s32 s5, $0x0;
	s5 =	sld [smem:$0x3FB1]  }
0x2b: {  	s6 =	sld [smem:$0x3FB2]  }
0x2c: {  	s7 =	sld [smem:$0x3FB3]  }
0x2d: {  	s3 =	simm.s32 $0x108;
	s8 =	sld [smem:$0x3FB4]  }
0x2e: {  	s3 =	simm.s32 @!p0 $0x1082;
	s9 =	sld [smem:$0x3FB5]  }
0x2f: {  	lr =	sadd.s32 s0, s3;
	s0 =	sld [smem:$0x3FAC]  }
0x30: {  	s3 =	sld [smem:$0x3FAF]  }
0x31: {  	[smem:$0x3FB8] =	sst s10  }
0x32: {  	s10 =	sld [smem:$0x3FB6];
	_ =	sdelay $0x3  }
0x33: {  	p0 =	seq.s32 s10, $0x1;
	s10 =	sld [smem:$0x3FB8];
	_ =	sdelay $0x3  }
0x34: {  	[smem:$0x3FB8] =	sst s10  }
0x35: {  	s10 =	sld [smem:$0x3FB7];
	_ =	sdelay $0x3  }
0x36: {  	p1 =	seq.s32 s10, $0x1;
	s10 =	sld [smem:$0x3FB8];
	_ =	sdelay $0x3  }
0x37: {  	[smem:$0x3FB8] =	sst s10  }
0x38: {  	s10 =	sld [smem:$0x3FB9]  }
0x39: {  	_ = 	snop;
	(pc) =	sbr.ind lr, $3  }
0x3a: {  	_ = 	snop  }
0x3b: {  	_ = 	snop  }
0x3c: {  	p2 =	seq.s32 s10, $0x1;
	s10 =	sld [smem:$0x3FB8]  }
0x3d: {  	_ =	shalt  }
0x3e: {  	_ =	shalt  }
0x3f: {  	_ =	shalt  }
0x40: {  	_ =	shalt  }
0x41: {  	_ =	shalt  }
0x42: {  	_ =	shalt  }
0x43: {  	_ =	shalt  }
0x44: {  	_ =	shalt  }
0x45: {  	_ =	shalt  }
0x46: {  	_ =	shalt  }
0x47: {  	_ =	shalt  }
0x48: {  	_ =	shalt  }
0x49: {  	_ =	shalt  }
0x4a: {  	_ =	shalt  }
0x4b: {  	_ =	shalt  }
0x4c: {  	_ =	shalt  }
0x4d: {  	_ =	shalt  }
0x4e: {  	_ =	shalt  }
0x4f: {  	_ =	shalt  }
0x50: {  	_ =	shalt  }
0x51: {  	_ =	shalt  }
0x52: {  	_ =	shalt  }
0x53: {  	_ =	shalt  }
0x54: {  	_ =	shalt  }
0x55: {  	_ =	shalt  }
0x56: {  	_ =	shalt  }
0x57: {  	_ =	shalt  }
0x58: {  	_ =	shalt  }
0x59: {  	_ =	shalt  }
0x5a: {  	_ =	shalt  }
0x5b: {  	_ =	shalt  }
0x5c: {  	_ =	shalt  }
0x5d: {  	_ =	shalt  }
0x5e: {  	_ =	shalt  }
0x5f: {  	_ =	shalt  }
0x60: {  	_ =	shalt  }
0x61: {  	_ =	shalt  }
0x62: {  	_ =	shalt  }
0x63: {  	_ =	shalt  }
0x64: {  	_ =	shalt  }
0x65: {  	_ =	shalt  }
0x66: {  	_ =	shalt  }
0x67: {  	_ =	shalt  }
0x68: {  	_ =	shalt  }
0x69: {  	_ =	shalt  }
0x6a: {  	_ =	shalt  }
0x6b: {  	_ =	shalt  }
0x6c: {  	_ =	shalt  }
0x6d: {  	_ =	shalt  }
0x6e: {  	_ =	shalt  }
0x6f: {  	_ =	shalt  }
0x70: {  	_ =	shalt  }
0x71: {  	_ =	shalt  }
0x72: {  	_ =	shalt  }
0x73: {  	_ =	shalt  }
0x74: {  	_ =	shalt  }
0x75: {  	_ =	shalt  }
0x76: {  	_ =	shalt  }
0x77: {  	_ =	shalt  }
0x78: {  	_ =	shalt  }
0x79: {  	_ =	shalt  }
0x7a: {  	_ =	shalt  }
0x7b: {  	_ =	shalt  }
0x7c: {  	_ =	shalt  }
0x7d: {  	_ =	shalt  }
0x7e: {  	_ =	shalt  }
0x7f: {  	_ =	shalt  }
0x80: {  	_ =	shalt  }
0x81: {  	_ =	shalt  }
0x82: {  	_ =	shalt  }
0x83: {  	_ =	shalt  }
0x84: {  	_ =	shalt  }
0x85: {  	_ =	shalt  }
0x86: {  	_ =	shalt  }
0x87: {  	_ =	shalt  }
.Lfunc_end0:
.L_simem_size_0:
called_computation_lowered:
.L_overlay_start_0:
0x88: {  	s2 =	sld [smem:$0x3FD9]  }
0x89: {  	s3 =	sld [smem:$0x3FFE];
	_ =	sdelay $0x1  }
0x8a: {  	s1 =	srdreg.scid  }
0x8b: {  	s0 =	sand.u32 $0x1, s1  }
0x8c: {  	s17 =	sshll.u32 s0, $0xA;
	s2 =	sadd.s32 s3, s2  }
0x8d: {  	s2 =	sadd.s32 s2, s17  }
0x8e: {  	[smem:$0x3FC4] =	sst s2  }
0x8f: {  	_ = 	snop  }
0x90: {  	s2 =	sld [smem:$0x3FD0];
	(tm) =	ssettm $0x1  }
0x91: {  	s18 =	sld [smem:$0x3FFB];
	_ =	sdelay $0x3  }
0x92: {  	_ =	strace s18  }
0x93: {  	s3 =	sld [smem:$0x3FFC];
	_ =	sdelay $0x3  }
0x94: {  	_ =	strace s3  }
0x95: {  	s3 =	sld [smem:$0x3FFD];
	_ =	sdelay $0x3  }
0x96: {  	_ =	strace s3  }
0x97: {  	_ =	strace $0x8FFFFFFF  }
0x98: {  	s19 =	sld [smem:$0x3FDB];
	_ =	sdelay $0x1  }
0x99: {  	s4 =	simm.s32 $_scs_section_size  }
0x9a: {  	s5 =	simm.s32 $_size__tile_overlayer_lowered;
	s6 =	simm.s32 $_tile_overlayer_lowered  }
0x9b: {  	s22 =	simm.s32 $0x1BFF;
	s21 =	sshll.u32 s6, $0x1;
	s3 =	sadd.s32 s4, s19  }
0x9c: {  	s7 =	simm.s32 $0x0;
	s20 =	sshll.u32 s5, $0x1;
	s5 =	sadd.s32 s21, s3  }
0x9d: {  	[timem:s7], [sflag:s22] =	dma.local [hbm:s5], s20  }
0x9e: {  	_ =	swait.ge [sflag:s22], s20  }
0x9f: {  	s4 =	ssub.s32 $0x0, s20;
	[sflag:s22] =	ssyncset.done $0x0  }
0xa0: {  	[sflag:s22] =	ssyncadd.s32 s4;
	_ =	sdelay $0x1  }
0xa1: {  	s23 =	simm.s32 $0x1B8B  }
0xa2: {  	_ =	swait.ge [sflag:s23], $0x1  }
0xa3: {  	[sflag:s23] =	ssyncset.done $0x0  }
0xa4: {  	s25 =	simm.s32 $0x1B8E;
	s24 =	sld [smem:$0x3FFE];
	[sflag:s23] =	ssyncadd.s32 $0xFFFFFFFF  }
0xa5: {  	s26 =	simm.s32 $execute0_lowered;
	[smem:$0x3FD2] =	sst s25  }
0xa6: {  	s5 =	sshll.u32 s26, $0x1;
	_ =	strace $0x80000046;
	[dreg:$0x1] =	wrdreg $0xFFFFFFFF  }
0xa7: {  	s28 =	simm.s32 $_size_execute0_lowered;
	s3 =	sadd.s32 s3, s5;
	[dreg:$0x0] =	wrdreg $0x0  }
0xa8: {  	s5 =	sshll.u32 s28, $0x1;
	[dreg:$0x2] =	wrdreg s3  }
0xa9: {  	[dreg:$0x3] =	wrdreg s5  }
0xaa: {  	[dreg:$0x4] =	wrdreg $0xC0  }
0xab: {  	_ =	task [dreg:s7], $0x5FFFF  }
0xac: {  	[dreg:$0x1] =	wrdreg $0xFFFFFFFF  }
0xad: {  	[dreg:$0x0] =	wrdreg $0x60  }
0xae: {  	[dreg:$0x2] =	wrdreg s24  }
0xaf: {  	[dreg:$0x3] =	wrdreg s2  }
0xb0: {  	[dreg:$0x4] =	wrdreg $0x1B8000  }
0xb1: {  	[dreg:$0x5] =	wrdreg $0x9  }
0xb2: {  	_ =	task.clear_ibuf [dreg:s7], $0x6FFFF;
	_ =	strace $0x90000046  }
0xb3: {  	s29 =	simm.s32 $0x9;
	_ =	strace $0x80000048  }
0xb4: {  	_ =	swait.ge [sflag:s29], $0x1  }
0xb5: {  	[sflag:s29] =	ssyncadd.s32 $0xFFFFFFFF  }
0xb6: {  	_ =	strace $0x90000048  }
0xb7: {  	_ =	sfence  }
0xb8: {  	s30 =	sld [smem:$0x0];
	_ =	sdelay $0x2  }
0xb9: {  	s31 =	sshll.u32 s1, $0xD;
	s1 =	sshrl.u32 s1, $0x2  }
0xba: {  	s3 =	sand.u32 $0x4000, s31;
	s1 =	sadd.s32 s1, s30  }
0xbb: {  	s0 =	sor.u32 s3, s0;
	s1 =	sshll.u32 s1, $0x11  }
0xbc: {  	s0 =	sor.u32 s1, s0  }
0xbd: {  	s0 =	sadd.s32 $0x8F2B, s0  }
0xbe: {  	[sflag:s0] =	ssyncadd.remote.s32 $0x1  }
0xbf: {  	_ =	sfence.sel $0xFFFF  }
0xc0: {  	[dreg:$0x0] =	wrdreg $0xFFFFFFFF;
	(pc) =	sbr.abs _section_cstart, $3  }
0xc1: {  	[dreg:$0x1] =	wrdreg $0xFFFFFFFF  }
0xc2: {  	_ =	task.clear_ibuf [dreg:s7], $0x2FFFF;
	_ =	strace $0x9FFFFFFF  }
0xc3: {  	(tm) =	ssettm $0x7FFFFFFF  }
tec
execute0_lowered:
.L_overlay_start_1:
0x0: {  	(tag) =	ssettag $0x1  }
0x1: {  	s1 =	rddreg [dreg:$0x0]  }
0x2: {  	s0 =	rddreg [dreg:$0x1];
	s3 =	srdreg.scid  }
0x3: {  	s6 =	stileid.u32;
	s2 =	rddreg [dreg:$0x2];
	s13 =	simm.s32 $0xB  }
0x4: {  	s15 =	simm.s32 $0x80;
	s16 =	simm.s32 $0x3800;
	s17 =	simm.s32 $0x7800  }
0x5: {  	s18 =	simm.s32 $0x13800;
	s19 =	simm.s32 $0xB800;
	s20 =	simm.s32 $0x17800  }
0x6: {  	s21 =	simm.s32 $0x1;
	s22 =	simm.s32 $0x5;
	s28 =	simm.s32 $0x3  }
0x7: {  	s29 =	simm.s32 $0x8;
	s30 =	simm.s32 $0x4;
	s31 =	simm.s32 $0xA  }
0x8: {  	s14 =	simm.s32 $0x0;
	s4 =	sand.u32 $0x1, s3;
	s5 =	sshll.u32 s6, $0x1  }
0x9: {  	s3 =	simm.s32 $0x0;
	p0 =	sne.s32 s6, $0x0;
	s5 =	sor.u32 s4, s5  }
0xa: {  	[smem:$0x7FF] =	sst s3;
	s8 =	ssub.s32 $0x2, s4;
	s7 =	smul.u32 $0x380, s5  }
0xb: {  	s4 =	sadd.s32 $0xE400, s1;
	s9 =	smul.u32 $0xC8000, s5;
	s10 =	sshrl.u32 s8, $0x1  }
0xc: {  	s8 =	ssub.s32 s8, s10;
	s7 =	sadd.s32 s7, s1;
	s1 =	sadd.s32 $0x194E00, s1  }
0xd: {  	_ =	strace $0x80000047;
	s26 =	smax.u32 s8, $0x1;
	[dreg:$0x4] =	wrdreg s1  }
0xe: {  	s9 =	sshrl.u32 s9, $0x3;
	s23 =	sadd.s32 $0x400, s7;
	[dreg:$0x9] =	wrdreg s26  }
0xf: {  	s24 =	sadd.s32 s0, s9;
	s7 =	sadd.s32 $0x7400, s7;
	[dreg:$0x5] =	wrdreg s23  }
0x10: {  	s5 =	smul.u32 $0x32, s5;
	[dreg:$0x6] =	wrdreg s7;
	s25 =	sadd.s32 $0x18000, s24  }
0x11: {  	s26 =	simm.s32 $0x7;
	s1 =	sadd.s32 $0x18800, s24;
	[dreg:$0x7] =	wrdreg s25  }
0x12: {  	s23 =	simm.s32 $0xF800;
	[dreg:$0x8] =	wrdreg s1;
	s1 =	sshrl.u32 @!p0 s2, $0x3  }
0x13: {  	s24 =	simm.s32 $0x2;
	s25 =	simm.s32 $0x6;
	[dreg:$0xa] =	wrdreg s1  }
.LBB2_1:
0x14: {  	s6 =	rddreg [dreg:$0x4]  }
0x15: {  	s1 =	simm.s32 @!p0 $0x1C0B;
	s7 =	rddreg [dreg:$0xa]  }
0x16: {  	[spmem:s7], [sflag:s1] =	dma.local @!p0 [hbm:s6], $0x6400  }
0x17: {  	s1 =	simm.s32 @!p0 $0xB  }
0x18: {  	_ =	swait.ge @!p0 [sflag:s1], $0x6400  }
0x19: {  	[sflag:s1] =	ssyncset.done @!p0 $0x0  }
0x1a: {  	s10 =	rddreg [dreg:$0x5];
	[sflag:s1] =	ssyncadd.s32 @!p0 $0xFFFF9C00  }
0x1b: {  	[tilespmem:s3], [sflag:$0xB] =	stream.linear.gather [hbm4b:s10+s3], $0x1900, $0x38;
	[tilespmem:$0x1EA00] =	vst v63  }
0x1c: {  	_ =	swait.ge [sflag:s13], $0x1900  }
0x1d: {  	[sflag:s13] =	ssyncset.done $0x0  }
0x1e: {  	s12 =	simm.s32 $0x1C00;
	s11 =	rddreg [dreg:$0x6];
	[sflag:s13] =	ssyncadd.s32 $0xFFFFE700  }
0x1f: {  	[tilespmem:s12], [sflag:$0xB] =	stream.linear.gather [hbm4b:s11+s3], $0x1900, $0x38;
	[tilespmem:$0x1EA00] =	vst v63  }
0x20: {  	_ =	swait.ge [sflag:s13], $0x1900  }
0x21: {  	[sflag:s13] =	ssyncset.done $0x0  }
0x22: {  	[sflag:s13] =	ssyncadd.s32 $0xFFFFE700  }
0x23: {  	[bflag:$0x0] =	sbarrier.arrive $0xFFFF  }
0x24: {  	[tilespmem:s16], [sflag:$0x1] =	stream.indirect.gather [hbm4b:s4+s15], $0x80, s3, s15, $0xb8;
	[tilespmem:$0x1EA00] =	vst v63  }
0x25: {  	_ = 	snop  }
0x26: {  	[tilespmem:s17], [sflag:$0x2] =	stream.indirect.gather [hbm4b:s4+s15], $0x80, s15, s15, $0xb8;
	[tilespmem:$0x1EA00] =	vst v63  }
0x27: {  	s6 =	simm.s32 $0x0  }
0x28: {  	[tilespmem:s18], [sflag:$0x5] =	stream.indirect.gather [spmem:s2], $0x80, s12, s15, $0xb8;
	[tilespmem:$0x1EA00] =	vst v63  }
.LBB2_2:
0x29: {  	p1 =	seq.s32 s6, $0x0;
	s8 =	sshll.u32 s6, $0x2  }
0x2a: {  	s1 =	simm.s32 @!p1 $0x9;
	s7 =	sor.u32 $0x2, s8  }
0x2b: {  	_ =	swait.ge @!p1 [sflag:s1], $0x4000;
	s9 =	sshll.u32 s7, $0x9  }
0x2c: {  	[sflag:s1] =	ssyncset.done @!p1 $0x0;
	s10 =	sshrl.u32 s9, $0x2;
	s9 =	sor.u32 $0x1, s8  }
0x2d: {  	[sflag:s1] =	ssyncadd.s32 @!p1 $0xFFFFC000;
	s12 =	sshll.u32 s9, $0x7  }
0x2e: {  	[tilespmem:s19], [sflag:$0x3] =	stream.indirect.gather [hbm4b:s4+s15], $0x80, s10, s15, $0xb8;
	[tilespmem:$0x1EA00] =	vst v63  }
0x2f: {  	s1 =	sand.u32 $0x3FFFFF80, s12  }
0x30: {  	s1 =	sadd.s32 $0x1C00, s1  }
0x31: {  	[tilespmem:s20], [sflag:$0x6] =	stream.indirect.gather [spmem:s2], $0x80, s1, s15, $0xb8;
	[tilespmem:$0x1EA00] =	vst v63  }
0x32: {  	_ =	swait.ge [sflag:s21], $0x4000  }
0x33: {  	[sflag:s21] =	ssyncset.done $0x0  }
0x34: {  	[sflag:s21] =	ssyncadd.s32 $0xFFFFC000  }
0x35: {  	_ =	swait.ge [sflag:s22], $0x4000  }
0x36: {  	[sflag:s22] =	ssyncset.done $0x0  }
0x37: {  	s11 =	simm.s32 $0x0;
	[sflag:s22] =	ssyncadd.s32 $0xFFFFC000  }
0x38: {  	v0 =	vld [tilespmem:s11+$0x139B0]  }
0x39: {  	v1 =	vld [tilespmem:s11+$0x13800]  }
0x3a: {  	v2 =	vld [tilespmem:s11+$0x13810]  }
0x3b: {  	v3 =	vld [tilespmem:s11+$0x13820]  }
0x3c: {  	v4 =	vld [tilespmem:s11+$0x13830]  }
0x3d: {  	v5 =	vld [tilespmem:s11+$0x13880];
	[tilespmem:s11+$0x39F0] =	vst v0  }
0x3e: {  	[tilespmem:s11+$0x3840] =	vst v1;
	v0 =	vld [tilespmem:s11+$0x13890]  }
0x3f: {  	[tilespmem:s11+$0x3850] =	vst v2;
	v1 =	vld [tilespmem:s11+$0x138A0]  }
0x40: {  	[tilespmem:s11+$0x3860] =	vst v3;
	v2 =	vld [tilespmem:s11+$0x138B0]  }
0x41: {  	[tilespmem:s11+$0x3870] =	vst v4;
	v3 =	vld [tilespmem:s11+$0x13900]  }
0x42: {  	[tilespmem:s11+$0x38C0] =	vst v5;
	v4 =	vld [tilespmem:s11+$0x13910]  }
0x43: {  	[tilespmem:s11+$0x38D0] =	vst v0;
	v0 =	vld [tilespmem:s11+$0x13920]  }
0x44: {  	[tilespmem:s11+$0x38E0] =	vst v1;
	v1 =	vld [tilespmem:s11+$0x13930]  }
0x45: {  	[tilespmem:s11+$0x38F0] =	vst v2;
	v2 =	vld [tilespmem:s11+$0x13980]  }
0x46: {  	[tilespmem:s11+$0x3940] =	vst v3;
	v3 =	vld [tilespmem:s11+$0x13990]  }
0x47: {  	s12 =	simm.s32 $0x200;
	s1 =	simm.s32 $0x1000;
	[tilespmem:s11+$0x3950] =	vst v4;
	v4 =	vld [tilespmem:s11+$0x139A0]  }
.LBB2_3:
0x48: {  	p2 =	sne.s32 s1, $0xF800;
	v5 =	vld [tilespmem:s12+$0x139B0];
	[tilespmem:s11+$0x3960] =	vst v0  }
0x49: {  	v0 =	vld [tilespmem:s12+$0x13800];
	[tilespmem:s11+$0x3970] =	vst v1  }
0x4a: {  	v1 =	vld [tilespmem:s12+$0x13810];
	[tilespmem:s11+$0x39C0] =	vst v2  }
0x4b: {  	v2 =	vld [tilespmem:s12+$0x13820];
	[tilespmem:s11+$0x39D0] =	vst v3  }
0x4c: {  	v3 =	vld [tilespmem:s12+$0x13830];
	[tilespmem:s11+$0x39E0] =	vst v4;
	s11 =	smov.u32 s12  }
0x4d: {  	v4 =	vld [tilespmem:s11+$0x13880];
	[tilespmem:s11+$0x39F0] =	vst v5  }
0x4e: {  	[tilespmem:s11+$0x3840] =	vst v0;
	v0 =	vld [tilespmem:s11+$0x13890]  }
0x4f: {  	[tilespmem:s11+$0x3850] =	vst v1;
	v1 =	vld [tilespmem:s11+$0x138A0]  }
0x50: {  	[tilespmem:s11+$0x3860] =	vst v2;
	v2 =	vld [tilespmem:s11+$0x138B0]  }
0x51: {  	[tilespmem:s11+$0x3870] =	vst v3;
	v3 =	vld [tilespmem:s11+$0x13900]  }
0x52: {  	[tilespmem:s11+$0x38C0] =	vst v4;
	v4 =	vld [tilespmem:s11+$0x13910]  }
.Ltmp0:
0x53: {  	[tilespmem:s11+$0x38D0] =	vst v0;
	v0 =	vld [tilespmem:s11+$0x13920];
	(pc) =	sbr.rel @p2 .LBB2_3-.Ltmp0, $4  }
0x54: {  	[tilespmem:s11+$0x38E0] =	vst v1;
	v1 =	vld [tilespmem:s11+$0x13930]  }
0x55: {  	[tilespmem:s11+$0x38F0] =	vst v2;
	v2 =	vld [tilespmem:s11+$0x13980]  }
0x56: {  	[tilespmem:s11+$0x3940] =	vst v3;
	v3 =	vld [tilespmem:s11+$0x13990]  }
0x57: {  	s12 =	sshra.s32 s1, $0x2;
	s1 =	sadd.s32 $0x800, s1;
	[tilespmem:s11+$0x3950] =	vst v4;
	v4 =	vld [tilespmem:s11+$0x139A0]  }
0x58: {  	v5 =	vld [tilespmem:s12+$0x139B0];
	[tilespmem:s11+$0x3960] =	vst v0  }
0x59: {  	v0 =	vld [tilespmem:s12+$0x13800];
	[tilespmem:s11+$0x3970] =	vst v1  }
0x5a: {  	v1 =	vld [tilespmem:s12+$0x13810];
	[tilespmem:s11+$0x39C0] =	vst v2  }
0x5b: {  	v2 =	vld [tilespmem:s12+$0x13820];
	[tilespmem:s11+$0x39D0] =	vst v3  }
0x5c: {  	v3 =	vld [tilespmem:s12+$0x13830];
	[tilespmem:s11+$0x39E0] =	vst v4  }
0x5d: {  	v4 =	vld [tilespmem:s12+$0x13880];
	[tilespmem:s12+$0x39F0] =	vst v5  }
0x5e: {  	[tilespmem:s12+$0x3840] =	vst v0;
	v0 =	vld [tilespmem:s12+$0x13890]  }
0x5f: {  	[tilespmem:s12+$0x3850] =	vst v1;
	v1 =	vld [tilespmem:s12+$0x138A0]  }
0x60: {  	[tilespmem:s12+$0x3860] =	vst v2;
	v2 =	vld [tilespmem:s12+$0x138B0]  }
0x61: {  	[tilespmem:s12+$0x3870] =	vst v3;
	v3 =	vld [tilespmem:s12+$0x13900]  }
0x62: {  	[tilespmem:s12+$0x38C0] =	vst v4;
	v4 =	vld [tilespmem:s12+$0x13910]  }
0x63: {  	[tilespmem:s12+$0x38D0] =	vst v0;
	v0 =	vld [tilespmem:s12+$0x13920]  }
0x64: {  	[tilespmem:s12+$0x38E0] =	vst v1;
	v1 =	vld [tilespmem:s12+$0x13930]  }
0x65: {  	[tilespmem:s12+$0x38F0] =	vst v2;
	v2 =	vld [tilespmem:s12+$0x13980]  }
0x66: {  	[tilespmem:s12+$0x3940] =	vst v3;
	v3 =	vld [tilespmem:s12+$0x13990]  }
0x67: {  	[tilespmem:s12+$0x3950] =	vst v4;
	v4 =	vld [tilespmem:s12+$0x139A0]  }
0x68: {  	[tilespmem:s12+$0x3960] =	vst v0  }
0x69: {  	[tilespmem:s12+$0x3970] =	vst v1  }
0x6a: {  	s1 =	sadd.s32 s5, s8;
	[tilespmem:s12+$0x39C0] =	vst v2  }
0x6b: {  	s1 =	sshll.u32 s1, $0xB;
	[tilespmem:s12+$0x39D0] =	vst v3  }
0x6c: {  	s1 =	sadd.s32 s0, s1;
	[tilespmem:s12+$0x39E0] =	vst v4  }
0x6d: {  	[hbm4b:s1+s3] =	stream.linear.scatter [tilespmem:s16], [sflag:$0x7], $0x4000, $0x38;
	[tilespmem:$0x1EA00] =	vst v63  }
0x6e: {  	s1 =	simm.s32 @!p1 $0xA  }
0x6f: {  	s8 =	sor.u32 $0x3, s8;
	_ =	swait.ge @!p1 [sflag:s1], $0x4000  }
0x70: {  	s12 =	sshll.u32 s8, $0x9;
	[sflag:s1] =	ssyncset.done @!p1 $0x0  }
0x71: {  	s11 =	sshrl.u32 s12, $0x2;
	[sflag:s1] =	ssyncadd.s32 @!p1 $0xFFFFC000  }
0x72: {  	[tilespmem:s23], [sflag:$0x4] =	stream.indirect.gather [hbm4b:s4+s15], $0x80, s11, s15, $0xb8;
	[tilespmem:$0x1EA00] =	vst v63  }
0x73: {  	s12 =	sadd.s32 $0x1C00, s10  }
0x74: {  	[tilespmem:s18], [sflag:$0x5] =	stream.indirect.gather [spmem:s2], $0x80, s12, s15, $0xb8;
	[tilespmem:$0x1EA00] =	vst v63  }
0x75: {  	_ =	swait.ge [sflag:s24], $0x4000  }
0x76: {  	[sflag:s24] =	ssyncset.done $0x0  }
0x77: {  	[sflag:s24] =	ssyncadd.s32 $0xFFFFC000  }
0x78: {  	_ =	swait.ge [sflag:s25], $0x4000  }
0x79: {  	[sflag:s25] =	ssyncset.done $0x0  }
0x7a: {  	s10 =	simm.s32 $0x0;
	[sflag:s25] =	ssyncadd.s32 $0xFFFFC000  }
0x7b: {  	v0 =	vld [tilespmem:s10+$0x179B0]  }
0x7c: {  	v1 =	vld [tilespmem:s10+$0x17800]  }
0x7d: {  	v2 =	vld [tilespmem:s10+$0x17810]  }
0x7e: {  	v3 =	vld [tilespmem:s10+$0x17820]  }
0x7f: {  	v4 =	vld [tilespmem:s10+$0x17830]  }
0x80: {  	v5 =	vld [tilespmem:s10+$0x17880];
	[tilespmem:s10+$0x79F0] =	vst v0  }
0x81: {  	[tilespmem:s10+$0x7840] =	vst v1;
	v0 =	vld [tilespmem:s10+$0x17890]  }
0x82: {  	[tilespmem:s10+$0x7850] =	vst v2;
	v1 =	vld [tilespmem:s10+$0x178A0]  }
0x83: {  	[tilespmem:s10+$0x7860] =	vst v3;
	v2 =	vld [tilespmem:s10+$0x178B0]  }
0x84: {  	[tilespmem:s10+$0x7870] =	vst v4;
	v3 =	vld [tilespmem:s10+$0x17900]  }
0x85: {  	[tilespmem:s10+$0x78C0] =	vst v5;
	v4 =	vld [tilespmem:s10+$0x17910]  }
0x86: {  	[tilespmem:s10+$0x78D0] =	vst v0;
	v0 =	vld [tilespmem:s10+$0x17920]  }
0x87: {  	[tilespmem:s10+$0x78E0] =	vst v1;
	v1 =	vld [tilespmem:s10+$0x17930]  }
0x88: {  	[tilespmem:s10+$0x78F0] =	vst v2;
	v2 =	vld [tilespmem:s10+$0x17980]  }
0x89: {  	[tilespmem:s10+$0x7940] =	vst v3;
	v3 =	vld [tilespmem:s10+$0x17990]  }
0x8a: {  	s1 =	simm.s32 $0x1000;
	s12 =	simm.s32 $0x200;
	[tilespmem:s10+$0x7950] =	vst v4;
	v4 =	vld [tilespmem:s10+$0x179A0]  }
.LBB2_5:
0x8b: {  	p1 =	sne.s32 s1, $0xF800;
	v5 =	vld [tilespmem:s12+$0x179B0];
	[tilespmem:s10+$0x7960] =	vst v0  }
0x8c: {  	v0 =	vld [tilespmem:s12+$0x17800];
	[tilespmem:s10+$0x7970] =	vst v1  }
0x8d: {  	v1 =	vld [tilespmem:s12+$0x17810];
	[tilespmem:s10+$0x79C0] =	vst v2  }
0x8e: {  	v2 =	vld [tilespmem:s12+$0x17820];
	[tilespmem:s10+$0x79D0] =	vst v3  }
0x8f: {  	v3 =	vld [tilespmem:s12+$0x17830];
	[tilespmem:s10+$0x79E0] =	vst v4;
	s10 =	smov.u32 s12  }
0x90: {  	v4 =	vld [tilespmem:s10+$0x17880];
	[tilespmem:s10+$0x79F0] =	vst v5  }
0x91: {  	[tilespmem:s10+$0x7840] =	vst v0;
	v0 =	vld [tilespmem:s10+$0x17890]  }
0x92: {  	[tilespmem:s10+$0x7850] =	vst v1;
	v1 =	vld [tilespmem:s10+$0x178A0]  }
0x93: {  	[tilespmem:s10+$0x7860] =	vst v2;
	v2 =	vld [tilespmem:s10+$0x178B0]  }
0x94: {  	[tilespmem:s10+$0x7870] =	vst v3;
	v3 =	vld [tilespmem:s10+$0x17900]  }
0x95: {  	[tilespmem:s10+$0x78C0] =	vst v4;
	v4 =	vld [tilespmem:s10+$0x17910]  }
.Ltmp1:
0x96: {  	[tilespmem:s10+$0x78D0] =	vst v0;
	v0 =	vld [tilespmem:s10+$0x17920];
	(pc) =	sbr.rel @p1 .LBB2_5-.Ltmp1, $4  }
0x97: {  	[tilespmem:s10+$0x78E0] =	vst v1;
	v1 =	vld [tilespmem:s10+$0x17930]  }
0x98: {  	[tilespmem:s10+$0x78F0] =	vst v2;
	v2 =	vld [tilespmem:s10+$0x17980]  }
0x99: {  	[tilespmem:s10+$0x7940] =	vst v3;
	v3 =	vld [tilespmem:s10+$0x17990]  }
0x9a: {  	s12 =	sshra.s32 s1, $0x2;
	s1 =	sadd.s32 $0x800, s1;
	[tilespmem:s10+$0x7950] =	vst v4;
	v4 =	vld [tilespmem:s10+$0x179A0]  }
0x9b: {  	v5 =	vld [tilespmem:s12+$0x179B0];
	[tilespmem:s10+$0x7960] =	vst v0  }
0x9c: {  	v0 =	vld [tilespmem:s12+$0x17800];
	[tilespmem:s10+$0x7970] =	vst v1  }
0x9d: {  	v1 =	vld [tilespmem:s12+$0x17810];
	[tilespmem:s10+$0x79C0] =	vst v2  }
0x9e: {  	v2 =	vld [tilespmem:s12+$0x17820];
	[tilespmem:s10+$0x79D0] =	vst v3  }
0x9f: {  	v3 =	vld [tilespmem:s12+$0x17830];
	[tilespmem:s10+$0x79E0] =	vst v4  }
0xa0: {  	v4 =	vld [tilespmem:s12+$0x17880];
	[tilespmem:s12+$0x79F0] =	vst v5  }
0xa1: {  	[tilespmem:s12+$0x7840] =	vst v0;
	v0 =	vld [tilespmem:s12+$0x17890]  }
0xa2: {  	[tilespmem:s12+$0x7850] =	vst v1;
	v1 =	vld [tilespmem:s12+$0x178A0]  }
0xa3: {  	[tilespmem:s12+$0x7860] =	vst v2;
	v2 =	vld [tilespmem:s12+$0x178B0]  }
0xa4: {  	[tilespmem:s12+$0x7870] =	vst v3;
	v3 =	vld [tilespmem:s12+$0x17900]  }
0xa5: {  	[tilespmem:s12+$0x78C0] =	vst v4;
	v4 =	vld [tilespmem:s12+$0x17910]  }
0xa6: {  	[tilespmem:s12+$0x78D0] =	vst v0;
	v0 =	vld [tilespmem:s12+$0x17920]  }
0xa7: {  	[tilespmem:s12+$0x78E0] =	vst v1;
	v1 =	vld [tilespmem:s12+$0x17930]  }
0xa8: {  	[tilespmem:s12+$0x78F0] =	vst v2;
	v2 =	vld [tilespmem:s12+$0x17980]  }
0xa9: {  	[tilespmem:s12+$0x7940] =	vst v3;
	v3 =	vld [tilespmem:s12+$0x17990]  }
0xaa: {  	[tilespmem:s12+$0x7950] =	vst v4;
	v4 =	vld [tilespmem:s12+$0x179A0]  }
0xab: {  	[tilespmem:s12+$0x7960] =	vst v0  }
0xac: {  	s1 =	sadd.s32 s5, s9;
	[tilespmem:s12+$0x7970] =	vst v1  }
0xad: {  	s1 =	sshll.u32 s1, $0xB;
	[tilespmem:s12+$0x79C0] =	vst v2  }
0xae: {  	s1 =	sand.u32 $0x1FFFF800, s1;
	[tilespmem:s12+$0x79D0] =	vst v3  }
0xaf: {  	s1 =	sadd.s32 s0, s1;
	[tilespmem:s12+$0x79E0] =	vst v4;
	s12 =	simm.s32 $0x0  }
0xb0: {  	[hbm4b:s1+s12] =	stream.linear.scatter [tilespmem:s17], [sflag:$0x8], $0x4000, $0x38;
	[tilespmem:$0x1EA00] =	vst v63  }
0xb1: {  	s9 =	sshll.u32 s6, $0xB;
	_ =	swait.ge [sflag:s26], $0x4000  }
0xb2: {  	s10 =	sadd.s32 $0x800, s9;
	[sflag:s26] =	ssyncset.done $0x0  }
0xb3: {  	s10 =	sshrl.u32 s10, $0x2;
	[sflag:s26] =	ssyncadd.s32 $0xFFFFC000  }
0xb4: {  	[tilespmem:s16], [sflag:$0x1] =	stream.indirect.gather [hbm4b:s4+s15], $0x80, s10, s15, $0xb8;
	[tilespmem:$0x1EA00] =	vst v63  }
0xb5: {  	s12 =	sadd.s32 $0x1C00, s11  }
0xb6: {  	[tilespmem:s20], [sflag:$0x6] =	stream.indirect.gather [spmem:s2], $0x80, s12, s15, $0xb8;
	[tilespmem:$0x1EA00] =	vst v63  }
0xb7: {  	_ =	swait.ge [sflag:s28], $0x4000  }
0xb8: {  	[sflag:s28] =	ssyncset.done $0x0  }
0xb9: {  	[sflag:s28] =	ssyncadd.s32 $0xFFFFC000  }
0xba: {  	_ =	swait.ge [sflag:s22], $0x4000  }
0xbb: {  	[sflag:s22] =	ssyncset.done $0x0  }
0xbc: {  	s11 =	simm.s32 $0x0;
	[sflag:s22] =	ssyncadd.s32 $0xFFFFC000  }
0xbd: {  	v0 =	vld [tilespmem:s11+$0x139B0]  }
0xbe: {  	v1 =	vld [tilespmem:s11+$0x13800]  }
0xbf: {  	v2 =	vld [tilespmem:s11+$0x13810]  }
0xc0: {  	v3 =	vld [tilespmem:s11+$0x13820]  }
0xc1: {  	v4 =	vld [tilespmem:s11+$0x13830]  }
0xc2: {  	v5 =	vld [tilespmem:s11+$0x13880];
	[tilespmem:s11+$0xB9F0] =	vst v0  }
0xc3: {  	[tilespmem:s11+$0xB840] =	vst v1;
	v0 =	vld [tilespmem:s11+$0x13890]  }
0xc4: {  	[tilespmem:s11+$0xB850] =	vst v2;
	v1 =	vld [tilespmem:s11+$0x138A0]  }
0xc5: {  	[tilespmem:s11+$0xB860] =	vst v3;
	v2 =	vld [tilespmem:s11+$0x138B0]  }
0xc6: {  	[tilespmem:s11+$0xB870] =	vst v4;
	v3 =	vld [tilespmem:s11+$0x13900]  }
0xc7: {  	[tilespmem:s11+$0xB8C0] =	vst v5;
	v4 =	vld [tilespmem:s11+$0x13910]  }
0xc8: {  	[tilespmem:s11+$0xB8D0] =	vst v0;
	v0 =	vld [tilespmem:s11+$0x13920]  }
0xc9: {  	[tilespmem:s11+$0xB8E0] =	vst v1;
	v1 =	vld [tilespmem:s11+$0x13930]  }
0xca: {  	[tilespmem:s11+$0xB8F0] =	vst v2;
	v2 =	vld [tilespmem:s11+$0x13980]  }
0xcb: {  	[tilespmem:s11+$0xB940] =	vst v3;
	v3 =	vld [tilespmem:s11+$0x13990]  }
0xcc: {  	s1 =	simm.s32 $0x1000;
	s12 =	simm.s32 $0x200;
	[tilespmem:s11+$0xB950] =	vst v4;
	v4 =	vld [tilespmem:s11+$0x139A0]  }
.LBB2_7:
0xcd: {  	p1 =	sne.s32 s1, $0xF800;
	v5 =	vld [tilespmem:s12+$0x139B0];
	[tilespmem:s11+$0xB960] =	vst v0  }
0xce: {  	v0 =	vld [tilespmem:s12+$0x13800];
	[tilespmem:s11+$0xB970] =	vst v1  }
0xcf: {  	v1 =	vld [tilespmem:s12+$0x13810];
	[tilespmem:s11+$0xB9C0] =	vst v2  }
0xd0: {  	v2 =	vld [tilespmem:s12+$0x13820];
	[tilespmem:s11+$0xB9D0] =	vst v3  }
0xd1: {  	v3 =	vld [tilespmem:s12+$0x13830];
	[tilespmem:s11+$0xB9E0] =	vst v4;
	s11 =	smov.u32 s12  }
0xd2: {  	v4 =	vld [tilespmem:s11+$0x13880];
	[tilespmem:s11+$0xB9F0] =	vst v5  }
0xd3: {  	[tilespmem:s11+$0xB840] =	vst v0;
	v0 =	vld [tilespmem:s11+$0x13890]  }
0xd4: {  	[tilespmem:s11+$0xB850] =	vst v1;
	v1 =	vld [tilespmem:s11+$0x138A0]  }
0xd5: {  	[tilespmem:s11+$0xB860] =	vst v2;
	v2 =	vld [tilespmem:s11+$0x138B0]  }
0xd6: {  	[tilespmem:s11+$0xB870] =	vst v3;
	v3 =	vld [tilespmem:s11+$0x13900]  }
0xd7: {  	[tilespmem:s11+$0xB8C0] =	vst v4;
	v4 =	vld [tilespmem:s11+$0x13910]  }
.Ltmp2:
0xd8: {  	[tilespmem:s11+$0xB8D0] =	vst v0;
	v0 =	vld [tilespmem:s11+$0x13920];
	(pc) =	sbr.rel @p1 .LBB2_7-.Ltmp2, $4  }
0xd9: {  	[tilespmem:s11+$0xB8E0] =	vst v1;
	v1 =	vld [tilespmem:s11+$0x13930]  }
0xda: {  	[tilespmem:s11+$0xB8F0] =	vst v2;
	v2 =	vld [tilespmem:s11+$0x13980]  }
0xdb: {  	[tilespmem:s11+$0xB940] =	vst v3;
	v3 =	vld [tilespmem:s11+$0x13990]  }
0xdc: {  	s12 =	sshra.s32 s1, $0x2;
	s1 =	sadd.s32 $0x800, s1;
	[tilespmem:s11+$0xB950] =	vst v4;
	v4 =	vld [tilespmem:s11+$0x139A0]  }
0xdd: {  	v5 =	vld [tilespmem:s12+$0x139B0];
	[tilespmem:s11+$0xB960] =	vst v0  }
0xde: {  	v0 =	vld [tilespmem:s12+$0x13800];
	[tilespmem:s11+$0xB970] =	vst v1  }
0xdf: {  	v1 =	vld [tilespmem:s12+$0x13810];
	[tilespmem:s11+$0xB9C0] =	vst v2  }
0xe0: {  	v2 =	vld [tilespmem:s12+$0x13820];
	[tilespmem:s11+$0xB9D0] =	vst v3  }
0xe1: {  	v3 =	vld [tilespmem:s12+$0x13830];
	[tilespmem:s11+$0xB9E0] =	vst v4  }
0xe2: {  	v4 =	vld [tilespmem:s12+$0x13880];
	[tilespmem:s12+$0xB9F0] =	vst v5  }
0xe3: {  	[tilespmem:s12+$0xB840] =	vst v0;
	v0 =	vld [tilespmem:s12+$0x13890]  }
0xe4: {  	[tilespmem:s12+$0xB850] =	vst v1;
	v1 =	vld [tilespmem:s12+$0x138A0]  }
0xe5: {  	[tilespmem:s12+$0xB860] =	vst v2;
	v2 =	vld [tilespmem:s12+$0x138B0]  }
0xe6: {  	[tilespmem:s12+$0xB870] =	vst v3;
	v3 =	vld [tilespmem:s12+$0x13900]  }
0xe7: {  	[tilespmem:s12+$0xB8C0] =	vst v4;
	v4 =	vld [tilespmem:s12+$0x13910]  }
0xe8: {  	[tilespmem:s12+$0xB8D0] =	vst v0;
	v0 =	vld [tilespmem:s12+$0x13920]  }
0xe9: {  	[tilespmem:s12+$0xB8E0] =	vst v1;
	v1 =	vld [tilespmem:s12+$0x13930]  }
0xea: {  	[tilespmem:s12+$0xB8F0] =	vst v2;
	v2 =	vld [tilespmem:s12+$0x13980]  }
0xeb: {  	[tilespmem:s12+$0xB940] =	vst v3;
	v3 =	vld [tilespmem:s12+$0x13990]  }
0xec: {  	[tilespmem:s12+$0xB950] =	vst v4;
	v4 =	vld [tilespmem:s12+$0x139A0]  }
0xed: {  	[tilespmem:s12+$0xB960] =	vst v0  }
0xee: {  	s1 =	sadd.s32 s5, s7;
	[tilespmem:s12+$0xB970] =	vst v1  }
0xef: {  	s1 =	sshll.u32 s1, $0xB;
	[tilespmem:s12+$0xB9C0] =	vst v2  }
0xf0: {  	s1 =	sand.u32 $0x1FFFF000, s1;
	[tilespmem:s12+$0xB9D0] =	vst v3  }
0xf1: {  	s1 =	sadd.s32 s0, s1;
	[tilespmem:s12+$0xB9E0] =	vst v4;
	s12 =	simm.s32 $0x0  }
0xf2: {  	[hbm4b:s1+s12] =	stream.linear.scatter [tilespmem:s19], [sflag:$0x9], $0x4000, $0x38;
	[tilespmem:$0x1EA00] =	vst v63  }
0xf3: {  	_ =	swait.ge [sflag:s29], $0x4000  }
0xf4: {  	s11 =	sshrl.u32 s9, $0x2;
	[sflag:s29] =	ssyncset.done $0x0  }
0xf5: {  	s1 =	sadd.s32 $0x280, s11;
	[sflag:s29] =	ssyncadd.s32 $0xFFFFC000  }
0xf6: {  	[tilespmem:s17], [sflag:$0x2] =	stream.indirect.gather [hbm4b:s4+s15], $0x80, s1, s15, $0xb8;
	[tilespmem:$0x1EA00] =	vst v63  }
0xf7: {  	s12 =	sadd.s32 $0x1C00, s10  }
0xf8: {  	[tilespmem:s18], [sflag:$0x5] =	stream.indirect.gather [spmem:s2], $0x80, s12, s15, $0xb8;
	[tilespmem:$0x1EA00] =	vst v63  }
0xf9: {  	_ =	swait.ge [sflag:s30], $0x4000  }
0xfa: {  	[sflag:s30] =	ssyncset.done $0x0  }
0xfb: {  	[sflag:s30] =	ssyncadd.s32 $0xFFFFC000  }
0xfc: {  	_ =	swait.ge [sflag:s25], $0x4000  }
0xfd: {  	[sflag:s25] =	ssyncset.done $0x0  }
0xfe: {  	s7 =	simm.s32 $0x0;
	[sflag:s25] =	ssyncadd.s32 $0xFFFFC000  }
0xff: {  	v0 =	vld [tilespmem:s7+$0x179B0]  }
0x100: {  	v1 =	vld [tilespmem:s7+$0x17800]  }
0x101: {  	v2 =	vld [tilespmem:s7+$0x17810]  }
0x102: {  	v3 =	vld [tilespmem:s7+$0x17820]  }
0x103: {  	v4 =	vld [tilespmem:s7+$0x17830]  }
0x104: {  	v5 =	vld [tilespmem:s7+$0x17880];
	[tilespmem:s7+$0xF9F0] =	vst v0  }
0x105: {  	[tilespmem:s7+$0xF840] =	vst v1;
	v0 =	vld [tilespmem:s7+$0x17890]  }
0x106: {  	[tilespmem:s7+$0xF850] =	vst v2;
	v1 =	vld [tilespmem:s7+$0x178A0]  }
0x107: {  	[tilespmem:s7+$0xF860] =	vst v3;
	v2 =	vld [tilespmem:s7+$0x178B0]  }
0x108: {  	[tilespmem:s7+$0xF870] =	vst v4;
	v3 =	vld [tilespmem:s7+$0x17900]  }
0x109: {  	[tilespmem:s7+$0xF8C0] =	vst v5;
	v4 =	vld [tilespmem:s7+$0x17910]  }
0x10a: {  	[tilespmem:s7+$0xF8D0] =	vst v0;
	v0 =	vld [tilespmem:s7+$0x17920]  }
0x10b: {  	[tilespmem:s7+$0xF8E0] =	vst v1;
	v1 =	vld [tilespmem:s7+$0x17930]  }
0x10c: {  	[tilespmem:s7+$0xF8F0] =	vst v2;
	v2 =	vld [tilespmem:s7+$0x17980]  }
0x10d: {  	[tilespmem:s7+$0xF940] =	vst v3;
	v3 =	vld [tilespmem:s7+$0x17990]  }
0x10e: {  	s9 =	simm.s32 $0x200;
	s1 =	simm.s32 $0x1000;
	[tilespmem:s7+$0xF950] =	vst v4;
	v4 =	vld [tilespmem:s7+$0x179A0]  }
.LBB2_9:
0x10f: {  	p1 =	sne.s32 s1, $0xF800;
	v5 =	vld [tilespmem:s9+$0x179B0];
	[tilespmem:s7+$0xF960] =	vst v0  }
0x110: {  	v0 =	vld [tilespmem:s9+$0x17800];
	[tilespmem:s7+$0xF970] =	vst v1  }
0x111: {  	v1 =	vld [tilespmem:s9+$0x17810];
	[tilespmem:s7+$0xF9C0] =	vst v2  }
0x112: {  	v2 =	vld [tilespmem:s9+$0x17820];
	[tilespmem:s7+$0xF9D0] =	vst v3  }
0x113: {  	v3 =	vld [tilespmem:s9+$0x17830];
	[tilespmem:s7+$0xF9E0] =	vst v4;
	s7 =	smov.u32 s9  }
0x114: {  	v4 =	vld [tilespmem:s7+$0x17880];
	[tilespmem:s7+$0xF9F0] =	vst v5  }
0x115: {  	[tilespmem:s7+$0xF840] =	vst v0;
	v0 =	vld [tilespmem:s7+$0x17890]  }
0x116: {  	[tilespmem:s7+$0xF850] =	vst v1;
	v1 =	vld [tilespmem:s7+$0x178A0]  }
0x117: {  	[tilespmem:s7+$0xF860] =	vst v2;
	v2 =	vld [tilespmem:s7+$0x178B0]  }
0x118: {  	[tilespmem:s7+$0xF870] =	vst v3;
	v3 =	vld [tilespmem:s7+$0x17900]  }
0x119: {  	[tilespmem:s7+$0xF8C0] =	vst v4;
	v4 =	vld [tilespmem:s7+$0x17910]  }
.Ltmp3:
0x11a: {  	[tilespmem:s7+$0xF8D0] =	vst v0;
	v0 =	vld [tilespmem:s7+$0x17920];
	(pc) =	sbr.rel @p1 .LBB2_9-.Ltmp3, $4  }
0x11b: {  	[tilespmem:s7+$0xF8E0] =	vst v1;
	v1 =	vld [tilespmem:s7+$0x17930]  }
0x11c: {  	[tilespmem:s7+$0xF8F0] =	vst v2;
	v2 =	vld [tilespmem:s7+$0x17980]  }
0x11d: {  	[tilespmem:s7+$0xF940] =	vst v3;
	v3 =	vld [tilespmem:s7+$0x17990]  }
0x11e: {  	s9 =	sshra.s32 s1, $0x2;
	s1 =	sadd.s32 $0x800, s1;
	[tilespmem:s7+$0xF950] =	vst v4;
	v4 =	vld [tilespmem:s7+$0x179A0]  }
0x11f: {  	v5 =	vld [tilespmem:s9+$0x179B0];
	[tilespmem:s7+$0xF960] =	vst v0  }
0x120: {  	v0 =	vld [tilespmem:s9+$0x17800];
	[tilespmem:s7+$0xF970] =	vst v1  }
0x121: {  	v1 =	vld [tilespmem:s9+$0x17810];
	[tilespmem:s7+$0xF9C0] =	vst v2  }
0x122: {  	v2 =	vld [tilespmem:s9+$0x17820];
	[tilespmem:s7+$0xF9D0] =	vst v3  }
0x123: {  	v3 =	vld [tilespmem:s9+$0x17830];
	[tilespmem:s7+$0xF9E0] =	vst v4  }
0x124: {  	v4 =	vld [tilespmem:s9+$0x17880];
	[tilespmem:s9+$0xF9F0] =	vst v5  }
0x125: {  	v54 =	vld [tilespmem:s9+$0x17890];
	[tilespmem:s9+$0xF840] =	vst v0  }
0x126: {  	v55 =	vld [tilespmem:s9+$0x178A0];
	[tilespmem:s9+$0xF850] =	vst v1  }
0x127: {  	v56 =	vld [tilespmem:s9+$0x178B0];
	[tilespmem:s9+$0xF860] =	vst v2  }
0x128: {  	v57 =	vld [tilespmem:s9+$0x17900];
	[tilespmem:s9+$0xF870] =	vst v3  }
0x129: {  	v58 =	vld [tilespmem:s9+$0x17910];
	[tilespmem:s9+$0xF8C0] =	vst v4  }
0x12a: {  	v59 =	vld [tilespmem:s9+$0x17920];
	[tilespmem:s9+$0xF8D0] =	vst v54  }
0x12b: {  	v60 =	vld [tilespmem:s9+$0x17930];
	[tilespmem:s9+$0xF8E0] =	vst v55  }
0x12c: {  	v61 =	vld [tilespmem:s9+$0x17980];
	[tilespmem:s9+$0xF8F0] =	vst v56  }
0x12d: {  	v62 =	vld [tilespmem:s9+$0x17990];
	[tilespmem:s9+$0xF940] =	vst v57  }
0x12e: {  	s6 =	sadd.s32 $0x1, s6;
	v63 =	vld [tilespmem:s9+$0x179A0];
	[tilespmem:s9+$0xF950] =	vst v58  }
0x12f: {  	p1 =	sne.s32 s6, $0xC;
	[tilespmem:s9+$0xF960] =	vst v59  }
.Ltmp4:
0x130: {  	s1 =	sadd.s32 s5, s8;
	[tilespmem:s9+$0xF970] =	vst v60;
	(pc) =	sbr.rel @p1 .LBB2_2-.Ltmp4, $4  }
0x131: {  	s1 =	sshll.u32 s1, $0xB;
	[tilespmem:s9+$0xF9C0] =	vst v61  }
0x132: {  	s1 =	sand.u32 $0x1FFFF800, s1;
	[tilespmem:s9+$0xF9D0] =	vst v62  }
0x133: {  	s1 =	sadd.s32 s0, s1;
	[tilespmem:s9+$0xF9E0] =	vst v63  }
0x134: {  	[hbm4b:s1+s3] =	stream.linear.scatter [tilespmem:s23], [sflag:$0xA], $0x4000, $0x38;
	[tilespmem:$0x1EA00] =	vst v63  }
0x135: {  	s1 =	simm.s32 $0x3480  }
0x136: {  	[tilespmem:s20], [sflag:$0x6] =	stream.indirect.gather [spmem:s2], $0x80, s1, s15, $0xb8;
	[tilespmem:$0x1EA00] =	vst v63  }
0x137: {  	_ =	swait.ge [sflag:s21], $0x4000  }
0x138: {  	[sflag:s21] =	ssyncset.done $0x0  }
0x139: {  	[sflag:s21] =	ssyncadd.s32 $0xFFFFC000  }
0x13a: {  	_ =	swait.ge [sflag:s22], $0x4000  }
0x13b: {  	[sflag:s22] =	ssyncset.done $0x0  }
0x13c: {  	s6 =	simm.s32 $0x0;
	[sflag:s22] =	ssyncadd.s32 $0xFFFFC000  }
0x13d: {  	v0 =	vld [tilespmem:s6+$0x139B0]  }
0x13e: {  	v1 =	vld [tilespmem:s6+$0x13800]  }
0x13f: {  	v2 =	vld [tilespmem:s6+$0x13810]  }
0x140: {  	v3 =	vld [tilespmem:s6+$0x13820]  }
0x141: {  	v4 =	vld [tilespmem:s6+$0x13830]  }
0x142: {  	v5 =	vld [tilespmem:s6+$0x13880];
	[tilespmem:s6+$0x39F0] =	vst v0  }
0x143: {  	[tilespmem:s6+$0x3840] =	vst v1;
	v0 =	vld [tilespmem:s6+$0x13890]  }
0x144: {  	[tilespmem:s6+$0x3850] =	vst v2;
	v1 =	vld [tilespmem:s6+$0x138A0]  }
0x145: {  	[tilespmem:s6+$0x3860] =	vst v3;
	v2 =	vld [tilespmem:s6+$0x138B0]  }
0x146: {  	[tilespmem:s6+$0x3870] =	vst v4;
	v3 =	vld [tilespmem:s6+$0x13900]  }
0x147: {  	[tilespmem:s6+$0x38C0] =	vst v5;
	v4 =	vld [tilespmem:s6+$0x13910]  }
0x148: {  	[tilespmem:s6+$0x38D0] =	vst v0;
	v0 =	vld [tilespmem:s6+$0x13920]  }
0x149: {  	[tilespmem:s6+$0x38E0] =	vst v1;
	v1 =	vld [tilespmem:s6+$0x13930]  }
0x14a: {  	[tilespmem:s6+$0x38F0] =	vst v2;
	v2 =	vld [tilespmem:s6+$0x13980]  }
0x14b: {  	[tilespmem:s6+$0x3940] =	vst v3;
	v3 =	vld [tilespmem:s6+$0x13990]  }
0x14c: {  	s7 =	simm.s32 $0x200;
	s1 =	simm.s32 $0x1000;
	[tilespmem:s6+$0x3950] =	vst v4;
	v4 =	vld [tilespmem:s6+$0x139A0]  }
.LBB2_12:
0x14d: {  	p1 =	sne.s32 s1, $0xF800;
	v5 =	vld [tilespmem:s7+$0x139B0];
	[tilespmem:s6+$0x3960] =	vst v0  }
0x14e: {  	v0 =	vld [tilespmem:s7+$0x13800];
	[tilespmem:s6+$0x3970] =	vst v1  }
0x14f: {  	v1 =	vld [tilespmem:s7+$0x13810];
	[tilespmem:s6+$0x39C0] =	vst v2  }
0x150: {  	v2 =	vld [tilespmem:s7+$0x13820];
	[tilespmem:s6+$0x39D0] =	vst v3  }
0x151: {  	v3 =	vld [tilespmem:s7+$0x13830];
	[tilespmem:s6+$0x39E0] =	vst v4;
	s6 =	smov.u32 s7  }
0x152: {  	v4 =	vld [tilespmem:s6+$0x13880];
	[tilespmem:s6+$0x39F0] =	vst v5  }
0x153: {  	[tilespmem:s6+$0x3840] =	vst v0;
	v0 =	vld [tilespmem:s6+$0x13890]  }
0x154: {  	[tilespmem:s6+$0x3850] =	vst v1;
	v1 =	vld [tilespmem:s6+$0x138A0]  }
0x155: {  	[tilespmem:s6+$0x3860] =	vst v2;
	v2 =	vld [tilespmem:s6+$0x138B0]  }
0x156: {  	[tilespmem:s6+$0x3870] =	vst v3;
	v3 =	vld [tilespmem:s6+$0x13900]  }
0x157: {  	[tilespmem:s6+$0x38C0] =	vst v4;
	v4 =	vld [tilespmem:s6+$0x13910]  }
.Ltmp5:
0x158: {  	[tilespmem:s6+$0x38D0] =	vst v0;
	v0 =	vld [tilespmem:s6+$0x13920];
	(pc) =	sbr.rel @p1 .LBB2_12-.Ltmp5, $4  }
0x159: {  	[tilespmem:s6+$0x38E0] =	vst v1;
	v1 =	vld [tilespmem:s6+$0x13930]  }
0x15a: {  	[tilespmem:s6+$0x38F0] =	vst v2;
	v2 =	vld [tilespmem:s6+$0x13980]  }
0x15b: {  	[tilespmem:s6+$0x3940] =	vst v3;
	v3 =	vld [tilespmem:s6+$0x13990]  }
0x15c: {  	s7 =	sshra.s32 s1, $0x2;
	s1 =	sadd.s32 $0x800, s1;
	[tilespmem:s6+$0x3950] =	vst v4;
	v4 =	vld [tilespmem:s6+$0x139A0]  }
0x15d: {  	v5 =	vld [tilespmem:s7+$0x139B0];
	[tilespmem:s6+$0x3960] =	vst v0  }
0x15e: {  	v0 =	vld [tilespmem:s7+$0x13800];
	[tilespmem:s6+$0x3970] =	vst v1  }
0x15f: {  	v1 =	vld [tilespmem:s7+$0x13810];
	[tilespmem:s6+$0x39C0] =	vst v2  }
0x160: {  	v2 =	vld [tilespmem:s7+$0x13820];
	[tilespmem:s6+$0x39D0] =	vst v3  }
0x161: {  	v3 =	vld [tilespmem:s7+$0x13830];
	[tilespmem:s6+$0x39E0] =	vst v4  }
0x162: {  	v4 =	vld [tilespmem:s7+$0x13880];
	[tilespmem:s7+$0x39F0] =	vst v5  }
0x163: {  	[tilespmem:s7+$0x3840] =	vst v0;
	v0 =	vld [tilespmem:s7+$0x13890]  }
0x164: {  	[tilespmem:s7+$0x3850] =	vst v1;
	v1 =	vld [tilespmem:s7+$0x138A0]  }
0x165: {  	[tilespmem:s7+$0x3860] =	vst v2;
	v2 =	vld [tilespmem:s7+$0x138B0]  }
0x166: {  	[tilespmem:s7+$0x3870] =	vst v3;
	v3 =	vld [tilespmem:s7+$0x13900]  }
0x167: {  	[tilespmem:s7+$0x38C0] =	vst v4;
	v4 =	vld [tilespmem:s7+$0x13910]  }
0x168: {  	[tilespmem:s7+$0x38D0] =	vst v0;
	v0 =	vld [tilespmem:s7+$0x13920]  }
0x169: {  	[tilespmem:s7+$0x38E0] =	vst v1;
	v1 =	vld [tilespmem:s7+$0x13930]  }
0x16a: {  	[tilespmem:s7+$0x38F0] =	vst v2;
	v2 =	vld [tilespmem:s7+$0x13980]  }
0x16b: {  	[tilespmem:s7+$0x3940] =	vst v3;
	v3 =	vld [tilespmem:s7+$0x13990]  }
0x16c: {  	[tilespmem:s7+$0x3950] =	vst v4;
	v4 =	vld [tilespmem:s7+$0x139A0]  }
0x16d: {  	[tilespmem:s7+$0x3960] =	vst v0  }
0x16e: {  	[tilespmem:s7+$0x3970] =	vst v1  }
0x16f: {  	[tilespmem:s7+$0x39C0] =	vst v2  }
0x170: {  	[tilespmem:s7+$0x39D0] =	vst v3  }
0x171: {  	s1 =	simm.s32 $0x0;
	s12 =	rddreg [dreg:$0x7];
	[tilespmem:s7+$0x39E0] =	vst v4  }
0x172: {  	[hbm4b:s12+s1] =	stream.linear.scatter [tilespmem:s16], [sflag:$0x7], $0x4000, $0x38;
	[tilespmem:$0x1EA00] =	vst v63  }
0x173: {  	_ =	swait.ge [sflag:s24], $0x4000  }
0x174: {  	[sflag:s24] =	ssyncset.done $0x0  }
0x175: {  	[sflag:s24] =	ssyncadd.s32 $0xFFFFC000  }
0x176: {  	_ =	swait.ge [sflag:s25], $0x4000  }
0x177: {  	[sflag:s25] =	ssyncset.done $0x0  }
0x178: {  	s6 =	simm.s32 $0x0;
	[sflag:s25] =	ssyncadd.s32 $0xFFFFC000  }
0x179: {  	v0 =	vld [tilespmem:s6+$0x179B0]  }
0x17a: {  	v1 =	vld [tilespmem:s6+$0x17800]  }
0x17b: {  	v2 =	vld [tilespmem:s6+$0x17810]  }
0x17c: {  	v3 =	vld [tilespmem:s6+$0x17820]  }
0x17d: {  	v4 =	vld [tilespmem:s6+$0x17830]  }
0x17e: {  	v5 =	vld [tilespmem:s6+$0x17880];
	[tilespmem:s6+$0x79F0] =	vst v0  }
0x17f: {  	[tilespmem:s6+$0x7840] =	vst v1;
	v0 =	vld [tilespmem:s6+$0x17890]  }
0x180: {  	[tilespmem:s6+$0x7850] =	vst v2;
	v1 =	vld [tilespmem:s6+$0x178A0]  }
0x181: {  	[tilespmem:s6+$0x7860] =	vst v3;
	v2 =	vld [tilespmem:s6+$0x178B0]  }
0x182: {  	[tilespmem:s6+$0x7870] =	vst v4;
	v3 =	vld [tilespmem:s6+$0x17900]  }
0x183: {  	[tilespmem:s6+$0x78C0] =	vst v5;
	v4 =	vld [tilespmem:s6+$0x17910]  }
0x184: {  	[tilespmem:s6+$0x78D0] =	vst v0;
	v0 =	vld [tilespmem:s6+$0x17920]  }
0x185: {  	[tilespmem:s6+$0x78E0] =	vst v1;
	v1 =	vld [tilespmem:s6+$0x17930]  }
0x186: {  	[tilespmem:s6+$0x78F0] =	vst v2;
	v2 =	vld [tilespmem:s6+$0x17980]  }
0x187: {  	[tilespmem:s6+$0x7940] =	vst v3;
	v3 =	vld [tilespmem:s6+$0x17990]  }
0x188: {  	s7 =	simm.s32 $0x200;
	s1 =	simm.s32 $0x1000;
	[tilespmem:s6+$0x7950] =	vst v4;
	v4 =	vld [tilespmem:s6+$0x179A0]  }
.LBB2_14:
0x189: {  	p1 =	sne.s32 s1, $0xF800;
	v5 =	vld [tilespmem:s7+$0x179B0];
	[tilespmem:s6+$0x7960] =	vst v0  }
0x18a: {  	v0 =	vld [tilespmem:s7+$0x17800];
	[tilespmem:s6+$0x7970] =	vst v1  }
0x18b: {  	v1 =	vld [tilespmem:s7+$0x17810];
	[tilespmem:s6+$0x79C0] =	vst v2  }
0x18c: {  	v2 =	vld [tilespmem:s7+$0x17820];
	[tilespmem:s6+$0x79D0] =	vst v3  }
0x18d: {  	v3 =	vld [tilespmem:s7+$0x17830];
	[tilespmem:s6+$0x79E0] =	vst v4;
	s6 =	smov.u32 s7  }
0x18e: {  	v4 =	vld [tilespmem:s6+$0x17880];
	[tilespmem:s6+$0x79F0] =	vst v5  }
0x18f: {  	[tilespmem:s6+$0x7840] =	vst v0;
	v0 =	vld [tilespmem:s6+$0x17890]  }
0x190: {  	[tilespmem:s6+$0x7850] =	vst v1;
	v1 =	vld [tilespmem:s6+$0x178A0]  }
0x191: {  	[tilespmem:s6+$0x7860] =	vst v2;
	v2 =	vld [tilespmem:s6+$0x178B0]  }
0x192: {  	[tilespmem:s6+$0x7870] =	vst v3;
	v3 =	vld [tilespmem:s6+$0x17900]  }
0x193: {  	[tilespmem:s6+$0x78C0] =	vst v4;
	v4 =	vld [tilespmem:s6+$0x17910]  }
.Ltmp6:
0x194: {  	[tilespmem:s6+$0x78D0] =	vst v0;
	v0 =	vld [tilespmem:s6+$0x17920];
	(pc) =	sbr.rel @p1 .LBB2_14-.Ltmp6, $4  }
0x195: {  	[tilespmem:s6+$0x78E0] =	vst v1;
	v1 =	vld [tilespmem:s6+$0x17930]  }
0x196: {  	[tilespmem:s6+$0x78F0] =	vst v2;
	v2 =	vld [tilespmem:s6+$0x17980]  }
0x197: {  	[tilespmem:s6+$0x7940] =	vst v3;
	v3 =	vld [tilespmem:s6+$0x17990]  }
0x198: {  	s7 =	sshra.s32 s1, $0x2;
	s1 =	sadd.s32 $0x800, s1;
	[tilespmem:s6+$0x7950] =	vst v4;
	v4 =	vld [tilespmem:s6+$0x179A0]  }
0x199: {  	v5 =	vld [tilespmem:s7+$0x179B0];
	[tilespmem:s6+$0x7960] =	vst v0  }
0x19a: {  	v0 =	vld [tilespmem:s7+$0x17800];
	[tilespmem:s6+$0x7970] =	vst v1  }
0x19b: {  	v1 =	vld [tilespmem:s7+$0x17810];
	[tilespmem:s6+$0x79C0] =	vst v2  }
0x19c: {  	v2 =	vld [tilespmem:s7+$0x17820];
	[tilespmem:s6+$0x79D0] =	vst v3  }
0x19d: {  	v3 =	vld [tilespmem:s7+$0x17830];
	[tilespmem:s6+$0x79E0] =	vst v4  }
0x19e: {  	v4 =	vld [tilespmem:s7+$0x17880];
	[tilespmem:s7+$0x79F0] =	vst v5  }
0x19f: {  	v54 =	vld [tilespmem:s7+$0x17890];
	[tilespmem:s7+$0x7840] =	vst v0  }
0x1a0: {  	v55 =	vld [tilespmem:s7+$0x178A0];
	[tilespmem:s7+$0x7850] =	vst v1  }
0x1a1: {  	v56 =	vld [tilespmem:s7+$0x178B0];
	[tilespmem:s7+$0x7860] =	vst v2  }
0x1a2: {  	v57 =	vld [tilespmem:s7+$0x17900];
	[tilespmem:s7+$0x7870] =	vst v3  }
0x1a3: {  	v58 =	vld [tilespmem:s7+$0x17910];
	[tilespmem:s7+$0x78C0] =	vst v4  }
0x1a4: {  	v59 =	vld [tilespmem:s7+$0x17920];
	[tilespmem:s7+$0x78D0] =	vst v54  }
0x1a5: {  	v60 =	vld [tilespmem:s7+$0x17930];
	[tilespmem:s7+$0x78E0] =	vst v55  }
0x1a6: {  	v61 =	vld [tilespmem:s7+$0x17980];
	[tilespmem:s7+$0x78F0] =	vst v56  }
0x1a7: {  	v62 =	vld [tilespmem:s7+$0x17990];
	[tilespmem:s7+$0x7940] =	vst v57  }
0x1a8: {  	v63 =	vld [tilespmem:s7+$0x179A0];
	[tilespmem:s7+$0x7950] =	vst v58  }
0x1a9: {  	[tilespmem:s7+$0x7960] =	vst v59  }
0x1aa: {  	[tilespmem:s7+$0x7970] =	vst v60  }
0x1ab: {  	[tilespmem:s7+$0x79C0] =	vst v61  }
0x1ac: {  	[tilespmem:s7+$0x79D0] =	vst v62  }
0x1ad: {  	s1 =	rddreg [dreg:$0x8];
	s11 =	simm.s32 $0x9;
	[tilespmem:s7+$0x79E0] =	vst v63  }
0x1ae: {  	[hbm4b:s1+s3] =	stream.linear.scatter [tilespmem:s17], [sflag:$0x8], $0x4000, $0x38;
	[tilespmem:$0x1EA00] =	vst v63  }
0x1af: {  	_ =	swait.ge [sflag:s11], $0x4000  }
0x1b0: {  	[sflag:s11] =	ssyncset.done $0x0  }
0x1b1: {  	[sflag:s11] =	ssyncadd.s32 $0xFFFFC000  }
0x1b2: {  	_ =	swait.ge [sflag:s31], $0x4000  }
0x1b3: {  	[sflag:s31] =	ssyncset.done $0x0  }
0x1b4: {  	[sflag:s31] =	ssyncadd.s32 $0xFFFFC000  }
0x1b5: {  	_ =	swait.ge [sflag:s26], $0x4000  }
0x1b6: {  	[sflag:s26] =	ssyncset.done $0x0  }
0x1b7: {  	[sflag:s26] =	ssyncadd.s32 $0xFFFFC000  }
0x1b8: {  	_ =	swait.ge [sflag:s29], $0x4000  }
0x1b9: {  	s14 =	sadd.s32 $0x1, s14;
	s12 =	rddreg [dreg:$0x9]  }
0x1ba: {  	p1 =	sne.s32 s14, s12  }
.Ltmp7:
0x1bb: {  	_ = 	snop;
	(pc) =	sbr.rel @p1 .LBB2_1-.Ltmp7, $3  }
0x1bc: {  	_ =	sdelay $0x1  }
0x1bd: {  	[sflag:s29] =	ssyncset.done $0x0  }
0x1be: {  	[sflag:s29] =	ssyncadd.s32 $0xFFFFC000  }
0x1bf: {  	_ =	sfence.sel $0x180000  }
0x1c0: {  	[bflag:$0x0] =	sbarrier.arrive $0xFFFF  }
0x1c1: {  	_ =	strace $0x90000047  }
0x1c2: {  	[bflag:$0x2] =	sbarrier.arrive $0xFFFF  }
0x1c3: {  	s0 =	rddreg [dreg:$0x3]  }
0x1c4: {  	s0 =	sadd.s32 @!p0 $0x100000, s0  }
0x1c5: {  	[sflag:s0] =	ssyncadd.tile.s32 @!p0 $0x1;
	_ =	shalt  }
.Lfunc_end2:
_tile_overlayer_lowered:
.L_overlay_start_2:
0x1c6: {  	(tag) =	ssettag $0x2  }
0x1c7: {  	s0 =	rddreg [dreg:$0x0];
	s2 =	stileid.u32  }
0x1c8: {  	s1 =	rddreg [dreg:$0x1];
	p0 =	sne.s32 s2, $0x0  }
0x1c9: {  	s3 =	rddreg [dreg:$0x2];
	[bflag:$0x3] =	sbarrier.arrive $0xFFFF;
	s2 =	simm.s32 @!p0 $0x1C0B  }
0x1ca: {  	[timem:s3], [sflag:s2] =	dma.local @!p0 [hbm:s0], s1  }
0x1cb: {  	s0 =	simm.s32 @!p0 $0xB  }
0x1cc: {  	_ =	swait.ge @!p0 [sflag:s0], s1  }
0x1cd: {  	s1 =	ssub.s32 @!p0 $0x0, s1;
	[sflag:s0] =	ssyncset.done @!p0 $0x0  }
0x1ce: {  	[sflag:s0] =	ssyncadd.s32 @!p0 s1  }
0x1cf: {  	[bflag:$0x3] =	sbarrier.arrive $0xFFFF  }
0x1d0: {  	_ =	shalt  }

</sc_bundles>
